<compile_context>
chip_gen: v7x
topology: tpu7x:2x2x1
jax: 0.10.2.dev20260603
libtpu: 0.0.44.dev20260713+nightly
codegen_flags: <defaults>
</compile_context>

<pallas_src>
import functools

import jax
import jax.numpy as jnp
from jax import lax
from jax.experimental import pallas as pl
from jax.experimental.pallas import tpu as pltpu
from jax.experimental.pallas import tpu_sc as plsc

NC = 2
NS = 16
L = 16


def _edge_mm_body(ea_ref, we_ref, be_ref, out_ref):
    out_ref[...] = lax.dot_general(
        ea_ref[...], we_ref[...], (((0,), (0,)), ((), ())),
        preferred_element_type=jnp.float32) + be_ref[...]


def _edge_mm(edge_attr_t, We, be, row0, nrows):
    ED = edge_attr_t.shape[0]
    D = We.shape[1]
    BLK = 2560
    assert row0 % BLK == 0 and nrows % BLK == 0
    blk0 = row0 // BLK
    return pl.pallas_call(
        _edge_mm_body,
        grid=(nrows // BLK,),
        in_specs=[
            pl.BlockSpec((ED, BLK), lambda i: (0, i + blk0)),
            pl.BlockSpec((ED, D), lambda i: (0, 0)),
            pl.BlockSpec((1, D), lambda i: (0, 0)),
        ],
        out_specs=pl.BlockSpec((BLK, D), lambda i: (i, 0)),
        out_shape=jax.ShapeDtypeStruct((nrows, D), jnp.float32),
    )(edge_attr_t, We, be.reshape(1, D))


def _make_sc_scatter(N, D, NCHUNK, chained):
    NW = NC * NS
    C = 80
    EPW = NCHUNK * C
    RPT0 = (N // NS) // 8 * 8
    RPT_LAST = N - (NS - 1) * RPT0
    assert RPT_LAST % 8 == 0

    mesh = plsc.VectorSubcoreMesh(core_axis_name="c", subcore_axis_name="s")

    @functools.partial(
        pl.kernel,
        mesh=mesh,
        out_type=jax.ShapeDtypeStruct((NC, N, D), jnp.float32),
        scratch_types=[
            pltpu.VMEM((2, C), jnp.int32),
            pltpu.VMEM((2, C), jnp.int32),
            pltpu.VMEM((2, C, D), jnp.float32),
            pltpu.VMEM((2, C, D), jnp.float32),
            pltpu.VMEM_SHARED((N, D), jnp.float32),
            pltpu.SemaphoreType.DMA((2,)),
            pltpu.SemaphoreType.DMA((2,)),
            pltpu.SemaphoreType.DMA((2,)),
        ],
    )
    def sc_scatter(init_hbm, x_hbm, src_hbm, dst_hbm, rea_hbm, out_hbm,
                   srcb, dstb, rows2, ea2, acc_sh, gsem, esem, isem):
        c = lax.axis_index("c")
        s = lax.axis_index("s")
        w = c * NS + s
        base = w * EPW

        def start_sidx(j, b):
            pltpu.async_copy(src_hbm.at[w, j], srcb.at[b], isem.at[b])

        def wait_sidx(j, b):
            pltpu.make_async_copy(src_hbm.at[w, j], srcb.at[b],
                                  isem.at[b]).wait()

        def start_main(j, b):
            pltpu.async_copy(rea_hbm.at[pl.ds(base + j * C, C)], ea2.at[b],
                             esem.at[b])
            pltpu.async_copy(dst_hbm.at[w, j], dstb.at[b], esem.at[b])
            pltpu.async_copy(x_hbm.at[srcb.at[b]], rows2.at[b], gsem.at[b])

        def wait_main(j, b):
            pltpu.make_async_copy(rea_hbm.at[pl.ds(base + j * C, C)],
                                  ea2.at[b], esem.at[b]).wait()
            pltpu.make_async_copy(dst_hbm.at[w, j], dstb.at[b],
                                  esem.at[b]).wait()
            pltpu.make_async_copy(x_hbm.at[srcb.at[b]], rows2.at[b],
                                  gsem.at[b]).wait()

        start_sidx(0, 0)
        start_sidx(1, 1)

        def _init_src(r0, nr):
            if chained:
                return init_hbm.at[c, pl.ds(r0, nr)]
            return init_hbm.at[pl.ds(r0, nr)]

        @pl.when(s < NS - 1)
        def _():
            pltpu.sync_copy(_init_src(s * RPT0, RPT0),
                            acc_sh.at[pl.ds(s * RPT0, RPT0)])

        @pl.when(s == NS - 1)
        def _():
            pltpu.sync_copy(_init_src(s * RPT0, RPT_LAST),
                            acc_sh.at[pl.ds(s * RPT0, RPT_LAST)])

        plsc.subcore_barrier()

        wait_sidx(0, 0)
        start_main(0, 0)

        def chunk_body(i, carry):
            b = lax.rem(i, 2)
            nb = 1 - b

            @pl.when(i + 1 < NCHUNK)
            def _():
                wait_sidx(i + 1, nb)
                start_main(i + 1, nb)

            wait_main(i, b)

            @pl.when(i + 2 < NCHUNK)
            def _():
                start_sidx(i + 2, b)

            rows_b = rows2.at[b]
            ea_b = ea2.at[b]

            @plsc.parallel_loop(0, C, unroll=4)
            def _(j):
                for k in range(D // L):
                    sl = (j, pl.ds(k * L, L))
                    rows_b[sl] = jnp.maximum(rows_b[sl] + ea_b[sl], 0.0)

            pltpu.sync_copy(rows2.at[b], acc_sh.at[dstb.at[b]], add=True)
            return carry

        lax.fori_loop(0, NCHUNK, chunk_body, 0)
        plsc.subcore_barrier()

        @pl.when(s < NS - 1)
        def _():
            pltpu.sync_copy(acc_sh.at[pl.ds(s * RPT0, RPT0)],
                            out_hbm.at[c, pl.ds(s * RPT0, RPT0)])

        @pl.when(s == NS - 1)
        def _():
            pltpu.sync_copy(acc_sh.at[pl.ds(s * RPT0, RPT_LAST)],
                            out_hbm.at[c, pl.ds(s * RPT0, RPT_LAST)])

    return sc_scatter


def _mlp_body(scale_ref, x_ref, p_ref, w1_ref, b1_ref, g_ref, bt_ref,
              w2_ref, b2_ref, out_ref):
    h = x_ref[...] * scale_ref[0] + p_ref[0] + p_ref[1]
    h = jnp.dot(h, w1_ref[...], preferred_element_type=jnp.float32) + b1_ref[...]
    mu = jnp.mean(h, axis=-1, keepdims=True)
    var = jnp.mean((h - mu) * (h - mu), axis=-1, keepdims=True)
    h = (h - mu) * lax.rsqrt(var + 1e-5) * g_ref[...] + bt_ref[...]
    h = jnp.maximum(h, 0.0)
    out_ref[...] = (
        jnp.dot(h, w2_ref[...], preferred_element_type=jnp.float32) + b2_ref[...]
    )


def _mlp(scale, x, partials, W1, b1, gamma, beta, W2, b2):
    N, D = x.shape
    H = W1.shape[1]
    BLK = 2000
    assert N % BLK == 0
    return pl.pallas_call(
        _mlp_body,
        grid=(N // BLK,),
        in_specs=[
            pl.BlockSpec(memory_space=pltpu.SMEM),
            pl.BlockSpec((BLK, D), lambda i: (i, 0)),
            pl.BlockSpec((NC, BLK, D), lambda i: (0, i, 0)),
            pl.BlockSpec((D, H), lambda i: (0, 0)),
            pl.BlockSpec((1, H), lambda i: (0, 0)),
            pl.BlockSpec((1, H), lambda i: (0, 0)),
            pl.BlockSpec((1, H), lambda i: (0, 0)),
            pl.BlockSpec((H, D), lambda i: (0, 0)),
            pl.BlockSpec((1, D), lambda i: (0, 0)),
        ],
        out_specs=pl.BlockSpec((BLK, D), lambda i: (i, 0)),
        out_shape=jax.ShapeDtypeStruct((N, D), jnp.float32),
    )(scale, x, partials, W1, b1.reshape(1, H), gamma.reshape(1, H),
      beta.reshape(1, H), W2, b2.reshape(1, D))


def kernel(x, edge_index, edge_attr, We, be, W1, b1, gamma, beta, W2, b2, eps):
    N, D = x.shape
    E = edge_attr.shape[0]

    NW = NC * NS
    C = 80
    NCH0, NCH1 = 52, 73
    E0 = NW * NCH0 * C
    assert E0 % 2560 == 0 and (E - E0) % 2560 == 0

    ea_t = edge_attr.T
    rea0 = _edge_mm(ea_t, We, be, 0, E0)
    rea1 = _edge_mm(ea_t, We, be, E0, E - E0)

    src = edge_index[1].astype(jnp.int32)
    dst = edge_index[0].astype(jnp.int32)
    src0 = src[:E0].reshape(NW, NCH0, C)
    dst0 = dst[:E0].reshape(NW, NCH0, C)
    src1 = src[E0:].reshape(NW, NCH1, C)
    dst1 = dst[E0:].reshape(NW, NCH1, C)
    zeros = jnp.zeros((N, D), dtype=jnp.float32)
    p0 = _make_sc_scatter(N, D, NCH0, False)(zeros, x, src0, dst0, rea0)
    partials = _make_sc_scatter(N, D, NCH1, True)(p0, x, src1, dst1, rea1)

    scale = (1.0 + eps).astype(jnp.float32).reshape(1)
    return _mlp(scale, x, partials, W1, b1, gamma, beta, W2, b2)

# --- scband reference (transcript-rebuilt; emitter-appended) ---
"""Pipeline reference for scband-my-ginconv-31456340476230 (READ-ONLY COPY).

The authoritative reference and input builder live on the scoring server;
editing this copy changes nothing except your own understanding.
"""

import jax, jax.numpy as jnp
import numpy as np

N = 10000
E = 320000
D = 128
ED = 16


def setup_inputs(seed: int = 0) -> dict:
    key = jax.random.key(seed)
    ks = jax.random.split(key, 8)
    x = jax.random.normal(ks[0], (N, D), dtype=jnp.float32)
    edge_index = jax.random.randint(ks[1], (2, E), 0, N, dtype=jnp.int64)
    edge_attr = jax.random.normal(ks[2], (E, ED), dtype=jnp.float32)
    We = jax.random.normal(ks[3], (ED, D), dtype=jnp.float32) * 0.1
    be = jnp.zeros((D,), dtype=jnp.float32)
    W1 = jax.random.normal(ks[4], (D, 2 * D), dtype=jnp.float32) * 0.05
    b1 = jnp.zeros((2 * D,), dtype=jnp.float32)
    gamma = jnp.ones((2 * D,), dtype=jnp.float32)
    beta = jnp.zeros((2 * D,), dtype=jnp.float32)
    W2 = jax.random.normal(ks[5], (2 * D, D), dtype=jnp.float32) * 0.05
    b2 = jnp.zeros((D,), dtype=jnp.float32)
    eps = jnp.zeros((), dtype=jnp.float32)
    return {"x": x, "edge_index": edge_index, "edge_attr": edge_attr,
            "We": We, "be": be, "W1": W1, "b1": b1,
            "gamma": gamma, "beta": beta, "W2": W2, "b2": b2, "eps": eps}


def reference(x, edge_index, edge_attr, We, be, W1, b1, gamma, beta, W2, b2, eps):
    # org_mask is None branch: real_edge_attr = lin_edge(edge_attr)
    real_edge_attr = edge_attr @ We + be
    # message = relu(x[src=edge_index[1]] + real_edge_attr)
    message = jax.nn.relu(jnp.take(x, edge_index[1], axis=0) + real_edge_attr)
    # scatter-add into dst=edge_index[0]
    message_reduce = jnp.zeros((x.shape[0], x.shape[1]), dtype=message.dtype)
    message_reduce = message_reduce.at[edge_index[0]].add(message)
    h = (1.0 + eps) * x + message_reduce
    # mlp: Linear -> LayerNorm -> ReLU -> Linear
    h = h @ W1 + b1
    mu = jnp.mean(h, axis=-1, keepdims=True)
    var = jnp.var(h, axis=-1, keepdims=True)
    h = (h - mu) / jnp.sqrt(var + 1e-5) * gamma + beta
    h = jax.nn.relu(h)
    out = h @ W2 + b2
    return out

if __name__ == "__main__":
    import jax
    _d = setup_inputs()
    print(jax.jit(kernel)(*tuple(_d.values())))

</pallas_src>

<mosaic_0001>
#map = affine_map<(d0, d1) -> (0, 0)>
#map1 = affine_map<(d0, d1) -> (0, 0, 0)>
module attributes {stable_mosaic.version = 14 : i64} {
  func.func @sc_scatter(%arg0: i32, %arg1: i32, %arg2: memref<10000x128xf32, #tpu.memory_space<hbm>>, %arg3: memref<10000x128xf32, #tpu.memory_space<hbm>>, %arg4: memref<32x52x80xi32, #tpu.memory_space<hbm>>, %arg5: memref<32x52x80xi32, #tpu.memory_space<hbm>>, %arg6: memref<133120x128xf32, #tpu.memory_space<hbm>>, %arg7: memref<2x10000x128xf32, #tpu.memory_space<hbm>>, %arg8: memref<2x80xi32, #tpu.memory_space<vmem>>, %arg9: memref<2x80xi32, #tpu.memory_space<vmem>>, %arg10: memref<2x80x128xf32, #tpu.memory_space<vmem>>, %arg11: memref<2x80x128xf32, #tpu.memory_space<vmem>>, %arg12: memref<10000x128xf32, #tpu.memory_space<vmem_shared>>, %arg13: memref<2x!tpu.dma_semaphore, #tpu.memory_space<semaphore_mem>>, %arg14: memref<2x!tpu.dma_semaphore, #tpu.memory_space<semaphore_mem>>, %arg15: memref<2x!tpu.dma_semaphore, #tpu.memory_space<semaphore_mem>>) attributes {dimension_semantics = [#tpu.dimension_semantics<core_parallel>, #tpu.dimension_semantics<subcore_parallel>], iteration_bounds = array<i64: 2, 16>, scalar_prefetch = 0 : i64, scratch_operands = 8 : i64, tpu.core_type = #tpu.core_type<sc_vector_subcore>, window_params = [{transform_indices = #map}, {transform_indices = #map}, {transform_indices = #map1}, {transform_indices = #map1}, {transform_indices = #map}, {transform_indices = #map1}]} {
    %mul3A = arith.constant 16 : i32
    %mul3A_0 = arith.muli %arg0, %mul3A : i32
    %add3A = arith.addi %mul3A_0, %arg1 : i32
    %mul3A_1 = arith.constant 4160 : i32
    %mul3A_2 = arith.muli %add3A, %mul3A_1 : i32
    %dma_start3A = arith.constant 0 : i32
    %dma_start3A_3 = arith.constant 0 : i32
    %dma_start3A_4 = arith.constant 0 : i32
    %dma_start3A_5 = arith.constant 0 : i32
    %dma_start3A_6 = tpu.memref_slice %arg8[%dma_start3A_3, %dma_start3A_5] : memref<2x80xi32, #tpu.memory_space<vmem>> -> memref<1x80xi32, #tpu.memory_space<vmem>>
    %dma_start3A_7 = tpu.memref_squeeze %dma_start3A_6 : memref<1x80xi32, #tpu.memory_space<vmem>> -> memref<80xi32, #tpu.memory_space<vmem>>
    %dma_start3A_8 = arith.constant 0 : i32
    %dma_start3A_9 = tpu.memref_slice %arg4[%add3A, %dma_start3A, %dma_start3A_8] : memref<32x52x80xi32, #tpu.memory_space<hbm>> -> memref<1x1x80xi32, #tpu.memory_space<hbm>>
    %dma_start3A_10 = tpu.memref_squeeze %dma_start3A_9 : memref<1x1x80xi32, #tpu.memory_space<hbm>> -> memref<80xi32, #tpu.memory_space<hbm>>
    %dma_start3A_11 = tpu.memref_slice %arg15[%dma_start3A_4] : memref<2x!tpu.dma_semaphore, #tpu.memory_space<semaphore_mem>> -> memref<1x!tpu.dma_semaphore, #tpu.memory_space<semaphore_mem>>
    %dma_start3A_12 = tpu.memref_squeeze %dma_start3A_11 : memref<1x!tpu.dma_semaphore, #tpu.memory_space<semaphore_mem>> -> memref<!tpu.dma_semaphore, #tpu.memory_space<semaphore_mem>>
    %dma_start3A_13 = arith.constant 0 : i32
    %dma_start3A_14 = tpu.memref_slice %arg8[%dma_start3A_3, %dma_start3A_13] : memref<2x80xi32, #tpu.memory_space<vmem>> -> memref<1x80xi32, #tpu.memory_space<vmem>>
    %dma_start3A_15 = tpu.memref_squeeze %dma_start3A_14 : memref<1x80xi32, #tpu.memory_space<vmem>> -> memref<80xi32, #tpu.memory_space<vmem>>
    %dma_start3A_16 = arith.constant 0 : i32
    %dma_start3A_17 = tpu.memref_slice %arg4[%add3A, %dma_start3A, %dma_start3A_16] : memref<32x52x80xi32, #tpu.memory_space<hbm>> -> memref<1x1x80xi32, #tpu.memory_space<hbm>>
    %dma_start3A_18 = tpu.memref_squeeze %dma_start3A_17 : memref<1x1x80xi32, #tpu.memory_space<hbm>> -> memref<80xi32, #tpu.memory_space<hbm>>
    tpu.enqueue_dma source(%dma_start3A_18 : memref<80xi32, #tpu.memory_space<hbm>>) target(%dma_start3A_15 : memref<80xi32, #tpu.memory_space<vmem>>) target_semaphore(%dma_start3A_12 : memref<!tpu.dma_semaphore, #tpu.memory_space<semaphore_mem>>)
    %dma_start3A_19 = arith.constant 1 : i32
    %dma_start3A_20 = arith.constant 1 : i32
    %dma_start3A_21 = arith.constant 1 : i32
    %dma_start3A_22 = arith.constant 0 : i32
    %dma_start3A_23 = tpu.memref_slice %arg8[%dma_start3A_20, %dma_start3A_22] : memref<2x80xi32, #tpu.memory_space<vmem>> -> memref<1x80xi32, #tpu.memory_space<vmem>>
    %dma_start3A_24 = tpu.memref_squeeze %dma_start3A_23 : memref<1x80xi32, #tpu.memory_space<vmem>> -> memref<80xi32, #tpu.memory_space<vmem>>
    %dma_start3A_25 = arith.constant 0 : i32
    %dma_start3A_26 = tpu.memref_slice %arg4[%add3A, %dma_start3A_19, %dma_start3A_25] : memref<32x52x80xi32, #tpu.memory_space<hbm>> -> memref<1x1x80xi32, #tpu.memory_space<hbm>>
    %dma_start3A_27 = tpu.memref_squeeze %dma_start3A_26 : memref<1x1x80xi32, #tpu.memory_space<hbm>> -> memref<80xi32, #tpu.memory_space<hbm>>
    %dma_start3A_28 = tpu.memref_slice %arg15[%dma_start3A_21] : memref<2x!tpu.dma_semaphore, #tpu.memory_space<semaphore_mem>> -> memref<1x!tpu.dma_semaphore, #tpu.memory_space<semaphore_mem>>
    %dma_start3A_29 = tpu.memref_squeeze %dma_start3A_28 : memref<1x!tpu.dma_semaphore, #tpu.memory_space<semaphore_mem>> -> memref<!tpu.dma_semaphore, #tpu.memory_space<semaphore_mem>>
    %dma_start3A_30 = arith.constant 0 : i32
    %dma_start3A_31 = tpu.memref_slice %arg8[%dma_start3A_20, %dma_start3A_30] : memref<2x80xi32, #tpu.memory_space<vmem>> -> memref<1x80xi32, #tpu.memory_space<vmem>>
    %dma_start3A_32 = tpu.memref_squeeze %dma_start3A_31 : memref<1x80xi32, #tpu.memory_space<vmem>> -> memref<80xi32, #tpu.memory_space<vmem>>
    %dma_start3A_33 = arith.constant 0 : i32
    %dma_start3A_34 = tpu.memref_slice %arg4[%add3A, %dma_start3A_19, %dma_start3A_33] : memref<32x52x80xi32, #tpu.memory_space<hbm>> -> memref<1x1x80xi32, #tpu.memory_space<hbm>>
    %dma_start3A_35 = tpu.memref_squeeze %dma_start3A_34 : memref<1x1x80xi32, #tpu.memory_space<hbm>> -> memref<80xi32, #tpu.memory_space<hbm>>
    tpu.enqueue_dma source(%dma_start3A_35 : memref<80xi32, #tpu.memory_space<hbm>>) target(%dma_start3A_32 : memref<80xi32, #tpu.memory_space<vmem>>) target_semaphore(%dma_start3A_29 : memref<!tpu.dma_semaphore, #tpu.memory_space<semaphore_mem>>)
    %lt3A = arith.constant 15 : i32
    %lt3A_36 = arith.cmpi slt, %arg1, %lt3A : i32
    %convert_element_type3A = arith.extui %lt3A_36 : i1 to i32
    %cond3A = arith.constant 0 : i32
    %cond3A_37 = arith.cmpi ne, %convert_element_type3A, %cond3A : i32
    scf.if %cond3A_37 {
      %mul3A_124 = arith.constant 624 : i32
      %mul3A_125 = arith.muli %arg1, %mul3A_124 : i32
      %mul3A_126 = arith.constant 624 : i32
      %mul3A_127 = arith.muli %arg1, %mul3A_126 : i32
      "tpu.region"() ({
        %run_scoped3A = tpu.sem_alloc : memref<!tpu.dma_semaphore, #tpu.memory_space<semaphore_mem>>
        %dma_start3A_128 = arith.constant 0 : i32
        %dma_start3A_129 = tpu.memref_slice %arg12[%mul3A_127, %dma_start3A_128] : memref<10000x128xf32, #tpu.memory_space<vmem_shared>> -> memref<624x128xf32, #tpu.memory_space<vmem_shared>>
        %dma_start3A_130 = arith.constant 0 : i32
        %dma_start3A_131 = tpu.memref_slice %arg2[%mul3A_125, %dma_start3A_130] : memref<10000x128xf32, #tpu.memory_space<hbm>> -> memref<624x128xf32, #tpu.memory_space<hbm>>
        tpu.enqueue_dma source(%dma_start3A_131 : memref<624x128xf32, #tpu.memory_space<hbm>>) target(%dma_start3A_129 : memref<624x128xf32, #tpu.memory_space<vmem_shared>>) target_semaphore(%run_scoped3A : memref<!tpu.dma_semaphore, #tpu.memory_space<semaphore_mem>>)
        %dma_wait3A_132 = arith.constant 0 : i32
        %dma_wait3A_133 = tpu.memref_slice %arg12[%mul3A_127, %dma_wait3A_132] : memref<10000x128xf32, #tpu.memory_space<vmem_shared>> -> memref<624x128xf32, #tpu.memory_space<vmem_shared>>
        %dma_wait3A_134 = arith.constant 0 : i32
        %dma_wait3A_135 = tpu.memref_slice %arg2[%mul3A_125, %dma_wait3A_134] : memref<10000x128xf32, #tpu.memory_space<hbm>> -> memref<624x128xf32, #tpu.memory_space<hbm>>
        tpu.wait_dma2 semaphore(%run_scoped3A : memref<!tpu.dma_semaphore, #tpu.memory_space<semaphore_mem>>) src(%dma_wait3A_135 : memref<624x128xf32, #tpu.memory_space<hbm>>) dst(%dma_wait3A_133 : memref<624x128xf32, #tpu.memory_space<vmem_shared>>)
        tpu.yield
      }) : () -> ()
    } else {
    }
    %eq3A = arith.constant 15 : i32
    %eq3A_38 = arith.cmpi eq, %arg1, %eq3A : i32
    %convert_element_type3A_39 = arith.extui %eq3A_38 : i1 to i32
    %cond3A_40 = arith.constant 0 : i32
    %cond3A_41 = arith.cmpi ne, %convert_element_type3A_39, %cond3A_40 : i32
    scf.if %cond3A_41 {
      %mul3A_124 = arith.constant 624 : i32
      %mul3A_125 = arith.muli %arg1, %mul3A_124 : i32
      %mul3A_126 = arith.constant 624 : i32
      %mul3A_127 = arith.muli %arg1, %mul3A_126 : i32
      "tpu.region"() ({
        %run_scoped3A = tpu.sem_alloc : memref<!tpu.dma_semaphore, #tpu.memory_space<semaphore_mem>>
        %dma_start3A_128 = arith.constant 0 : i32
        %dma_start3A_129 = tpu.memref_slice %arg12[%mul3A_127, %dma_start3A_128] : memref<10000x128xf32, #tpu.memory_space<vmem_shared>> -> memref<640x128xf32, #tpu.memory_space<vmem_shared>>
        %dma_start3A_130 = arith.constant 0 : i32
        %dma_start3A_131 = tpu.memref_slice %arg2[%mul3A_125, %dma_start3A_130] : memref<10000x128xf32, #tpu.memory_space<hbm>> -> memref<640x128xf32, #tpu.memory_space<hbm>>
        tpu.enqueue_dma source(%dma_start3A_131 : memref<640x128xf32, #tpu.memory_space<hbm>>) target(%dma_start3A_129 : memref<640x128xf32, #tpu.memory_space<vmem_shared>>) target_semaphore(%run_scoped3A : memref<!tpu.dma_semaphore, #tpu.memory_space<semaphore_mem>>)
        %dma_wait3A_132 = arith.constant 0 : i32
        %dma_wait3A_133 = tpu.memref_slice %arg12[%mul3A_127, %dma_wait3A_132] : memref<10000x128xf32, #tpu.memory_space<vmem_shared>> -> memref<640x128xf32, #tpu.memory_space<vmem_shared>>
        %dma_wait3A_134 = arith.constant 0 : i32
        %dma_wait3A_135 = tpu.memref_slice %arg2[%mul3A_125, %dma_wait3A_134] : memref<10000x128xf32, #tpu.memory_space<hbm>> -> memref<640x128xf32, #tpu.memory_space<hbm>>
        tpu.wait_dma2 semaphore(%run_scoped3A : memref<!tpu.dma_semaphore, #tpu.memory_space<semaphore_mem>>) src(%dma_wait3A_135 : memref<640x128xf32, #tpu.memory_space<hbm>>) dst(%dma_wait3A_133 : memref<640x128xf32, #tpu.memory_space<vmem_shared>>)
        tpu.yield
      }) : () -> ()
    } else {
    }
    %barrier3A = arith.constant 0 : index
    tpu.barrier barrier_id(%barrier3A)
    %dma_wait3A = arith.constant 0 : i32
    %dma_wait3A_42 = arith.constant 0 : i32
    %dma_wait3A_43 = arith.constant 0 : i32
    %dma_wait3A_44 = arith.constant 0 : i32
    %dma_wait3A_45 = tpu.memref_slice %arg8[%dma_wait3A_42, %dma_wait3A_44] : memref<2x80xi32, #tpu.memory_space<vmem>> -> memref<1x80xi32, #tpu.memory_space<vmem>>
    %dma_wait3A_46 = tpu.memref_squeeze %dma_wait3A_45 : memref<1x80xi32, #tpu.memory_space<vmem>> -> memref<80xi32, #tpu.memory_space<vmem>>
    %dma_wait3A_47 = arith.constant 0 : i32
    %dma_wait3A_48 = tpu.memref_slice %arg4[%add3A, %dma_wait3A, %dma_wait3A_47] : memref<32x52x80xi32, #tpu.memory_space<hbm>> -> memref<1x1x80xi32, #tpu.memory_space<hbm>>
    %dma_wait3A_49 = tpu.memref_squeeze %dma_wait3A_48 : memref<1x1x80xi32, #tpu.memory_space<hbm>> -> memref<80xi32, #tpu.memory_space<hbm>>
    %dma_wait3A_50 = tpu.memref_slice %arg15[%dma_wait3A_43] : memref<2x!tpu.dma_semaphore, #tpu.memory_space<semaphore_mem>> -> memref<1x!tpu.dma_semaphore, #tpu.memory_space<semaphore_mem>>
    %dma_wait3A_51 = tpu.memref_squeeze %dma_wait3A_50 : memref<1x!tpu.dma_semaphore, #tpu.memory_space<semaphore_mem>> -> memref<!tpu.dma_semaphore, #tpu.memory_space<semaphore_mem>>
    %dma_wait3A_52 = arith.constant 0 : i32
    %dma_wait3A_53 = tpu.memref_slice %arg8[%dma_wait3A_42, %dma_wait3A_52] : memref<2x80xi32, #tpu.memory_space<vmem>> -> memref<1x80xi32, #tpu.memory_space<vmem>>
    %dma_wait3A_54 = tpu.memref_squeeze %dma_wait3A_53 : memref<1x80xi32, #tpu.memory_space<vmem>> -> memref<80xi32, #tpu.memory_space<vmem>>
    %dma_wait3A_55 = arith.constant 0 : i32
    %dma_wait3A_56 = tpu.memref_slice %arg4[%add3A, %dma_wait3A, %dma_wait3A_55] : memref<32x52x80xi32, #tpu.memory_space<hbm>> -> memref<1x1x80xi32, #tpu.memory_space<hbm>>
    %dma_wait3A_57 = tpu.memref_squeeze %dma_wait3A_56 : memref<1x1x80xi32, #tpu.memory_space<hbm>> -> memref<80xi32, #tpu.memory_space<hbm>>
    tpu.wait_dma2 semaphore(%dma_wait3A_51 : memref<!tpu.dma_semaphore, #tpu.memory_space<semaphore_mem>>) src(%dma_wait3A_57 : memref<80xi32, #tpu.memory_space<hbm>>) dst(%dma_wait3A_54 : memref<80xi32, #tpu.memory_space<vmem>>)
    %add3A_58 = arith.constant 0 : i32
    %add3A_59 = arith.addi %mul3A_2, %add3A_58 : i32
    %dma_start3A_60 = arith.constant 0 : i32
    %dma_start3A_61 = arith.constant 0 : i32
    %dma_start3A_62 = arith.constant 0 : i32
    %dma_start3A_63 = arith.constant 0 : i32
    %dma_start3A_64 = tpu.memref_slice %arg11[%dma_start3A_60, %dma_start3A_62, %dma_start3A_63] : memref<2x80x128xf32, #tpu.memory_space<vmem>> -> memref<1x80x128xf32, #tpu.memory_space<vmem>>
    %dma_start3A_65 = tpu.memref_squeeze %dma_start3A_64 : memref<1x80x128xf32, #tpu.memory_space<vmem>> -> memref<80x128xf32, #tpu.memory_space<vmem>>
    %dma_start3A_66 = arith.constant 0 : i32
    %dma_start3A_67 = tpu.memref_slice %arg6[%add3A_59, %dma_start3A_66] : memref<133120x128xf32, #tpu.memory_space<hbm>> -> memref<80x128xf32, #tpu.memory_space<hbm>>
    %dma_start3A_68 = tpu.memref_slice %arg14[%dma_start3A_61] : memref<2x!tpu.dma_semaphore, #tpu.memory_space<semaphore_mem>> -> memref<1x!tpu.dma_semaphore, #tpu.memory_space<semaphore_mem>>
    %dma_start3A_69 = tpu.memref_squeeze %dma_start3A_68 : memref<1x!tpu.dma_semaphore, #tpu.memory_space<semaphore_mem>> -> memref<!tpu.dma_semaphore, #tpu.memory_space<semaphore_mem>>
    %dma_start3A_70 = arith.constant 0 : i32
    %dma_start3A_71 = arith.constant 0 : i32
    %dma_start3A_72 = tpu.memref_slice %arg11[%dma_start3A_60, %dma_start3A_70, %dma_start3A_71] : memref<2x80x128xf32, #tpu.memory_space<vmem>> -> memref<1x80x128xf32, #tpu.memory_space<vmem>>
    %dma_start3A_73 = tpu.memref_squeeze %dma_start3A_72 : memref<1x80x128xf32, #tpu.memory_space<vmem>> -> memref<80x128xf32, #tpu.memory_space<vmem>>
    %dma_start3A_74 = arith.constant 0 : i32
    %dma_start3A_75 = tpu.memref_slice %arg6[%add3A_59, %dma_start3A_74] : memref<133120x128xf32, #tpu.memory_space<hbm>> -> memref<80x128xf32, #tpu.memory_space<hbm>>
    tpu.enqueue_dma source(%dma_start3A_75 : memref<80x128xf32, #tpu.memory_space<hbm>>) target(%dma_start3A_73 : memref<80x128xf32, #tpu.memory_space<vmem>>) target_semaphore(%dma_start3A_69 : memref<!tpu.dma_semaphore, #tpu.memory_space<semaphore_mem>>)
    %dma_start3A_76 = arith.constant 0 : i32
    %dma_start3A_77 = arith.constant 0 : i32
    %dma_start3A_78 = arith.constant 0 : i32
    %dma_start3A_79 = arith.constant 0 : i32
    %dma_start3A_80 = tpu.memref_slice %arg9[%dma_start3A_77, %dma_start3A_79] : memref<2x80xi32, #tpu.memory_space<vmem>> -> memref<1x80xi32, #tpu.memory_space<vmem>>
    %dma_start3A_81 = tpu.memref_squeeze %dma_start3A_80 : memref<1x80xi32, #tpu.memory_space<vmem>> -> memref<80xi32, #tpu.memory_space<vmem>>
    %dma_start3A_82 = arith.constant 0 : i32
    %dma_start3A_83 = tpu.memref_slice %arg5[%add3A, %dma_start3A_76, %dma_start3A_82] : memref<32x52x80xi32, #tpu.memory_space<hbm>> -> memref<1x1x80xi32, #tpu.memory_space<hbm>>
    %dma_start3A_84 = tpu.memref_squeeze %dma_start3A_83 : memref<1x1x80xi32, #tpu.memory_space<hbm>> -> memref<80xi32, #tpu.memory_space<hbm>>
    %dma_start3A_85 = tpu.memref_slice %arg14[%dma_start3A_78] : memref<2x!tpu.dma_semaphore, #tpu.memory_space<semaphore_mem>> -> memref<1x!tpu.dma_semaphore, #tpu.memory_space<semaphore_mem>>
    %dma_start3A_86 = tpu.memref_squeeze %dma_start3A_85 : memref<1x!tpu.dma_semaphore, #tpu.memory_space<semaphore_mem>> -> memref<!tpu.dma_semaphore, #tpu.memory_space<semaphore_mem>>
    %dma_start3A_87 = arith.constant 0 : i32
    %dma_start3A_88 = tpu.memref_slice %arg9[%dma_start3A_77, %dma_start3A_87] : memref<2x80xi32, #tpu.memory_space<vmem>> -> memref<1x80xi32, #tpu.memory_space<vmem>>
    %dma_start3A_89 = tpu.memref_squeeze %dma_start3A_88 : memref<1x80xi32, #tpu.memory_space<vmem>> -> memref<80xi32, #tpu.memory_space<vmem>>
    %dma_start3A_90 = arith.constant 0 : i32
    %dma_start3A_91 = tpu.memref_slice %arg5[%add3A, %dma_start3A_76, %dma_start3A_90] : memref<32x52x80xi32, #tpu.memory_space<hbm>> -> memref<1x1x80xi32, #tpu.memory_space<hbm>>
    %dma_start3A_92 = tpu.memref_squeeze %dma_start3A_91 : memref<1x1x80xi32, #tpu.memory_space<hbm>> -> memref<80xi32, #tpu.memory_space<hbm>>
    tpu.enqueue_dma source(%dma_start3A_92 : memref<80xi32, #tpu.memory_space<hbm>>) target(%dma_start3A_89 : memref<80xi32, #tpu.memory_space<vmem>>) target_semaphore(%dma_start3A_86 : memref<!tpu.dma_semaphore, #tpu.memory_space<semaphore_mem>>)
    %dma_start3A_93 = arith.constant 0 : i32
    %dma_start3A_94 = arith.constant 0 : i32
    %dma_start3A_95 = arith.constant 0 : i32
    %dma_start3A_96 = arith.constant 0 : i32
    %dma_start3A_97 = arith.constant 0 : i32
    %dma_start3A_98 = tpu.memref_slice %arg10[%dma_start3A_94, %dma_start3A_96, %dma_start3A_97] : memref<2x80x128xf32, #tpu.memory_space<vmem>> -> memref<1x80x128xf32, #tpu.memory_space<vmem>>
    %dma_start3A_99 = tpu.memref_squeeze %dma_start3A_98 : memref<1x80x128xf32, #tpu.memory_space<vmem>> -> memref<80x128xf32, #tpu.memory_space<vmem>>
    %dma_start3A_100 = arith.constant 0 : i32
    %dma_start3A_101 = tpu.memref_slice %arg8[%dma_start3A_93, %dma_start3A_100] : memref<2x80xi32, #tpu.memory_space<vmem>> -> memref<1x80xi32, #tpu.memory_space<vmem>>
    %dma_start3A_102 = tpu.memref_squeeze %dma_start3A_101 : memref<1x80xi32, #tpu.memory_space<vmem>> -> memref<80xi32, #tpu.memory_space<vmem>>
    %dma_start3A_103 = arith.constant 0 : i32
    %dma_start3A_104 = arith.constant 0 : i32
    %dma_start3A_105 = tpu.memref_slice %arg3[%dma_start3A_103, %dma_start3A_104] : memref<10000x128xf32, #tpu.memory_space<hbm>> -> memref<10000x128xf32, #tpu.memory_space<hbm>>
    %dma_start3A_106 = tpu.memref_slice %arg13[%dma_start3A_95] : memref<2x!tpu.dma_semaphore, #tpu.memory_space<semaphore_mem>> -> memref<1x!tpu.dma_semaphore, #tpu.memory_space<semaphore_mem>>
    %dma_start3A_107 = tpu.memref_squeeze %dma_start3A_106 : memref<1x!tpu.dma_semaphore, #tpu.memory_space<semaphore_mem>> -> memref<!tpu.dma_semaphore, #tpu.memory_space<semaphore_mem>>
    tpu.enqueue_indirect_dma source(%dma_start3A_105 : memref<10000x128xf32, #tpu.memory_space<hbm>>) target(%dma_start3A_99 : memref<80x128xf32, #tpu.memory_space<vmem>>) offsets(%dma_start3A_102 : memref<80xi32, #tpu.memory_space<vmem>>) semaphore(%dma_start3A_107 : memref<!tpu.dma_semaphore, #tpu.memory_space<semaphore_mem>>)
    %scan3A = arith.constant 0 : i32
    %scan3A_108 = arith.constant 0 : i32
    %scan3A_109 = arith.constant 52 : i32
    %scan3A_110 = arith.addi %scan3A_108, %scan3A_109 : i32
    %scan3A_111 = arith.constant 1 : i32
    scf.for %scan3A_124 = %scan3A_108 to %scan3A_110 step %scan3A_111  : i32 {
      %rem3A = arith.constant 2 : i32
      %rem3A_125 = arith.remsi %scan3A_124, %rem3A : i32
      %sub3A = arith.constant 1 : i32
      %sub3A_126 = arith.subi %sub3A, %rem3A_125 : i32
      %add3A_127 = arith.constant 1 : i32
      %add3A_128 = arith.addi %scan3A_124, %add3A_127 : i32
      %lt3A_129 = arith.constant 52 : i32
      %lt3A_130 = arith.cmpi slt, %add3A_128, %lt3A_129 : i32
      %convert_element_type3A_131 = arith.extui %lt3A_130 : i1 to i32
      %cond3A_132 = arith.constant 0 : i32
      %cond3A_133 = arith.cmpi ne, %convert_element_type3A_131, %cond3A_132 : i32
      scf.if %cond3A_133 {
        %add3A_186 = arith.constant 1 : i32
        %add3A_187 = arith.addi %scan3A_124, %add3A_186 : i32
        %dma_wait3A_188 = arith.constant 0 : i32
        %dma_wait3A_189 = tpu.memref_slice %arg8[%sub3A_126, %dma_wait3A_188] : memref<2x80xi32, #tpu.memory_space<vmem>> -> memref<1x80xi32, #tpu.memory_space<vmem>>
        %dma_wait3A_190 = tpu.memref_squeeze %dma_wait3A_189 : memref<1x80xi32, #tpu.memory_space<vmem>> -> memref<80xi32, #tpu.memory_space<vmem>>
        %dma_wait3A_191 = arith.constant 0 : i32
        %dma_wait3A_192 = tpu.memref_slice %arg4[%add3A, %add3A_187, %dma_wait3A_191] : memref<32x52x80xi32, #tpu.memory_space<hbm>> -> memref<1x1x80xi32, #tpu.memory_space<hbm>>
        %dma_wait3A_193 = tpu.memref_squeeze %dma_wait3A_192 : memref<1x1x80xi32, #tpu.memory_space<hbm>> -> memref<80xi32, #tpu.memory_space<hbm>>
        %dma_wait3A_194 = tpu.memref_slice %arg15[%sub3A_126] : memref<2x!tpu.dma_semaphore, #tpu.memory_space<semaphore_mem>> -> memref<1x!tpu.dma_semaphore, #tpu.memory_space<semaphore_mem>>
        %dma_wait3A_195 = tpu.memref_squeeze %dma_wait3A_194 : memref<1x!tpu.dma_semaphore, #tpu.memory_space<semaphore_mem>> -> memref<!tpu.dma_semaphore, #tpu.memory_space<semaphore_mem>>
        %dma_wait3A_196 = arith.constant 0 : i32
        %dma_wait3A_197 = tpu.memref_slice %arg8[%sub3A_126, %dma_wait3A_196] : memref<2x80xi32, #tpu.memory_space<vmem>> -> memref<1x80xi32, #tpu.memory_space<vmem>>
        %dma_wait3A_198 = tpu.memref_squeeze %dma_wait3A_197 : memref<1x80xi32, #tpu.memory_space<vmem>> -> memref<80xi32, #tpu.memory_space<vmem>>
        %dma_wait3A_199 = arith.constant 0 : i32
        %dma_wait3A_200 = tpu.memref_slice %arg4[%add3A, %add3A_187, %dma_wait3A_199] : memref<32x52x80xi32, #tpu.memory_space<hbm>> -> memref<1x1x80xi32, #tpu.memory_space<hbm>>
        %dma_wait3A_201 = tpu.memref_squeeze %dma_wait3A_200 : memref<1x1x80xi32, #tpu.memory_space<hbm>> -> memref<80xi32, #tpu.memory_space<hbm>>
        tpu.wait_dma2 semaphore(%dma_wait3A_195 : memref<!tpu.dma_semaphore, #tpu.memory_space<semaphore_mem>>) src(%dma_wait3A_201 : memref<80xi32, #tpu.memory_space<hbm>>) dst(%dma_wait3A_198 : memref<80xi32, #tpu.memory_space<vmem>>)
        %add3A_202 = arith.constant 1 : i32
        %add3A_203 = arith.addi %scan3A_124, %add3A_202 : i32
        %mul3A_204 = arith.constant 80 : i32
        %mul3A_205 = arith.muli %add3A_203, %mul3A_204 : i32
        %add3A_206 = arith.addi %mul3A_2, %mul3A_205 : i32
        %dma_start3A_207 = arith.constant 0 : i32
        %dma_start3A_208 = arith.constant 0 : i32
        %dma_start3A_209 = tpu.memref_slice %arg11[%sub3A_126, %dma_start3A_207, %dma_start3A_208] : memref<2x80x128xf32, #tpu.memory_space<vmem>> -> memref<1x80x128xf32, #tpu.memory_space<vmem>>
        %dma_start3A_210 = tpu.memref_squeeze %dma_start3A_209 : memref<1x80x128xf32, #tpu.memory_space<vmem>> -> memref<80x128xf32, #tpu.memory_space<vmem>>
        %dma_start3A_211 = arith.constant 0 : i32
        %dma_start3A_212 = tpu.memref_slice %arg6[%add3A_206, %dma_start3A_211] : memref<133120x128xf32, #tpu.memory_space<hbm>> -> memref<80x128xf32, #tpu.memory_space<hbm>>
        %dma_start3A_213 = tpu.memref_slice %arg14[%sub3A_126] : memref<2x!tpu.dma_semaphore, #tpu.memory_space<semaphore_mem>> -> memref<1x!tpu.dma_semaphore, #tpu.memory_space<semaphore_mem>>
        %dma_start3A_214 = tpu.memref_squeeze %dma_start3A_213 : memref<1x!tpu.dma_semaphore, #tpu.memory_space<semaphore_mem>> -> memref<!tpu.dma_semaphore, #tpu.memory_space<semaphore_mem>>
        %dma_start3A_215 = arith.constant 0 : i32
        %dma_start3A_216 = arith.constant 0 : i32
        %dma_start3A_217 = tpu.memref_slice %arg11[%sub3A_126, %dma_start3A_215, %dma_start3A_216] : memref<2x80x128xf32, #tpu.memory_space<vmem>> -> memref<1x80x128xf32, #tpu.memory_space<vmem>>
        %dma_start3A_218 = tpu.memref_squeeze %dma_start3A_217 : memref<1x80x128xf32, #tpu.memory_space<vmem>> -> memref<80x128xf32, #tpu.memory_space<vmem>>
        %dma_start3A_219 = arith.constant 0 : i32
        %dma_start3A_220 = tpu.memref_slice %arg6[%add3A_206, %dma_start3A_219] : memref<133120x128xf32, #tpu.memory_space<hbm>> -> memref<80x128xf32, #tpu.memory_space<hbm>>
        tpu.enqueue_dma source(%dma_start3A_220 : memref<80x128xf32, #tpu.memory_space<hbm>>) target(%dma_start3A_218 : memref<80x128xf32, #tpu.memory_space<vmem>>) target_semaphore(%dma_start3A_214 : memref<!tpu.dma_semaphore, #tpu.memory_space<semaphore_mem>>)
        %dma_start3A_221 = arith.constant 0 : i32
        %dma_start3A_222 = tpu.memref_slice %arg9[%sub3A_126, %dma_start3A_221] : memref<2x80xi32, #tpu.memory_space<vmem>> -> memref<1x80xi32, #tpu.memory_space<vmem>>
        %dma_start3A_223 = tpu.memref_squeeze %dma_start3A_222 : memref<1x80xi32, #tpu.memory_space<vmem>> -> memref<80xi32, #tpu.memory_space<vmem>>
        %dma_start3A_224 = arith.constant 0 : i32
        %dma_start3A_225 = tpu.memref_slice %arg5[%add3A, %add3A_203, %dma_start3A_224] : memref<32x52x80xi32, #tpu.memory_space<hbm>> -> memref<1x1x80xi32, #tpu.memory_space<hbm>>
        %dma_start3A_226 = tpu.memref_squeeze %dma_start3A_225 : memref<1x1x80xi32, #tpu.memory_space<hbm>> -> memref<80xi32, #tpu.memory_space<hbm>>
        %dma_start3A_227 = tpu.memref_slice %arg14[%sub3A_126] : memref<2x!tpu.dma_semaphore, #tpu.memory_space<semaphore_mem>> -> memref<1x!tpu.dma_semaphore, #tpu.memory_space<semaphore_mem>>
        %dma_start3A_228 = tpu.memref_squeeze %dma_start3A_227 : memref<1x!tpu.dma_semaphore, #tpu.memory_space<semaphore_mem>> -> memref<!tpu.dma_semaphore, #tpu.memory_space<semaphore_mem>>
        %dma_start3A_229 = arith.constant 0 : i32
        %dma_start3A_230 = tpu.memref_slice %arg9[%sub3A_126, %dma_start3A_229] : memref<2x80xi32, #tpu.memory_space<vmem>> -> memref<1x80xi32, #tpu.memory_space<vmem>>
        %dma_start3A_231 = tpu.memref_squeeze %dma_start3A_230 : memref<1x80xi32, #tpu.memory_space<vmem>> -> memref<80xi32, #tpu.memory_space<vmem>>
        %dma_start3A_232 = arith.constant 0 : i32
        %dma_start3A_233 = tpu.memref_slice %arg5[%add3A, %add3A_203, %dma_start3A_232] : memref<32x52x80xi32, #tpu.memory_space<hbm>> -> memref<1x1x80xi32, #tpu.memory_space<hbm>>
        %dma_start3A_234 = tpu.memref_squeeze %dma_start3A_233 : memref<1x1x80xi32, #tpu.memory_space<hbm>> -> memref<80xi32, #tpu.memory_space<hbm>>
        tpu.enqueue_dma source(%dma_start3A_234 : memref<80xi32, #tpu.memory_space<hbm>>) target(%dma_start3A_231 : memref<80xi32, #tpu.memory_space<vmem>>) target_semaphore(%dma_start3A_228 : memref<!tpu.dma_semaphore, #tpu.memory_space<semaphore_mem>>)
        %dma_start3A_235 = arith.constant 0 : i32
        %dma_start3A_236 = arith.constant 0 : i32
        %dma_start3A_237 = tpu.memref_slice %arg10[%sub3A_126, %dma_start3A_235, %dma_start3A_236] : memref<2x80x128xf32, #tpu.memory_space<vmem>> -> memref<1x80x128xf32, #tpu.memory_space<vmem>>
        %dma_start3A_238 = tpu.memref_squeeze %dma_start3A_237 : memref<1x80x128xf32, #tpu.memory_space<vmem>> -> memref<80x128xf32, #tpu.memory_space<vmem>>
        %dma_start3A_239 = arith.constant 0 : i32
        %dma_start3A_240 = tpu.memref_slice %arg8[%sub3A_126, %dma_start3A_239] : memref<2x80xi32, #tpu.memory_space<vmem>> -> memref<1x80xi32, #tpu.memory_space<vmem>>
        %dma_start3A_241 = tpu.memref_squeeze %dma_start3A_240 : memref<1x80xi32, #tpu.memory_space<vmem>> -> memref<80xi32, #tpu.memory_space<vmem>>
        %dma_start3A_242 = arith.constant 0 : i32
        %dma_start3A_243 = arith.constant 0 : i32
        %dma_start3A_244 = tpu.memref_slice %arg3[%dma_start3A_242, %dma_start3A_243] : memref<10000x128xf32, #tpu.memory_space<hbm>> -> memref<10000x128xf32, #tpu.memory_space<hbm>>
        %dma_start3A_245 = tpu.memref_slice %arg13[%sub3A_126] : memref<2x!tpu.dma_semaphore, #tpu.memory_space<semaphore_mem>> -> memref<1x!tpu.dma_semaphore, #tpu.memory_space<semaphore_mem>>
        %dma_start3A_246 = tpu.memref_squeeze %dma_start3A_245 : memref<1x!tpu.dma_semaphore, #tpu.memory_space<semaphore_mem>> -> memref<!tpu.dma_semaphore, #tpu.memory_space<semaphore_mem>>
        tpu.enqueue_indirect_dma source(%dma_start3A_244 : memref<10000x128xf32, #tpu.memory_space<hbm>>) target(%dma_start3A_238 : memref<80x128xf32, #tpu.memory_space<vmem>>) offsets(%dma_start3A_241 : memref<80xi32, #tpu.memory_space<vmem>>) semaphore(%dma_start3A_246 : memref<!tpu.dma_semaphore, #tpu.memory_space<semaphore_mem>>)
      } else {
      }
      %mul3A_134 = arith.constant 80 : i32
      %mul3A_135 = arith.muli %scan3A_124, %mul3A_134 : i32
      %add3A_136 = arith.addi %mul3A_2, %mul3A_135 : i32
      %dma_wait3A_137 = arith.constant 0 : i32
      %dma_wait3A_138 = arith.constant 0 : i32
      %dma_wait3A_139 = tpu.memref_slice %arg11[%rem3A_125, %dma_wait3A_137, %dma_wait3A_138] : memref<2x80x128xf32, #tpu.memory_space<vmem>> -> memref<1x80x128xf32, #tpu.memory_space<vmem>>
      %dma_wait3A_140 = tpu.memref_squeeze %dma_wait3A_139 : memref<1x80x128xf32, #tpu.memory_space<vmem>> -> memref<80x128xf32, #tpu.memory_space<vmem>>
      %dma_wait3A_141 = arith.constant 0 : i32
      %dma_wait3A_142 = tpu.memref_slice %arg6[%add3A_136, %dma_wait3A_141] : memref<133120x128xf32, #tpu.memory_space<hbm>> -> memref<80x128xf32, #tpu.memory_space<hbm>>
      %dma_wait3A_143 = tpu.memref_slice %arg14[%rem3A_125] : memref<2x!tpu.dma_semaphore, #tpu.memory_space<semaphore_mem>> -> memref<1x!tpu.dma_semaphore, #tpu.memory_space<semaphore_mem>>
      %dma_wait3A_144 = tpu.memref_squeeze %dma_wait3A_143 : memref<1x!tpu.dma_semaphore, #tpu.memory_space<semaphore_mem>> -> memref<!tpu.dma_semaphore, #tpu.memory_space<semaphore_mem>>
      %dma_wait3A_145 = arith.constant 0 : i32
      %dma_wait3A_146 = arith.constant 0 : i32
      %dma_wait3A_147 = tpu.memref_slice %arg11[%rem3A_125, %dma_wait3A_145, %dma_wait3A_146] : memref<2x80x128xf32, #tpu.memory_space<vmem>> -> memref<1x80x128xf32, #tpu.memory_space<vmem>>
      %dma_wait3A_148 = tpu.memref_squeeze %dma_wait3A_147 : memref<1x80x128xf32, #tpu.memory_space<vmem>> -> memref<80x128xf32, #tpu.memory_space<vmem>>
      %dma_wait3A_149 = arith.constant 0 : i32
      %dma_wait3A_150 = tpu.memref_slice %arg6[%add3A_136, %dma_wait3A_149] : memref<133120x128xf32, #tpu.memory_space<hbm>> -> memref<80x128xf32, #tpu.memory_space<hbm>>
      tpu.wait_dma2 semaphore(%dma_wait3A_144 : memref<!tpu.dma_semaphore, #tpu.memory_space<semaphore_mem>>) src(%dma_wait3A_150 : memref<80x128xf32, #tpu.memory_space<hbm>>) dst(%dma_wait3A_148 : memref<80x128xf32, #tpu.memory_space<vmem>>)
      %dma_wait3A_151 = arith.constant 0 : i32
      %dma_wait3A_152 = tpu.memref_slice %arg9[%rem3A_125, %dma_wait3A_151] : memref<2x80xi32, #tpu.memory_space<vmem>> -> memref<1x80xi32, #tpu.memory_space<vmem>>
      %dma_wait3A_153 = tpu.memref_squeeze %dma_wait3A_152 : memref<1x80xi32, #tpu.memory_space<vmem>> -> memref<80xi32, #tpu.memory_space<vmem>>
      %dma_wait3A_154 = arith.constant 0 : i32
      %dma_wait3A_155 = tpu.memref_slice %arg5[%add3A, %scan3A_124, %dma_wait3A_154] : memref<32x52x80xi32, #tpu.memory_space<hbm>> -> memref<1x1x80xi32, #tpu.memory_space<hbm>>
      %dma_wait3A_156 = tpu.memref_squeeze %dma_wait3A_155 : memref<1x1x80xi32, #tpu.memory_space<hbm>> -> memref<80xi32, #tpu.memory_space<hbm>>
      %dma_wait3A_157 = tpu.memref_slice %arg14[%rem3A_125] : memref<2x!tpu.dma_semaphore, #tpu.memory_space<semaphore_mem>> -> memref<1x!tpu.dma_semaphore, #tpu.memory_space<semaphore_mem>>
      %dma_wait3A_158 = tpu.memref_squeeze %dma_wait3A_157 : memref<1x!tpu.dma_semaphore, #tpu.memory_space<semaphore_mem>> -> memref<!tpu.dma_semaphore, #tpu.memory_space<semaphore_mem>>
      %dma_wait3A_159 = arith.constant 0 : i32
      %dma_wait3A_160 = tpu.memref_slice %arg9[%rem3A_125, %dma_wait3A_159] : memref<2x80xi32, #tpu.memory_space<vmem>> -> memref<1x80xi32, #tpu.memory_space<vmem>>
      %dma_wait3A_161 = tpu.memref_squeeze %dma_wait3A_160 : memref<1x80xi32, #tpu.memory_space<vmem>> -> memref<80xi32, #tpu.memory_space<vmem>>
      %dma_wait3A_162 = arith.constant 0 : i32
      %dma_wait3A_163 = tpu.memref_slice %arg5[%add3A, %scan3A_124, %dma_wait3A_162] : memref<32x52x80xi32, #tpu.memory_space<hbm>> -> memref<1x1x80xi32, #tpu.memory_space<hbm>>
      %dma_wait3A_164 = tpu.memref_squeeze %dma_wait3A_163 : memref<1x1x80xi32, #tpu.memory_space<hbm>> -> memref<80xi32, #tpu.memory_space<hbm>>
      tpu.wait_dma2 semaphore(%dma_wait3A_158 : memref<!tpu.dma_semaphore, #tpu.memory_space<semaphore_mem>>) src(%dma_wait3A_164 : memref<80xi32, #tpu.memory_space<hbm>>) dst(%dma_wait3A_161 : memref<80xi32, #tpu.memory_space<vmem>>)
      %dma_wait3A_165 = arith.constant 0 : i32
      %dma_wait3A_166 = arith.constant 0 : i32
      %dma_wait3A_167 = tpu.memref_slice %arg10[%rem3A_125, %dma_wait3A_165, %dma_wait3A_166] : memref<2x80x128xf32, #tpu.memory_space<vmem>> -> memref<1x80x128xf32, #tpu.memory_space<vmem>>
      %dma_wait3A_168 = tpu.memref_squeeze %dma_wait3A_167 : memref<1x80x128xf32, #tpu.memory_space<vmem>> -> memref<80x128xf32, #tpu.memory_space<vmem>>
      %dma_wait3A_169 = arith.constant 0 : i32
      %dma_wait3A_170 = tpu.memref_slice %arg8[%rem3A_125, %dma_wait3A_169] : memref<2x80xi32, #tpu.memory_space<vmem>> -> memref<1x80xi32, #tpu.memory_space<vmem>>
      %dma_wait3A_171 = tpu.memref_squeeze %dma_wait3A_170 : memref<1x80xi32, #tpu.memory_space<vmem>> -> memref<80xi32, #tpu.memory_space<vmem>>
      %dma_wait3A_172 = arith.constant 0 : i32
      %dma_wait3A_173 = arith.constant 0 : i32
      %dma_wait3A_174 = tpu.memref_slice %arg3[%dma_wait3A_172, %dma_wait3A_173] : memref<10000x128xf32, #tpu.memory_space<hbm>> -> memref<10000x128xf32, #tpu.memory_space<hbm>>
      %dma_wait3A_175 = tpu.memref_slice %arg13[%rem3A_125] : memref<2x!tpu.dma_semaphore, #tpu.memory_space<semaphore_mem>> -> memref<1x!tpu.dma_semaphore, #tpu.memory_space<semaphore_mem>>
      %dma_wait3A_176 = tpu.memref_squeeze %dma_wait3A_175 : memref<1x!tpu.dma_semaphore, #tpu.memory_space<semaphore_mem>> -> memref<!tpu.dma_semaphore, #tpu.memory_space<semaphore_mem>>
      tpu.wait_indirect_dma semaphore(%dma_wait3A_176 : memref<!tpu.dma_semaphore, #tpu.memory_space<semaphore_mem>>) src(%dma_wait3A_174 : memref<10000x128xf32, #tpu.memory_space<hbm>>) dst(%dma_wait3A_168 : memref<80x128xf32, #tpu.memory_space<vmem>>)
      %add3A_177 = arith.constant 2 : i32
      %add3A_178 = arith.addi %scan3A_124, %add3A_177 : i32
      %lt3A_179 = arith.constant 52 : i32
      %lt3A_180 = arith.cmpi slt, %add3A_178, %lt3A_179 : i32
      %convert_element_type3A_181 = arith.extui %lt3A_180 : i1 to i32
      %cond3A_182 = arith.constant 0 : i32
      %cond3A_183 = arith.cmpi ne, %convert_element_type3A_181, %cond3A_182 : i32
      scf.if %cond3A_183 {
        %add3A_186 = arith.constant 2 : i32
        %add3A_187 = arith.addi %scan3A_124, %add3A_186 : i32
        %dma_start3A_188 = arith.constant 0 : i32
        %dma_start3A_189 = tpu.memref_slice %arg8[%rem3A_125, %dma_start3A_188] : memref<2x80xi32, #tpu.memory_space<vmem>> -> memref<1x80xi32, #tpu.memory_space<vmem>>
        %dma_start3A_190 = tpu.memref_squeeze %dma_start3A_189 : memref<1x80xi32, #tpu.memory_space<vmem>> -> memref<80xi32, #tpu.memory_space<vmem>>
        %dma_start3A_191 = arith.constant 0 : i32
        %dma_start3A_192 = tpu.memref_slice %arg4[%add3A, %add3A_187, %dma_start3A_191] : memref<32x52x80xi32, #tpu.memory_space<hbm>> -> memref<1x1x80xi32, #tpu.memory_space<hbm>>
        %dma_start3A_193 = tpu.memref_squeeze %dma_start3A_192 : memref<1x1x80xi32, #tpu.memory_space<hbm>> -> memref<80xi32, #tpu.memory_space<hbm>>
        %dma_start3A_194 = tpu.memref_slice %arg15[%rem3A_125] : memref<2x!tpu.dma_semaphore, #tpu.memory_space<semaphore_mem>> -> memref<1x!tpu.dma_semaphore, #tpu.memory_space<semaphore_mem>>
        %dma_start3A_195 = tpu.memref_squeeze %dma_start3A_194 : memref<1x!tpu.dma_semaphore, #tpu.memory_space<semaphore_mem>> -> memref<!tpu.dma_semaphore, #tpu.memory_space<semaphore_mem>>
        %dma_start3A_196 = arith.constant 0 : i32
        %dma_start3A_197 = tpu.memref_slice %arg8[%rem3A_125, %dma_start3A_196] : memref<2x80xi32, #tpu.memory_space<vmem>> -> memref<1x80xi32, #tpu.memory_space<vmem>>
        %dma_start3A_198 = tpu.memref_squeeze %dma_start3A_197 : memref<1x80xi32, #tpu.memory_space<vmem>> -> memref<80xi32, #tpu.memory_space<vmem>>
        %dma_start3A_199 = arith.constant 0 : i32
        %dma_start3A_200 = tpu.memref_slice %arg4[%add3A, %add3A_187, %dma_start3A_199] : memref<32x52x80xi32, #tpu.memory_space<hbm>> -> memref<1x1x80xi32, #tpu.memory_space<hbm>>
        %dma_start3A_201 = tpu.memref_squeeze %dma_start3A_200 : memref<1x1x80xi32, #tpu.memory_space<hbm>> -> memref<80xi32, #tpu.memory_space<hbm>>
        tpu.enqueue_dma source(%dma_start3A_201 : memref<80xi32, #tpu.memory_space<hbm>>) target(%dma_start3A_198 : memref<80xi32, #tpu.memory_space<vmem>>) target_semaphore(%dma_start3A_195 : memref<!tpu.dma_semaphore, #tpu.memory_space<semaphore_mem>>)
      } else {
      }
      %parallel_loop3A = arith.constant 0 : i32
      %parallel_loop3A_184 = arith.constant 80 : i32
      %parallel_loop3A_185 = arith.constant 1 : i32
      scf.for %parallel_loop3A_186 = %parallel_loop3A to %parallel_loop3A_184 step %parallel_loop3A_185  : i32 {
        %parallel_loop3A_187 = arith.constant 0 : i32
        %parallel_loop3A_188 = arith.constant 0 : i32
        %parallel_loop3A_189 = tpu.memref_slice %arg10[%rem3A_125, %parallel_loop3A_187, %parallel_loop3A_188] : memref<2x80x128xf32, #tpu.memory_space<vmem>> -> memref<1x80x128xf32, #tpu.memory_space<vmem>>
        %parallel_loop3A_190 = tpu.memref_squeeze %parallel_loop3A_189 : memref<1x80x128xf32, #tpu.memory_space<vmem>> -> memref<80x128xf32, #tpu.memory_space<vmem>>
        %parallel_loop3A_191 = arith.index_cast %parallel_loop3A_186 : i32 to index
        %parallel_loop3A_192 = arith.constant 0 : index
        %parallel_loop3A_193 = tpu.vector_load %parallel_loop3A_190[%parallel_loop3A_191, %parallel_loop3A_192] {strides = array<i32>} : memref<80x128xf32, #tpu.memory_space<vmem>>, vector<1x16xf32>,
        %parallel_loop3A_194 = vector.shape_cast %parallel_loop3A_193 : vector<1x16xf32> to vector<16xf32>
        %parallel_loop3A_195 = arith.constant 0 : i32
        %parallel_loop3A_196 = arith.constant 0 : i32
        %parallel_loop3A_197 = tpu.memref_slice %arg11[%rem3A_125, %parallel_loop3A_195, %parallel_loop3A_196] : memref<2x80x128xf32, #tpu.memory_space<vmem>> -> memref<1x80x128xf32, #tpu.memory_space<vmem>>
        %parallel_loop3A_198 = tpu.memref_squeeze %parallel_loop3A_197 : memref<1x80x128xf32, #tpu.memory_space<vmem>> -> memref<80x128xf32, #tpu.memory_space<vmem>>
        %parallel_loop3A_199 = arith.index_cast %parallel_loop3A_186 : i32 to index
        %parallel_loop3A_200 = arith.constant 0 : index
        %parallel_loop3A_201 = tpu.vector_load %parallel_loop3A_198[%parallel_loop3A_199, %parallel_loop3A_200] {strides = array<i32>} : memref<80x128xf32, #tpu.memory_space<vmem>>, vector<1x16xf32>,
        %parallel_loop3A_202 = vector.shape_cast %parallel_loop3A_201 : vector<1x16xf32> to vector<16xf32>
        %parallel_loop3A_203 = arith.addf %parallel_loop3A_194, %parallel_loop3A_202 : vector<16xf32>
        %parallel_loop3A_204 = arith.constant 0.000000e+00 : f32
        %parallel_loop3A_205 = vector.broadcast %parallel_loop3A_204 : f32 to vector<16xf32>
        %parallel_loop3A_206 = arith.maximumf %parallel_loop3A_203, %parallel_loop3A_205 : vector<16xf32>
        %parallel_loop3A_207 = arith.constant 0 : i32
        %parallel_loop3A_208 = arith.constant 0 : i32
        %parallel_loop3A_209 = tpu.memref_slice %arg10[%rem3A_125, %parallel_loop3A_207, %parallel_loop3A_208] : memref<2x80x128xf32, #tpu.memory_space<vmem>> -> memref<1x80x128xf32, #tpu.memory_space<vmem>>
        %parallel_loop3A_210 = tpu.memref_squeeze %parallel_loop3A_209 : memref<1x80x128xf32, #tpu.memory_space<vmem>> -> memref<80x128xf32, #tpu.memory_space<vmem>>
        %parallel_loop3A_211 = arith.index_cast %parallel_loop3A_186 : i32 to index
        %parallel_loop3A_212 = arith.constant 0 : index
        %parallel_loop3A_213 = tpu.vector_load %parallel_loop3A_210[%parallel_loop3A_211, %parallel_loop3A_212] {strides = array<i32>} : memref<80x128xf32, #tpu.memory_space<vmem>>, vector<1x16xf32>,
        %parallel_loop3A_214 = vector.shape_cast %parallel_loop3A_213 : vector<1x16xf32> to vector<16xf32>
        %parallel_loop3A_215 = vector.shape_cast %parallel_loop3A_206 : vector<16xf32> to vector<1x16xf32>
        tpu.vector_store %parallel_loop3A_210[%parallel_loop3A_211, %parallel_loop3A_212], %parallel_loop3A_215 {strides = array<i32>} : memref<80x128xf32, #tpu.memory_space<vmem>>, vector<1x16xf32>,
        %parallel_loop3A_216 = arith.constant 0 : i32
        %parallel_loop3A_217 = arith.constant 0 : i32
        %parallel_loop3A_218 = tpu.memref_slice %arg10[%rem3A_125, %parallel_loop3A_216, %parallel_loop3A_217] : memref<2x80x128xf32, #tpu.memory_space<vmem>> -> memref<1x80x128xf32, #tpu.memory_space<vmem>>
        %parallel_loop3A_219 = tpu.memref_squeeze %parallel_loop3A_218 : memref<1x80x128xf32, #tpu.memory_space<vmem>> -> memref<80x128xf32, #tpu.memory_space<vmem>>
        %parallel_loop3A_220 = arith.index_cast %parallel_loop3A_186 : i32 to index
        %parallel_loop3A_221 = arith.constant 16 : index
        %parallel_loop3A_222 = tpu.vector_load %parallel_loop3A_219[%parallel_loop3A_220, %parallel_loop3A_221] {strides = array<i32>} : memref<80x128xf32, #tpu.memory_space<vmem>>, vector<1x16xf32>,
        %parallel_loop3A_223 = vector.shape_cast %parallel_loop3A_222 : vector<1x16xf32> to vector<16xf32>
        %parallel_loop3A_224 = arith.constant 0 : i32
        %parallel_loop3A_225 = arith.constant 0 : i32
        %parallel_loop3A_226 = tpu.memref_slice %arg11[%rem3A_125, %parallel_loop3A_224, %parallel_loop3A_225] : memref<2x80x128xf32, #tpu.memory_space<vmem>> -> memref<1x80x128xf32, #tpu.memory_space<vmem>>
        %parallel_loop3A_227 = tpu.memref_squeeze %parallel_loop3A_226 : memref<1x80x128xf32, #tpu.memory_space<vmem>> -> memref<80x128xf32, #tpu.memory_space<vmem>>
        %parallel_loop3A_228 = arith.index_cast %parallel_loop3A_186 : i32 to index
        %parallel_loop3A_229 = arith.constant 16 : index
        %parallel_loop3A_230 = tpu.vector_load %parallel_loop3A_227[%parallel_loop3A_228, %parallel_loop3A_229] {strides = array<i32>} : memref<80x128xf32, #tpu.memory_space<vmem>>, vector<1x16xf32>,
        %parallel_loop3A_231 = vector.shape_cast %parallel_loop3A_230 : vector<1x16xf32> to vector<16xf32>
        %parallel_loop3A_232 = arith.addf %parallel_loop3A_223, %parallel_loop3A_231 : vector<16xf32>
        %parallel_loop3A_233 = arith.constant 0.000000e+00 : f32
        %parallel_loop3A_234 = vector.broadcast %parallel_loop3A_233 : f32 to vector<16xf32>
        %parallel_loop3A_235 = arith.maximumf %parallel_loop3A_232, %parallel_loop3A_234 : vector<16xf32>
        %parallel_loop3A_236 = arith.constant 0 : i32
        %parallel_loop3A_237 = arith.constant 0 : i32
        %parallel_loop3A_238 = tpu.memref_slice %arg10[%rem3A_125, %parallel_loop3A_236, %parallel_loop3A_237] : memref<2x80x128xf32, #tpu.memory_space<vmem>> -> memref<1x80x128xf32, #tpu.memory_space<vmem>>
        %parallel_loop3A_239 = tpu.memref_squeeze %parallel_loop3A_238 : memref<1x80x128xf32, #tpu.memory_space<vmem>> -> memref<80x128xf32, #tpu.memory_space<vmem>>
        %parallel_loop3A_240 = arith.index_cast %parallel_loop3A_186 : i32 to index
        %parallel_loop3A_241 = arith.constant 16 : index
        %parallel_loop3A_242 = tpu.vector_load %parallel_loop3A_239[%parallel_loop3A_240, %parallel_loop3A_241] {strides = array<i32>} : memref<80x128xf32, #tpu.memory_space<vmem>>, vector<1x16xf32>,
        %parallel_loop3A_243 = vector.shape_cast %parallel_loop3A_242 : vector<1x16xf32> to vector<16xf32>
        %parallel_loop3A_244 = vector.shape_cast %parallel_loop3A_235 : vector<16xf32> to vector<1x16xf32>
        tpu.vector_store %parallel_loop3A_239[%parallel_loop3A_240, %parallel_loop3A_241], %parallel_loop3A_244 {strides = array<i32>} : memref<80x128xf32, #tpu.memory_space<vmem>>, vector<1x16xf32>,
        %parallel_loop3A_245 = arith.constant 0 : i32
        %parallel_loop3A_246 = arith.constant 0 : i32
        %parallel_loop3A_247 = tpu.memref_slice %arg10[%rem3A_125, %parallel_loop3A_245, %parallel_loop3A_246] : memref<2x80x128xf32, #tpu.memory_space<vmem>> -> memref<1x80x128xf32, #tpu.memory_space<vmem>>
        %parallel_loop3A_248 = tpu.memref_squeeze %parallel_loop3A_247 : memref<1x80x128xf32, #tpu.memory_space<vmem>> -> memref<80x128xf32, #tpu.memory_space<vmem>>
        %parallel_loop3A_249 = arith.index_cast %parallel_loop3A_186 : i32 to index
        %parallel_loop3A_250 = arith.constant 32 : index
        %parallel_loop3A_251 = tpu.vector_load %parallel_loop3A_248[%parallel_loop3A_249, %parallel_loop3A_250] {strides = array<i32>} : memref<80x128xf32, #tpu.memory_space<vmem>>, vector<1x16xf32>,
        %parallel_loop3A_252 = vector.shape_cast %parallel_loop3A_251 : vector<1x16xf32> to vector<16xf32>
        %parallel_loop3A_253 = arith.constant 0 : i32
        %parallel_loop3A_254 = arith.constant 0 : i32
        %parallel_loop3A_255 = tpu.memref_slice %arg11[%rem3A_125, %parallel_loop3A_253, %parallel_loop3A_254] : memref<2x80x128xf32, #tpu.memory_space<vmem>> -> memref<1x80x128xf32, #tpu.memory_space<vmem>>
        %parallel_loop3A_256 = tpu.memref_squeeze %parallel_loop3A_255 : memref<1x80x128xf32, #tpu.memory_space<vmem>> -> memref<80x128xf32, #tpu.memory_space<vmem>>
        %parallel_loop3A_257 = arith.index_cast %parallel_loop3A_186 : i32 to index
        %parallel_loop3A_258 = arith.constant 32 : index
        %parallel_loop3A_259 = tpu.vector_load %parallel_loop3A_256[%parallel_loop3A_257, %parallel_loop3A_258] {strides = array<i32>} : memref<80x128xf32, #tpu.memory_space<vmem>>, vector<1x16xf32>,
        %parallel_loop3A_260 = vector.shape_cast %parallel_loop3A_259 : vector<1x16xf32> to vector<16xf32>
        %parallel_loop3A_261 = arith.addf %parallel_loop3A_252, %parallel_loop3A_260 : vector<16xf32>
        %parallel_loop3A_262 = arith.constant 0.000000e+00 : f32
        %parallel_loop3A_263 = vector.broadcast %parallel_loop3A_262 : f32 to vector<16xf32>
        %parallel_loop3A_264 = arith.maximumf %parallel_loop3A_261, %parallel_loop3A_263 : vector<16xf32>
        %parallel_loop3A_265 = arith.constant 0 : i32
        %parallel_loop3A_266 = arith.constant 0 : i32
        %parallel_loop3A_267 = tpu.memref_slice %arg10[%rem3A_125, %parallel_loop3A_265, %parallel_loop3A_266] : memref<2x80x128xf32, #tpu.memory_space<vmem>> -> memref<1x80x128xf32, #tpu.memory_space<vmem>>
        %parallel_loop3A_268 = tpu.memref_squeeze %parallel_loop3A_267 : memref<1x80x128xf32, #tpu.memory_space<vmem>> -> memref<80x128xf32, #tpu.memory_space<vmem>>
        %parallel_loop3A_269 = arith.index_cast %parallel_loop3A_186 : i32 to index
        %parallel_loop3A_270 = arith.constant 32 : index
        %parallel_loop3A_271 = tpu.vector_load %parallel_loop3A_268[%parallel_loop3A_269, %parallel_loop3A_270] {strides = array<i32>} : memref<80x128xf32, #tpu.memory_space<vmem>>, vector<1x16xf32>,
        %parallel_loop3A_272 = vector.shape_cast %parallel_loop3A_271 : vector<1x16xf32> to vector<16xf32>
        %parallel_loop3A_273 = vector.shape_cast %parallel_loop3A_264 : vector<16xf32> to vector<1x16xf32>
        tpu.vector_store %parallel_loop3A_268[%parallel_loop3A_269, %parallel_loop3A_270], %parallel_loop3A_273 {strides = array<i32>} : memref<80x128xf32, #tpu.memory_space<vmem>>, vector<1x16xf32>,
        %parallel_loop3A_274 = arith.constant 0 : i32
        %parallel_loop3A_275 = arith.constant 0 : i32
        %parallel_loop3A_276 = tpu.memref_slice %arg10[%rem3A_125, %parallel_loop3A_274, %parallel_loop3A_275] : memref<2x80x128xf32, #tpu.memory_space<vmem>> -> memref<1x80x128xf32, #tpu.memory_space<vmem>>
        %parallel_loop3A_277 = tpu.memref_squeeze %parallel_loop3A_276 : memref<1x80x128xf32, #tpu.memory_space<vmem>> -> memref<80x128xf32, #tpu.memory_space<vmem>>
        %parallel_loop3A_278 = arith.index_cast %parallel_loop3A_186 : i32 to index
        %parallel_loop3A_279 = arith.constant 48 : index
        %parallel_loop3A_280 = tpu.vector_load %parallel_loop3A_277[%parallel_loop3A_278, %parallel_loop3A_279] {strides = array<i32>} : memref<80x128xf32, #tpu.memory_space<vmem>>, vector<1x16xf32>,
        %parallel_loop3A_281 = vector.shape_cast %parallel_loop3A_280 : vector<1x16xf32> to vector<16xf32>
        %parallel_loop3A_282 = arith.constant 0 : i32
        %parallel_loop3A_283 = arith.constant 0 : i32
        %parallel_loop3A_284 = tpu.memref_slice %arg11[%rem3A_125, %parallel_loop3A_282, %parallel_loop3A_283] : memref<2x80x128xf32, #tpu.memory_space<vmem>> -> memref<1x80x128xf32, #tpu.memory_space<vmem>>
        %parallel_loop3A_285 = tpu.memref_squeeze %parallel_loop3A_284 : memref<1x80x128xf32, #tpu.memory_space<vmem>> -> memref<80x128xf32, #tpu.memory_space<vmem>>
        %parallel_loop3A_286 = arith.index_cast %parallel_loop3A_186 : i32 to index
        %parallel_loop3A_287 = arith.constant 48 : index
        %parallel_loop3A_288 = tpu.vector_load %parallel_loop3A_285[%parallel_loop3A_286, %parallel_loop3A_287] {strides = array<i32>} : memref<80x128xf32, #tpu.memory_space<vmem>>, vector<1x16xf32>,
        %parallel_loop3A_289 = vector.shape_cast %parallel_loop3A_288 : vector<1x16xf32> to vector<16xf32>
        %parallel_loop3A_290 = arith.addf %parallel_loop3A_281, %parallel_loop3A_289 : vector<16xf32>
        %parallel_loop3A_291 = arith.constant 0.000000e+00 : f32
        %parallel_loop3A_292 = vector.broadcast %parallel_loop3A_291 : f32 to vector<16xf32>
        %parallel_loop3A_293 = arith.maximumf %parallel_loop3A_290, %parallel_loop3A_292 : vector<16xf32>
        %parallel_loop3A_294 = arith.constant 0 : i32
        %parallel_loop3A_295 = arith.constant 0 : i32
        %parallel_loop3A_296 = tpu.memref_slice %arg10[%rem3A_125, %parallel_loop3A_294, %parallel_loop3A_295] : memref<2x80x128xf32, #tpu.memory_space<vmem>> -> memref<1x80x128xf32, #tpu.memory_space<vmem>>
        %parallel_loop3A_297 = tpu.memref_squeeze %parallel_loop3A_296 : memref<1x80x128xf32, #tpu.memory_space<vmem>> -> memref<80x128xf32, #tpu.memory_space<vmem>>
        %parallel_loop3A_298 = arith.index_cast %parallel_loop3A_186 : i32 to index
        %parallel_loop3A_299 = arith.constant 48 : index
        %parallel_loop3A_300 = tpu.vector_load %parallel_loop3A_297[%parallel_loop3A_298, %parallel_loop3A_299] {strides = array<i32>} : memref<80x128xf32, #tpu.memory_space<vmem>>, vector<1x16xf32>,
        %parallel_loop3A_301 = vector.shape_cast %parallel_loop3A_300 : vector<1x16xf32> to vector<16xf32>
        %parallel_loop3A_302 = vector.shape_cast %parallel_loop3A_293 : vector<16xf32> to vector<1x16xf32>
        tpu.vector_store %parallel_loop3A_297[%parallel_loop3A_298, %parallel_loop3A_299], %parallel_loop3A_302 {strides = array<i32>} : memref<80x128xf32, #tpu.memory_space<vmem>>, vector<1x16xf32>,
        %parallel_loop3A_303 = arith.constant 0 : i32
        %parallel_loop3A_304 = arith.constant 0 : i32
        %parallel_loop3A_305 = tpu.memref_slice %arg10[%rem3A_125, %parallel_loop3A_303, %parallel_loop3A_304] : memref<2x80x128xf32, #tpu.memory_space<vmem>> -> memref<1x80x128xf32, #tpu.memory_space<vmem>>
        %parallel_loop3A_306 = tpu.memref_squeeze %parallel_loop3A_305 : memref<1x80x128xf32, #tpu.memory_space<vmem>> -> memref<80x128xf32, #tpu.memory_space<vmem>>
        %parallel_loop3A_307 = arith.index_cast %parallel_loop3A_186 : i32 to index
        %parallel_loop3A_308 = arith.constant 64 : index
        %parallel_loop3A_309 = tpu.vector_load %parallel_loop3A_306[%parallel_loop3A_307, %parallel_loop3A_308] {strides = array<i32>} : memref<80x128xf32, #tpu.memory_space<vmem>>, vector<1x16xf32>,
        %parallel_loop3A_310 = vector.shape_cast %parallel_loop3A_309 : vector<1x16xf32> to vector<16xf32>
        %parallel_loop3A_311 = arith.constant 0 : i32
        %parallel_loop3A_312 = arith.constant 0 : i32
        %parallel_loop3A_313 = tpu.memref_slice %arg11[%rem3A_125, %parallel_loop3A_311, %parallel_loop3A_312] : memref<2x80x128xf32, #tpu.memory_space<vmem>> -> memref<1x80x128xf32, #tpu.memory_space<vmem>>
        %parallel_loop3A_314 = tpu.memref_squeeze %parallel_loop3A_313 : memref<1x80x128xf32, #tpu.memory_space<vmem>> -> memref<80x128xf32, #tpu.memory_space<vmem>>
        %parallel_loop3A_315 = arith.index_cast %parallel_loop3A_186 : i32 to index
        %parallel_loop3A_316 = arith.constant 64 : index
        %parallel_loop3A_317 = tpu.vector_load %parallel_loop3A_314[%parallel_loop3A_315, %parallel_loop3A_316] {strides = array<i32>} : memref<80x128xf32, #tpu.memory_space<vmem>>, vector<1x16xf32>,
        %parallel_loop3A_318 = vector.shape_cast %parallel_loop3A_317 : vector<1x16xf32> to vector<16xf32>
        %parallel_loop3A_319 = arith.addf %parallel_loop3A_310, %parallel_loop3A_318 : vector<16xf32>
        %parallel_loop3A_320 = arith.constant 0.000000e+00 : f32
        %parallel_loop3A_321 = vector.broadcast %parallel_loop3A_320 : f32 to vector<16xf32>
        %parallel_loop3A_322 = arith.maximumf %parallel_loop3A_319, %parallel_loop3A_321 : vector<16xf32>
        %parallel_loop3A_323 = arith.constant 0 : i32
        %parallel_loop3A_324 = arith.constant 0 : i32
        %parallel_loop3A_325 = tpu.memref_slice %arg10[%rem3A_125, %parallel_loop3A_323, %parallel_loop3A_324] : memref<2x80x128xf32, #tpu.memory_space<vmem>> -> memref<1x80x128xf32, #tpu.memory_space<vmem>>
        %parallel_loop3A_326 = tpu.memref_squeeze %parallel_loop3A_325 : memref<1x80x128xf32, #tpu.memory_space<vmem>> -> memref<80x128xf32, #tpu.memory_space<vmem>>
        %parallel_loop3A_327 = arith.index_cast %parallel_loop3A_186 : i32 to index
        %parallel_loop3A_328 = arith.constant 64 : index
        %parallel_loop3A_329 = tpu.vector_load %parallel_loop3A_326[%parallel_loop3A_327, %parallel_loop3A_328] {strides = array<i32>} : memref<80x128xf32, #tpu.memory_space<vmem>>, vector<1x16xf32>,
        %parallel_loop3A_330 = vector.shape_cast %parallel_loop3A_329 : vector<1x16xf32> to vector<16xf32>
        %parallel_loop3A_331 = vector.shape_cast %parallel_loop3A_322 : vector<16xf32> to vector<1x16xf32>
        tpu.vector_store %parallel_loop3A_326[%parallel_loop3A_327, %parallel_loop3A_328], %parallel_loop3A_331 {strides = array<i32>} : memref<80x128xf32, #tpu.memory_space<vmem>>, vector<1x16xf32>,
        %parallel_loop3A_332 = arith.constant 0 : i32
        %parallel_loop3A_333 = arith.constant 0 : i32
        %parallel_loop3A_334 = tpu.memref_slice %arg10[%rem3A_125, %parallel_loop3A_332, %parallel_loop3A_333] : memref<2x80x128xf32, #tpu.memory_space<vmem>> -> memref<1x80x128xf32, #tpu.memory_space<vmem>>
        %parallel_loop3A_335 = tpu.memref_squeeze %parallel_loop3A_334 : memref<1x80x128xf32, #tpu.memory_space<vmem>> -> memref<80x128xf32, #tpu.memory_space<vmem>>
        %parallel_loop3A_336 = arith.index_cast %parallel_loop3A_186 : i32 to index
        %parallel_loop3A_337 = arith.constant 80 : index
        %parallel_loop3A_338 = tpu.vector_load %parallel_loop3A_335[%parallel_loop3A_336, %parallel_loop3A_337] {strides = array<i32>} : memref<80x128xf32, #tpu.memory_space<vmem>>, vector<1x16xf32>,
        %parallel_loop3A_339 = vector.shape_cast %parallel_loop3A_338 : vector<1x16xf32> to vector<16xf32>
        %parallel_loop3A_340 = arith.constant 0 : i32
        %parallel_loop3A_341 = arith.constant 0 : i32
        %parallel_loop3A_342 = tpu.memref_slice %arg11[%rem3A_125, %parallel_loop3A_340, %parallel_loop3A_341] : memref<2x80x128xf32, #tpu.memory_space<vmem>> -> memref<1x80x128xf32, #tpu.memory_space<vmem>>
        %parallel_loop3A_343 = tpu.memref_squeeze %parallel_loop3A_342 : memref<1x80x128xf32, #tpu.memory_space<vmem>> -> memref<80x128xf32, #tpu.memory_space<vmem>>
        %parallel_loop3A_344 = arith.index_cast %parallel_loop3A_186 : i32 to index
        %parallel_loop3A_345 = arith.constant 80 : index
        %parallel_loop3A_346 = tpu.vector_load %parallel_loop3A_343[%parallel_loop3A_344, %parallel_loop3A_345] {strides = array<i32>} : memref<80x128xf32, #tpu.memory_space<vmem>>, vector<1x16xf32>,
        %parallel_loop3A_347 = vector.shape_cast %parallel_loop3A_346 : vector<1x16xf32> to vector<16xf32>
        %parallel_loop3A_348 = arith.addf %parallel_loop3A_339, %parallel_loop3A_347 : vector<16xf32>
        %parallel_loop3A_349 = arith.constant 0.000000e+00 : f32
        %parallel_loop3A_350 = vector.broadcast %parallel_loop3A_349 : f32 to vector<16xf32>
        %parallel_loop3A_351 = arith.maximumf %parallel_loop3A_348, %parallel_loop3A_350 : vector<16xf32>
        %parallel_loop3A_352 = arith.constant 0 : i32
        %parallel_loop3A_353 = arith.constant 0 : i32
        %parallel_loop3A_354 = tpu.memref_slice %arg10[%rem3A_125, %parallel_loop3A_352, %parallel_loop3A_353] : memref<2x80x128xf32, #tpu.memory_space<vmem>> -> memref<1x80x128xf32, #tpu.memory_space<vmem>>
        %parallel_loop3A_355 = tpu.memref_squeeze %parallel_loop3A_354 : memref<1x80x128xf32, #tpu.memory_space<vmem>> -> memref<80x128xf32, #tpu.memory_space<vmem>>
        %parallel_loop3A_356 = arith.index_cast %parallel_loop3A_186 : i32 to index
        %parallel_loop3A_357 = arith.constant 80 : index
        %parallel_loop3A_358 = tpu.vector_load %parallel_loop3A_355[%parallel_loop3A_356, %parallel_loop3A_357] {strides = array<i32>} : memref<80x128xf32, #tpu.memory_space<vmem>>, vector<1x16xf32>,
        %parallel_loop3A_359 = vector.shape_cast %parallel_loop3A_358 : vector<1x16xf32> to vector<16xf32>
        %parallel_loop3A_360 = vector.shape_cast %parallel_loop3A_351 : vector<16xf32> to vector<1x16xf32>
        tpu.vector_store %parallel_loop3A_355[%parallel_loop3A_356, %parallel_loop3A_357], %parallel_loop3A_360 {strides = array<i32>} : memref<80x128xf32, #tpu.memory_space<vmem>>, vector<1x16xf32>,
        %parallel_loop3A_361 = arith.constant 0 : i32
        %parallel_loop3A_362 = arith.constant 0 : i32
        %parallel_loop3A_363 = tpu.memref_slice %arg10[%rem3A_125, %parallel_loop3A_361, %parallel_loop3A_362] : memref<2x80x128xf32, #tpu.memory_space<vmem>> -> memref<1x80x128xf32, #tpu.memory_space<vmem>>
        %parallel_loop3A_364 = tpu.memref_squeeze %parallel_loop3A_363 : memref<1x80x128xf32, #tpu.memory_space<vmem>> -> memref<80x128xf32, #tpu.memory_space<vmem>>
        %parallel_loop3A_365 = arith.index_cast %parallel_loop3A_186 : i32 to index
        %parallel_loop3A_366 = arith.constant 96 : index
        %parallel_loop3A_367 = tpu.vector_load %parallel_loop3A_364[%parallel_loop3A_365, %parallel_loop3A_366] {strides = array<i32>} : memref<80x128xf32, #tpu.memory_space<vmem>>, vector<1x16xf32>,
        %parallel_loop3A_368 = vector.shape_cast %parallel_loop3A_367 : vector<1x16xf32> to vector<16xf32>
        %parallel_loop3A_369 = arith.constant 0 : i32
        %parallel_loop3A_370 = arith.constant 0 : i32
        %parallel_loop3A_371 = tpu.memref_slice %arg11[%rem3A_125, %parallel_loop3A_369, %parallel_loop3A_370] : memref<2x80x128xf32, #tpu.memory_space<vmem>> -> memref<1x80x128xf32, #tpu.memory_space<vmem>>
        %parallel_loop3A_372 = tpu.memref_squeeze %parallel_loop3A_371 : memref<1x80x128xf32, #tpu.memory_space<vmem>> -> memref<80x128xf32, #tpu.memory_space<vmem>>
        %parallel_loop3A_373 = arith.index_cast %parallel_loop3A_186 : i32 to index
        %parallel_loop3A_374 = arith.constant 96 : index
        %parallel_loop3A_375 = tpu.vector_load %parallel_loop3A_372[%parallel_loop3A_373, %parallel_loop3A_374] {strides = array<i32>} : memref<80x128xf32, #tpu.memory_space<vmem>>, vector<1x16xf32>,
        %parallel_loop3A_376 = vector.shape_cast %parallel_loop3A_375 : vector<1x16xf32> to vector<16xf32>
        %parallel_loop3A_377 = arith.addf %parallel_loop3A_368, %parallel_loop3A_376 : vector<16xf32>
        %parallel_loop3A_378 = arith.constant 0.000000e+00 : f32
        %parallel_loop3A_379 = vector.broadcast %parallel_loop3A_378 : f32 to vector<16xf32>
        %parallel_loop3A_380 = arith.maximumf %parallel_loop3A_377, %parallel_loop3A_379 : vector<16xf32>
        %parallel_loop3A_381 = arith.constant 0 : i32
        %parallel_loop3A_382 = arith.constant 0 : i32
        %parallel_loop3A_383 = tpu.memref_slice %arg10[%rem3A_125, %parallel_loop3A_381, %parallel_loop3A_382] : memref<2x80x128xf32, #tpu.memory_space<vmem>> -> memref<1x80x128xf32, #tpu.memory_space<vmem>>
        %parallel_loop3A_384 = tpu.memref_squeeze %parallel_loop3A_383 : memref<1x80x128xf32, #tpu.memory_space<vmem>> -> memref<80x128xf32, #tpu.memory_space<vmem>>
        %parallel_loop3A_385 = arith.index_cast %parallel_loop3A_186 : i32 to index
        %parallel_loop3A_386 = arith.constant 96 : index
        %parallel_loop3A_387 = tpu.vector_load %parallel_loop3A_384[%parallel_loop3A_385, %parallel_loop3A_386] {strides = array<i32>} : memref<80x128xf32, #tpu.memory_space<vmem>>, vector<1x16xf32>,
        %parallel_loop3A_388 = vector.shape_cast %parallel_loop3A_387 : vector<1x16xf32> to vector<16xf32>
        %parallel_loop3A_389 = vector.shape_cast %parallel_loop3A_380 : vector<16xf32> to vector<1x16xf32>
        tpu.vector_store %parallel_loop3A_384[%parallel_loop3A_385, %parallel_loop3A_386], %parallel_loop3A_389 {strides = array<i32>} : memref<80x128xf32, #tpu.memory_space<vmem>>, vector<1x16xf32>,
        %parallel_loop3A_390 = arith.constant 0 : i32
        %parallel_loop3A_391 = arith.constant 0 : i32
        %parallel_loop3A_392 = tpu.memref_slice %arg10[%rem3A_125, %parallel_loop3A_390, %parallel_loop3A_391] : memref<2x80x128xf32, #tpu.memory_space<vmem>> -> memref<1x80x128xf32, #tpu.memory_space<vmem>>
        %parallel_loop3A_393 = tpu.memref_squeeze %parallel_loop3A_392 : memref<1x80x128xf32, #tpu.memory_space<vmem>> -> memref<80x128xf32, #tpu.memory_space<vmem>>
        %parallel_loop3A_394 = arith.index_cast %parallel_loop3A_186 : i32 to index
        %parallel_loop3A_395 = arith.constant 112 : index
        %parallel_loop3A_396 = tpu.vector_load %parallel_loop3A_393[%parallel_loop3A_394, %parallel_loop3A_395] {strides = array<i32>} : memref<80x128xf32, #tpu.memory_space<vmem>>, vector<1x16xf32>,
        %parallel_loop3A_397 = vector.shape_cast %parallel_loop3A_396 : vector<1x16xf32> to vector<16xf32>
        %parallel_loop3A_398 = arith.constant 0 : i32
        %parallel_loop3A_399 = arith.constant 0 : i32
        %parallel_loop3A_400 = tpu.memref_slice %arg11[%rem3A_125, %parallel_loop3A_398, %parallel_loop3A_399] : memref<2x80x128xf32, #tpu.memory_space<vmem>> -> memref<1x80x128xf32, #tpu.memory_space<vmem>>
        %parallel_loop3A_401 = tpu.memref_squeeze %parallel_loop3A_400 : memref<1x80x128xf32, #tpu.memory_space<vmem>> -> memref<80x128xf32, #tpu.memory_space<vmem>>
        %parallel_loop3A_402 = arith.index_cast %parallel_loop3A_186 : i32 to index
        %parallel_loop3A_403 = arith.constant 112 : index
        %parallel_loop3A_404 = tpu.vector_load %parallel_loop3A_401[%parallel_loop3A_402, %parallel_loop3A_403] {strides = array<i32>} : memref<80x128xf32, #tpu.memory_space<vmem>>, vector<1x16xf32>,
        %parallel_loop3A_405 = vector.shape_cast %parallel_loop3A_404 : vector<1x16xf32> to vector<16xf32>
        %parallel_loop3A_406 = arith.addf %parallel_loop3A_397, %parallel_loop3A_405 : vector<16xf32>
        %parallel_loop3A_407 = arith.constant 0.000000e+00 : f32
        %parallel_loop3A_408 = vector.broadcast %parallel_loop3A_407 : f32 to vector<16xf32>
        %parallel_loop3A_409 = arith.maximumf %parallel_loop3A_406, %parallel_loop3A_408 : vector<16xf32>
        %parallel_loop3A_410 = arith.constant 0 : i32
        %parallel_loop3A_411 = arith.constant 0 : i32
        %parallel_loop3A_412 = tpu.memref_slice %arg10[%rem3A_125, %parallel_loop3A_410, %parallel_loop3A_411] : memref<2x80x128xf32, #tpu.memory_space<vmem>> -> memref<1x80x128xf32, #tpu.memory_space<vmem>>
        %parallel_loop3A_413 = tpu.memref_squeeze %parallel_loop3A_412 : memref<1x80x128xf32, #tpu.memory_space<vmem>> -> memref<80x128xf32, #tpu.memory_space<vmem>>
        %parallel_loop3A_414 = arith.index_cast %parallel_loop3A_186 : i32 to index
        %parallel_loop3A_415 = arith.constant 112 : index
        %parallel_loop3A_416 = tpu.vector_load %parallel_loop3A_413[%parallel_loop3A_414, %parallel_loop3A_415] {strides = array<i32>} : memref<80x128xf32, #tpu.memory_space<vmem>>, vector<1x16xf32>,
        %parallel_loop3A_417 = vector.shape_cast %parallel_loop3A_416 : vector<1x16xf32> to vector<16xf32>
        %parallel_loop3A_418 = vector.shape_cast %parallel_loop3A_409 : vector<16xf32> to vector<1x16xf32>
        tpu.vector_store %parallel_loop3A_413[%parallel_loop3A_414, %parallel_loop3A_415], %parallel_loop3A_418 {strides = array<i32>} : memref<80x128xf32, #tpu.memory_space<vmem>>, vector<1x16xf32>,
      } {sc.loop_unroll_factor = 4 : i64, sc.parallel_access}
      "tpu.region"() ({
        %run_scoped3A = tpu.sem_alloc : memref<!tpu.dma_semaphore, #tpu.memory_space<semaphore_mem>>
        %dma_start3A_186 = arith.constant 0 : i32
        %dma_start3A_187 = arith.constant 0 : i32
        %dma_start3A_188 = tpu.memref_slice %arg10[%rem3A_125, %dma_start3A_186, %dma_start3A_187] : memref<2x80x128xf32, #tpu.memory_space<vmem>> -> memref<1x80x128xf32, #tpu.memory_space<vmem>>
        %dma_start3A_189 = tpu.memref_squeeze %dma_start3A_188 : memref<1x80x128xf32, #tpu.memory_space<vmem>> -> memref<80x128xf32, #tpu.memory_space<vmem>>
        %dma_start3A_190 = arith.constant 0 : i32
        %dma_start3A_191 = tpu.memref_slice %arg9[%rem3A_125, %dma_start3A_190] : memref<2x80xi32, #tpu.memory_space<vmem>> -> memref<1x80xi32, #tpu.memory_space<vmem>>
        %dma_start3A_192 = tpu.memref_squeeze %dma_start3A_191 : memref<1x80xi32, #tpu.memory_space<vmem>> -> memref<80xi32, #tpu.memory_space<vmem>>
        %dma_start3A_193 = arith.constant 0 : i32
        %dma_start3A_194 = arith.constant 0 : i32
        %dma_start3A_195 = tpu.memref_slice %arg12[%dma_start3A_193, %dma_start3A_194] : memref<10000x128xf32, #tpu.memory_space<vmem_shared>> -> memref<10000x128xf32, #tpu.memory_space<vmem_shared>>
        tpu.enqueue_indirect_dma source(%dma_start3A_189 : memref<80x128xf32, #tpu.memory_space<vmem>>) target(%dma_start3A_195 : memref<10000x128xf32, #tpu.memory_space<vmem_shared>>) offsets(%dma_start3A_192 : memref<80xi32, #tpu.memory_space<vmem>>) semaphore(%run_scoped3A : memref<!tpu.dma_semaphore, #tpu.memory_space<semaphore_mem>>) {add = true}
        %dma_wait3A_196 = arith.constant 0 : i32
        %dma_wait3A_197 = arith.constant 0 : i32
        %dma_wait3A_198 = tpu.memref_slice %arg10[%rem3A_125, %dma_wait3A_196, %dma_wait3A_197] : memref<2x80x128xf32, #tpu.memory_space<vmem>> -> memref<1x80x128xf32, #tpu.memory_space<vmem>>
        %dma_wait3A_199 = tpu.memref_squeeze %dma_wait3A_198 : memref<1x80x128xf32, #tpu.memory_space<vmem>> -> memref<80x128xf32, #tpu.memory_space<vmem>>
        %dma_wait3A_200 = arith.constant 0 : i32
        %dma_wait3A_201 = tpu.memref_slice %arg9[%rem3A_125, %dma_wait3A_200] : memref<2x80xi32, #tpu.memory_space<vmem>> -> memref<1x80xi32, #tpu.memory_space<vmem>>
        %dma_wait3A_202 = tpu.memref_squeeze %dma_wait3A_201 : memref<1x80xi32, #tpu.memory_space<vmem>> -> memref<80xi32, #tpu.memory_space<vmem>>
        %dma_wait3A_203 = arith.constant 0 : i32
        %dma_wait3A_204 = arith.constant 0 : i32
        %dma_wait3A_205 = tpu.memref_slice %arg12[%dma_wait3A_203, %dma_wait3A_204] : memref<10000x128xf32, #tpu.memory_space<vmem_shared>> -> memref<10000x128xf32, #tpu.memory_space<vmem_shared>>
        tpu.wait_indirect_dma semaphore(%run_scoped3A : memref<!tpu.dma_semaphore, #tpu.memory_space<semaphore_mem>>) src(%dma_wait3A_199 : memref<80x128xf32, #tpu.memory_space<vmem>>) dst(%dma_wait3A_205 : memref<10000x128xf32, #tpu.memory_space<vmem_shared>>)
        tpu.yield
      }) : () -> ()
    }
    %scan3A_112 = arith.constant 52 : i32
    %barrier3A_113 = arith.constant 0 : index
    tpu.barrier barrier_id(%barrier3A_113)
    %lt3A_114 = arith.constant 15 : i32
    %lt3A_115 = arith.cmpi slt, %arg1, %lt3A_114 : i32
    %convert_element_type3A_116 = arith.extui %lt3A_115 : i1 to i32
    %cond3A_117 = arith.constant 0 : i32
    %cond3A_118 = arith.cmpi ne, %convert_element_type3A_116, %cond3A_117 : i32
    scf.if %cond3A_118 {
      %mul3A_124 = arith.constant 624 : i32
      %mul3A_125 = arith.muli %arg1, %mul3A_124 : i32
      %mul3A_126 = arith.constant 624 : i32
      %mul3A_127 = arith.muli %arg1, %mul3A_126 : i32
      "tpu.region"() ({
        %run_scoped3A = tpu.sem_alloc : memref<!tpu.dma_semaphore, #tpu.memory_space<semaphore_mem>>
        %dma_start3A_128 = arith.constant 0 : i32
        %dma_start3A_129 = tpu.memref_slice %arg7[%arg0, %mul3A_127, %dma_start3A_128] : memref<2x10000x128xf32, #tpu.memory_space<hbm>> -> memref<1x624x128xf32, #tpu.memory_space<hbm>>
        %dma_start3A_130 = tpu.memref_squeeze %dma_start3A_129 : memref<1x624x128xf32, #tpu.memory_space<hbm>> -> memref<624x128xf32, #tpu.memory_space<hbm>>
        %dma_start3A_131 = arith.constant 0 : i32
        %dma_start3A_132 = tpu.memref_slice %arg12[%mul3A_125, %dma_start3A_131] : memref<10000x128xf32, #tpu.memory_space<vmem_shared>> -> memref<624x128xf32, #tpu.memory_space<vmem_shared>>
        tpu.enqueue_dma source(%dma_start3A_132 : memref<624x128xf32, #tpu.memory_space<vmem_shared>>) target(%dma_start3A_130 : memref<624x128xf32, #tpu.memory_space<hbm>>) target_semaphore(%run_scoped3A : memref<!tpu.dma_semaphore, #tpu.memory_space<semaphore_mem>>)
        %dma_wait3A_133 = arith.constant 0 : i32
        %dma_wait3A_134 = tpu.memref_slice %arg7[%arg0, %mul3A_127, %dma_wait3A_133] : memref<2x10000x128xf32, #tpu.memory_space<hbm>> -> memref<1x624x128xf32, #tpu.memory_space<hbm>>
        %dma_wait3A_135 = tpu.memref_squeeze %dma_wait3A_134 : memref<1x624x128xf32, #tpu.memory_space<hbm>> -> memref<624x128xf32, #tpu.memory_space<hbm>>
        %dma_wait3A_136 = arith.constant 0 : i32
        %dma_wait3A_137 = tpu.memref_slice %arg12[%mul3A_125, %dma_wait3A_136] : memref<10000x128xf32, #tpu.memory_space<vmem_shared>> -> memref<624x128xf32, #tpu.memory_space<vmem_shared>>
        tpu.wait_dma2 semaphore(%run_scoped3A : memref<!tpu.dma_semaphore, #tpu.memory_space<semaphore_mem>>) src(%dma_wait3A_137 : memref<624x128xf32, #tpu.memory_space<vmem_shared>>) dst(%dma_wait3A_135 : memref<624x128xf32, #tpu.memory_space<hbm>>)
        tpu.yield
      }) : () -> ()
    } else {
    }
    %eq3A_119 = arith.constant 15 : i32
    %eq3A_120 = arith.cmpi eq, %arg1, %eq3A_119 : i32
    %convert_element_type3A_121 = arith.extui %eq3A_120 : i1 to i32
    %cond3A_122 = arith.constant 0 : i32
    %cond3A_123 = arith.cmpi ne, %convert_element_type3A_121, %cond3A_122 : i32
    scf.if %cond3A_123 {
      %mul3A_124 = arith.constant 624 : i32
      %mul3A_125 = arith.muli %arg1, %mul3A_124 : i32
      %mul3A_126 = arith.constant 624 : i32
      %mul3A_127 = arith.muli %arg1, %mul3A_126 : i32
      "tpu.region"() ({
        %run_scoped3A = tpu.sem_alloc : memref<!tpu.dma_semaphore, #tpu.memory_space<semaphore_mem>>
        %dma_start3A_128 = arith.constant 0 : i32
        %dma_start3A_129 = tpu.memref_slice %arg7[%arg0, %mul3A_127, %dma_start3A_128] : memref<2x10000x128xf32, #tpu.memory_space<hbm>> -> memref<1x640x128xf32, #tpu.memory_space<hbm>>
        %dma_start3A_130 = tpu.memref_squeeze %dma_start3A_129 : memref<1x640x128xf32, #tpu.memory_space<hbm>> -> memref<640x128xf32, #tpu.memory_space<hbm>>
        %dma_start3A_131 = arith.constant 0 : i32
        %dma_start3A_132 = tpu.memref_slice %arg12[%mul3A_125, %dma_start3A_131] : memref<10000x128xf32, #tpu.memory_space<vmem_shared>> -> memref<640x128xf32, #tpu.memory_space<vmem_shared>>
        tpu.enqueue_dma source(%dma_start3A_132 : memref<640x128xf32, #tpu.memory_space<vmem_shared>>) target(%dma_start3A_130 : memref<640x128xf32, #tpu.memory_space<hbm>>) target_semaphore(%run_scoped3A : memref<!tpu.dma_semaphore, #tpu.memory_space<semaphore_mem>>)
        %dma_wait3A_133 = arith.constant 0 : i32
        %dma_wait3A_134 = tpu.memref_slice %arg7[%arg0, %mul3A_127, %dma_wait3A_133] : memref<2x10000x128xf32, #tpu.memory_space<hbm>> -> memref<1x640x128xf32, #tpu.memory_space<hbm>>
        %dma_wait3A_135 = tpu.memref_squeeze %dma_wait3A_134 : memref<1x640x128xf32, #tpu.memory_space<hbm>> -> memref<640x128xf32, #tpu.memory_space<hbm>>
        %dma_wait3A_136 = arith.constant 0 : i32
        %dma_wait3A_137 = tpu.memref_slice %arg12[%mul3A_125, %dma_wait3A_136] : memref<10000x128xf32, #tpu.memory_space<vmem_shared>> -> memref<640x128xf32, #tpu.memory_space<vmem_shared>>
        tpu.wait_dma2 semaphore(%run_scoped3A : memref<!tpu.dma_semaphore, #tpu.memory_space<semaphore_mem>>) src(%dma_wait3A_137 : memref<640x128xf32, #tpu.memory_space<vmem_shared>>) dst(%dma_wait3A_135 : memref<640x128xf32, #tpu.memory_space<hbm>>)
        tpu.yield
      }) : () -> ()
    } else {
    }
    return
  }
}

#map = affine_map<(d0, d1) -> (0, 0, 0)>
#map1 = affine_map<(d0, d1) -> (0, 0)>
module attributes {stable_mosaic.version = 14 : i64} {
  func.func @sc_scatter(%arg0: i32, %arg1: i32, %arg2: memref<2x10000x128xf32, #tpu.memory_space<hbm>>, %arg3: memref<10000x128xf32, #tpu.memory_space<hbm>>, %arg4: memref<32x73x80xi32, #tpu.memory_space<hbm>>, %arg5: memref<32x73x80xi32, #tpu.memory_space<hbm>>, %arg6: memref<186880x128xf32, #tpu.memory_space<hbm>>, %arg7: memref<2x10000x128xf32, #tpu.memory_space<hbm>>, %arg8: memref<2x80xi32, #tpu.memory_space<vmem>>, %arg9: memref<2x80xi32, #tpu.memory_space<vmem>>, %arg10: memref<2x80x128xf32, #tpu.memory_space<vmem>>, %arg11: memref<2x80x128xf32, #tpu.memory_space<vmem>>, %arg12: memref<10000x128xf32, #tpu.memory_space<vmem_shared>>, %arg13: memref<2x!tpu.dma_semaphore, #tpu.memory_space<semaphore_mem>>, %arg14: memref<2x!tpu.dma_semaphore, #tpu.memory_space<semaphore_mem>>, %arg15: memref<2x!tpu.dma_semaphore, #tpu.memory_space<semaphore_mem>>) attributes {dimension_semantics = [#tpu.dimension_semantics<core_parallel>, #tpu.dimension_semantics<subcore_parallel>], iteration_bounds = array<i64: 2, 16>, scalar_prefetch = 0 : i64, scratch_operands = 8 : i64, tpu.core_type = #tpu.core_type<sc_vector_subcore>, window_params = [{transform_indices = #map}, {transform_indices = #map1}, {transform_indices = #map}, {transform_indices = #map}, {transform_indices = #map1}, {transform_indices = #map}]} {
    %mul3A = arith.constant 16 : i32
    %mul3A_0 = arith.muli %arg0, %mul3A : i32
    %add3A = arith.addi %mul3A_0, %arg1 : i32
    %mul3A_1 = arith.constant 5840 : i32
    %mul3A_2 = arith.muli %add3A, %mul3A_1 : i32
    %dma_start3A = arith.constant 0 : i32
    %dma_start3A_3 = arith.constant 0 : i32
    %dma_start3A_4 = arith.constant 0 : i32
    %dma_start3A_5 = arith.constant 0 : i32
    %dma_start3A_6 = tpu.memref_slice %arg8[%dma_start3A_3, %dma_start3A_5] : memref<2x80xi32, #tpu.memory_space<vmem>> -> memref<1x80xi32, #tpu.memory_space<vmem>>
    %dma_start3A_7 = tpu.memref_squeeze %dma_start3A_6 : memref<1x80xi32, #tpu.memory_space<vmem>> -> memref<80xi32, #tpu.memory_space<vmem>>
    %dma_start3A_8 = arith.constant 0 : i32
    %dma_start3A_9 = tpu.memref_slice %arg4[%add3A, %dma_start3A, %dma_start3A_8] : memref<32x73x80xi32, #tpu.memory_space<hbm>> -> memref<1x1x80xi32, #tpu.memory_space<hbm>>
    %dma_start3A_10 = tpu.memref_squeeze %dma_start3A_9 : memref<1x1x80xi32, #tpu.memory_space<hbm>> -> memref<80xi32, #tpu.memory_space<hbm>>
    %dma_start3A_11 = tpu.memref_slice %arg15[%dma_start3A_4] : memref<2x!tpu.dma_semaphore, #tpu.memory_space<semaphore_mem>> -> memref<1x!tpu.dma_semaphore, #tpu.memory_space<semaphore_mem>>
    %dma_start3A_12 = tpu.memref_squeeze %dma_start3A_11 : memref<1x!tpu.dma_semaphore, #tpu.memory_space<semaphore_mem>> -> memref<!tpu.dma_semaphore, #tpu.memory_space<semaphore_mem>>
    %dma_start3A_13 = arith.constant 0 : i32
    %dma_start3A_14 = tpu.memref_slice %arg8[%dma_start3A_3, %dma_start3A_13] : memref<2x80xi32, #tpu.memory_space<vmem>> -> memref<1x80xi32, #tpu.memory_space<vmem>>
    %dma_start3A_15 = tpu.memref_squeeze %dma_start3A_14 : memref<1x80xi32, #tpu.memory_space<vmem>> -> memref<80xi32, #tpu.memory_space<vmem>>
    %dma_start3A_16 = arith.constant 0 : i32
    %dma_start3A_17 = tpu.memref_slice %arg4[%add3A, %dma_start3A, %dma_start3A_16] : memref<32x73x80xi32, #tpu.memory_space<hbm>> -> memref<1x1x80xi32, #tpu.memory_space<hbm>>
    %dma_start3A_18 = tpu.memref_squeeze %dma_start3A_17 : memref<1x1x80xi32, #tpu.memory_space<hbm>> -> memref<80xi32, #tpu.memory_space<hbm>>
    tpu.enqueue_dma source(%dma_start3A_18 : memref<80xi32, #tpu.memory_space<hbm>>) target(%dma_start3A_15 : memref<80xi32, #tpu.memory_space<vmem>>) target_semaphore(%dma_start3A_12 : memref<!tpu.dma_semaphore, #tpu.memory_space<semaphore_mem>>)
    %dma_start3A_19 = arith.constant 1 : i32
    %dma_start3A_20 = arith.constant 1 : i32
    %dma_start3A_21 = arith.constant 1 : i32
    %dma_start3A_22 = arith.constant 0 : i32
    %dma_start3A_23 = tpu.memref_slice %arg8[%dma_start3A_20, %dma_start3A_22] : memref<2x80xi32, #tpu.memory_space<vmem>> -> memref<1x80xi32, #tpu.memory_space<vmem>>
    %dma_start3A_24 = tpu.memref_squeeze %dma_start3A_23 : memref<1x80xi32, #tpu.memory_space<vmem>> -> memref<80xi32, #tpu.memory_space<vmem>>
    %dma_start3A_25 = arith.constant 0 : i32
    %dma_start3A_26 = tpu.memref_slice %arg4[%add3A, %dma_start3A_19, %dma_start3A_25] : memref<32x73x80xi32, #tpu.memory_space<hbm>> -> memref<1x1x80xi32, #tpu.memory_space<hbm>>
    %dma_start3A_27 = tpu.memref_squeeze %dma_start3A_26 : memref<1x1x80xi32, #tpu.memory_space<hbm>> -> memref<80xi32, #tpu.memory_space<hbm>>
    %dma_start3A_28 = tpu.memref_slice %arg15[%dma_start3A_21] : memref<2x!tpu.dma_semaphore, #tpu.memory_space<semaphore_mem>> -> memref<1x!tpu.dma_semaphore, #tpu.memory_space<semaphore_mem>>
    %dma_start3A_29 = tpu.memref_squeeze %dma_start3A_28 : memref<1x!tpu.dma_semaphore, #tpu.memory_space<semaphore_mem>> -> memref<!tpu.dma_semaphore, #tpu.memory_space<semaphore_mem>>
    %dma_start3A_30 = arith.constant 0 : i32
    %dma_start3A_31 = tpu.memref_slice %arg8[%dma_start3A_20, %dma_start3A_30] : memref<2x80xi32, #tpu.memory_space<vmem>> -> memref<1x80xi32, #tpu.memory_space<vmem>>
    %dma_start3A_32 = tpu.memref_squeeze %dma_start3A_31 : memref<1x80xi32, #tpu.memory_space<vmem>> -> memref<80xi32, #tpu.memory_space<vmem>>
    %dma_start3A_33 = arith.constant 0 : i32
    %dma_start3A_34 = tpu.memref_slice %arg4[%add3A, %dma_start3A_19, %dma_start3A_33] : memref<32x73x80xi32, #tpu.memory_space<hbm>> -> memref<1x1x80xi32, #tpu.memory_space<hbm>>
    %dma_start3A_35 = tpu.memref_squeeze %dma_start3A_34 : memref<1x1x80xi32, #tpu.memory_space<hbm>> -> memref<80xi32, #tpu.memory_space<hbm>>
    tpu.enqueue_dma source(%dma_start3A_35 : memref<80xi32, #tpu.memory_space<hbm>>) target(%dma_start3A_32 : memref<80xi32, #tpu.memory_space<vmem>>) target_semaphore(%dma_start3A_29 : memref<!tpu.dma_semaphore, #tpu.memory_space<semaphore_mem>>)
    %lt3A = arith.constant 15 : i32
    %lt3A_36 = arith.cmpi slt, %arg1, %lt3A : i32
    %convert_element_type3A = arith.extui %lt3A_36 : i1 to i32
    %cond3A = arith.constant 0 : i32
    %cond3A_37 = arith.cmpi ne, %convert_element_type3A, %cond3A : i32
    scf.if %cond3A_37 {
      %mul3A_124 = arith.constant 624 : i32
      %mul3A_125 = arith.muli %arg1, %mul3A_124 : i32
      %mul3A_126 = arith.constant 624 : i32
      %mul3A_127 = arith.muli %arg1, %mul3A_126 : i32
      "tpu.region"() ({
        %run_scoped3A = tpu.sem_alloc : memref<!tpu.dma_semaphore, #tpu.memory_space<semaphore_mem>>
        %dma_start3A_128 = arith.constant 0 : i32
        %dma_start3A_129 = tpu.memref_slice %arg12[%mul3A_127, %dma_start3A_128] : memref<10000x128xf32, #tpu.memory_space<vmem_shared>> -> memref<624x128xf32, #tpu.memory_space<vmem_shared>>
        %dma_start3A_130 = arith.constant 0 : i32
        %dma_start3A_131 = tpu.memref_slice %arg2[%arg0, %mul3A_125, %dma_start3A_130] : memref<2x10000x128xf32, #tpu.memory_space<hbm>> -> memref<1x624x128xf32, #tpu.memory_space<hbm>>
        %dma_start3A_132 = tpu.memref_squeeze %dma_start3A_131 : memref<1x624x128xf32, #tpu.memory_space<hbm>> -> memref<624x128xf32, #tpu.memory_space<hbm>>
        tpu.enqueue_dma source(%dma_start3A_132 : memref<624x128xf32, #tpu.memory_space<hbm>>) target(%dma_start3A_129 : memref<624x128xf32, #tpu.memory_space<vmem_shared>>) target_semaphore(%run_scoped3A : memref<!tpu.dma_semaphore, #tpu.memory_space<semaphore_mem>>)
        %dma_wait3A_133 = arith.constant 0 : i32
        %dma_wait3A_134 = tpu.memref_slice %arg12[%mul3A_127, %dma_wait3A_133] : memref<10000x128xf32, #tpu.memory_space<vmem_shared>> -> memref<624x128xf32, #tpu.memory_space<vmem_shared>>
        %dma_wait3A_135 = arith.constant 0 : i32
        %dma_wait3A_136 = tpu.memref_slice %arg2[%arg0, %mul3A_125, %dma_wait3A_135] : memref<2x10000x128xf32, #tpu.memory_space<hbm>> -> memref<1x624x128xf32, #tpu.memory_space<hbm>>
        %dma_wait3A_137 = tpu.memref_squeeze %dma_wait3A_136 : memref<1x624x128xf32, #tpu.memory_space<hbm>> -> memref<624x128xf32, #tpu.memory_space<hbm>>
        tpu.wait_dma2 semaphore(%run_scoped3A : memref<!tpu.dma_semaphore, #tpu.memory_space<semaphore_mem>>) src(%dma_wait3A_137 : memref<624x128xf32, #tpu.memory_space<hbm>>) dst(%dma_wait3A_134 : memref<624x128xf32, #tpu.memory_space<vmem_shared>>)
        tpu.yield
      }) : () -> ()
    } else {
    }
    %eq3A = arith.constant 15 : i32
    %eq3A_38 = arith.cmpi eq, %arg1, %eq3A : i32
    %convert_element_type3A_39 = arith.extui %eq3A_38 : i1 to i32
    %cond3A_40 = arith.constant 0 : i32
    %cond3A_41 = arith.cmpi ne, %convert_element_type3A_39, %cond3A_40 : i32
    scf.if %cond3A_41 {
      %mul3A_124 = arith.constant 624 : i32
      %mul3A_125 = arith.muli %arg1, %mul3A_124 : i32
      %mul3A_126 = arith.constant 624 : i32
      %mul3A_127 = arith.muli %arg1, %mul3A_126 : i32
      "tpu.region"() ({
        %run_scoped3A = tpu.sem_alloc : memref<!tpu.dma_semaphore, #tpu.memory_space<semaphore_mem>>
        %dma_start3A_128 = arith.constant 0 : i32
        %dma_start3A_129 = tpu.memref_slice %arg12[%mul3A_127, %dma_start3A_128] : memref<10000x128xf32, #tpu.memory_space<vmem_shared>> -> memref<640x128xf32, #tpu.memory_space<vmem_shared>>
        %dma_start3A_130 = arith.constant 0 : i32
        %dma_start3A_131 = tpu.memref_slice %arg2[%arg0, %mul3A_125, %dma_start3A_130] : memref<2x10000x128xf32, #tpu.memory_space<hbm>> -> memref<1x640x128xf32, #tpu.memory_space<hbm>>
        %dma_start3A_132 = tpu.memref_squeeze %dma_start3A_131 : memref<1x640x128xf32, #tpu.memory_space<hbm>> -> memref<640x128xf32, #tpu.memory_space<hbm>>
        tpu.enqueue_dma source(%dma_start3A_132 : memref<640x128xf32, #tpu.memory_space<hbm>>) target(%dma_start3A_129 : memref<640x128xf32, #tpu.memory_space<vmem_shared>>) target_semaphore(%run_scoped3A : memref<!tpu.dma_semaphore, #tpu.memory_space<semaphore_mem>>)
        %dma_wait3A_133 = arith.constant 0 : i32
        %dma_wait3A_134 = tpu.memref_slice %arg12[%mul3A_127, %dma_wait3A_133] : memref<10000x128xf32, #tpu.memory_space<vmem_shared>> -> memref<640x128xf32, #tpu.memory_space<vmem_shared>>
        %dma_wait3A_135 = arith.constant 0 : i32
        %dma_wait3A_136 = tpu.memref_slice %arg2[%arg0, %mul3A_125, %dma_wait3A_135] : memref<2x10000x128xf32, #tpu.memory_space<hbm>> -> memref<1x640x128xf32, #tpu.memory_space<hbm>>
        %dma_wait3A_137 = tpu.memref_squeeze %dma_wait3A_136 : memref<1x640x128xf32, #tpu.memory_space<hbm>> -> memref<640x128xf32, #tpu.memory_space<hbm>>
        tpu.wait_dma2 semaphore(%run_scoped3A : memref<!tpu.dma_semaphore, #tpu.memory_space<semaphore_mem>>) src(%dma_wait3A_137 : memref<640x128xf32, #tpu.memory_space<hbm>>) dst(%dma_wait3A_134 : memref<640x128xf32, #tpu.memory_space<vmem_shared>>)
        tpu.yield
      }) : () -> ()
    } else {
    }
    %barrier3A = arith.constant 0 : index
    tpu.barrier barrier_id(%barrier3A)
    %dma_wait3A = arith.constant 0 : i32
    %dma_wait3A_42 = arith.constant 0 : i32
    %dma_wait3A_43 = arith.constant 0 : i32
    %dma_wait3A_44 = arith.constant 0 : i32
    %dma_wait3A_45 = tpu.memref_slice %arg8[%dma_wait3A_42, %dma_wait3A_44] : memref<2x80xi32, #tpu.memory_space<vmem>> -> memref<1x80xi32, #tpu.memory_space<vmem>>
    %dma_wait3A_46 = tpu.memref_squeeze %dma_wait3A_45 : memref<1x80xi32, #tpu.memory_space<vmem>> -> memref<80xi32, #tpu.memory_space<vmem>>
    %dma_wait3A_47 = arith.constant 0 : i32
    %dma_wait3A_48 = tpu.memref_slice %arg4[%add3A, %dma_wait3A, %dma_wait3A_47] : memref<32x73x80xi32, #tpu.memory_space<hbm>> -> memref<1x1x80xi32, #tpu.memory_space<hbm>>
    %dma_wait3A_49 = tpu.memref_squeeze %dma_wait3A_48 : memref<1x1x80xi32, #tpu.memory_space<hbm>> -> memref<80xi32, #tpu.memory_space<hbm>>
    %dma_wait3A_50 = tpu.memref_slice %arg15[%dma_wait3A_43] : memref<2x!tpu.dma_semaphore, #tpu.memory_space<semaphore_mem>> -> memref<1x!tpu.dma_semaphore, #tpu.memory_space<semaphore_mem>>
    %dma_wait3A_51 = tpu.memref_squeeze %dma_wait3A_50 : memref<1x!tpu.dma_semaphore, #tpu.memory_space<semaphore_mem>> -> memref<!tpu.dma_semaphore, #tpu.memory_space<semaphore_mem>>
    %dma_wait3A_52 = arith.constant 0 : i32
    %dma_wait3A_53 = tpu.memref_slice %arg8[%dma_wait3A_42, %dma_wait3A_52] : memref<2x80xi32, #tpu.memory_space<vmem>> -> memref<1x80xi32, #tpu.memory_space<vmem>>
    %dma_wait3A_54 = tpu.memref_squeeze %dma_wait3A_53 : memref<1x80xi32, #tpu.memory_space<vmem>> -> memref<80xi32, #tpu.memory_space<vmem>>
    %dma_wait3A_55 = arith.constant 0 : i32
    %dma_wait3A_56 = tpu.memref_slice %arg4[%add3A, %dma_wait3A, %dma_wait3A_55] : memref<32x73x80xi32, #tpu.memory_space<hbm>> -> memref<1x1x80xi32, #tpu.memory_space<hbm>>
    %dma_wait3A_57 = tpu.memref_squeeze %dma_wait3A_56 : memref<1x1x80xi32, #tpu.memory_space<hbm>> -> memref<80xi32, #tpu.memory_space<hbm>>
    tpu.wait_dma2 semaphore(%dma_wait3A_51 : memref<!tpu.dma_semaphore, #tpu.memory_space<semaphore_mem>>) src(%dma_wait3A_57 : memref<80xi32, #tpu.memory_space<hbm>>) dst(%dma_wait3A_54 : memref<80xi32, #tpu.memory_space<vmem>>)
    %add3A_58 = arith.constant 0 : i32
    %add3A_59 = arith.addi %mul3A_2, %add3A_58 : i32
    %dma_start3A_60 = arith.constant 0 : i32
    %dma_start3A_61 = arith.constant 0 : i32
    %dma_start3A_62 = arith.constant 0 : i32
    %dma_start3A_63 = arith.constant 0 : i32
    %dma_start3A_64 = tpu.memref_slice %arg11[%dma_start3A_60, %dma_start3A_62, %dma_start3A_63] : memref<2x80x128xf32, #tpu.memory_space<vmem>> -> memref<1x80x128xf32, #tpu.memory_space<vmem>>
    %dma_start3A_65 = tpu.memref_squeeze %dma_start3A_64 : memref<1x80x128xf32, #tpu.memory_space<vmem>> -> memref<80x128xf32, #tpu.memory_space<vmem>>
    %dma_start3A_66 = arith.constant 0 : i32
    %dma_start3A_67 = tpu.memref_slice %arg6[%add3A_59, %dma_start3A_66] : memref<186880x128xf32, #tpu.memory_space<hbm>> -> memref<80x128xf32, #tpu.memory_space<hbm>>
    %dma_start3A_68 = tpu.memref_slice %arg14[%dma_start3A_61] : memref<2x!tpu.dma_semaphore, #tpu.memory_space<semaphore_mem>> -> memref<1x!tpu.dma_semaphore, #tpu.memory_space<semaphore_mem>>
    %dma_start3A_69 = tpu.memref_squeeze %dma_start3A_68 : memref<1x!tpu.dma_semaphore, #tpu.memory_space<semaphore_mem>> -> memref<!tpu.dma_semaphore, #tpu.memory_space<semaphore_mem>>
    %dma_start3A_70 = arith.constant 0 : i32
    %dma_start3A_71 = arith.constant 0 : i32
    %dma_start3A_72 = tpu.memref_slice %arg11[%dma_start3A_60, %dma_start3A_70, %dma_start3A_71] : memref<2x80x128xf32, #tpu.memory_space<vmem>> -> memref<1x80x128xf32, #tpu.memory_space<vmem>>
    %dma_start3A_73 = tpu.memref_squeeze %dma_start3A_72 : memref<1x80x128xf32, #tpu.memory_space<vmem>> -> memref<80x128xf32, #tpu.memory_space<vmem>>
    %dma_start3A_74 = arith.constant 0 : i32
    %dma_start3A_75 = tpu.memref_slice %arg6[%add3A_59, %dma_start3A_74] : memref<186880x128xf32, #tpu.memory_space<hbm>> -> memref<80x128xf32, #tpu.memory_space<hbm>>
    tpu.enqueue_dma source(%dma_start3A_75 : memref<80x128xf32, #tpu.memory_space<hbm>>) target(%dma_start3A_73 : memref<80x128xf32, #tpu.memory_space<vmem>>) target_semaphore(%dma_start3A_69 : memref<!tpu.dma_semaphore, #tpu.memory_space<semaphore_mem>>)
    %dma_start3A_76 = arith.constant 0 : i32
    %dma_start3A_77 = arith.constant 0 : i32
    %dma_start3A_78 = arith.constant 0 : i32
    %dma_start3A_79 = arith.constant 0 : i32
    %dma_start3A_80 = tpu.memref_slice %arg9[%dma_start3A_77, %dma_start3A_79] : memref<2x80xi32, #tpu.memory_space<vmem>> -> memref<1x80xi32, #tpu.memory_space<vmem>>
    %dma_start3A_81 = tpu.memref_squeeze %dma_start3A_80 : memref<1x80xi32, #tpu.memory_space<vmem>> -> memref<80xi32, #tpu.memory_space<vmem>>
    %dma_start3A_82 = arith.constant 0 : i32
    %dma_start3A_83 = tpu.memref_slice %arg5[%add3A, %dma_start3A_76, %dma_start3A_82] : memref<32x73x80xi32, #tpu.memory_space<hbm>> -> memref<1x1x80xi32, #tpu.memory_space<hbm>>
    %dma_start3A_84 = tpu.memref_squeeze %dma_start3A_83 : memref<1x1x80xi32, #tpu.memory_space<hbm>> -> memref<80xi32, #tpu.memory_space<hbm>>
    %dma_start3A_85 = tpu.memref_slice %arg14[%dma_start3A_78] : memref<2x!tpu.dma_semaphore, #tpu.memory_space<semaphore_mem>> -> memref<1x!tpu.dma_semaphore, #tpu.memory_space<semaphore_mem>>
    %dma_start3A_86 = tpu.memref_squeeze %dma_start3A_85 : memref<1x!tpu.dma_semaphore, #tpu.memory_space<semaphore_mem>> -> memref<!tpu.dma_semaphore, #tpu.memory_space<semaphore_mem>>
    %dma_start3A_87 = arith.constant 0 : i32
    %dma_start3A_88 = tpu.memref_slice %arg9[%dma_start3A_77, %dma_start3A_87] : memref<2x80xi32, #tpu.memory_space<vmem>> -> memref<1x80xi32, #tpu.memory_space<vmem>>
    %dma_start3A_89 = tpu.memref_squeeze %dma_start3A_88 : memref<1x80xi32, #tpu.memory_space<vmem>> -> memref<80xi32, #tpu.memory_space<vmem>>
    %dma_start3A_90 = arith.constant 0 : i32
    %dma_start3A_91 = tpu.memref_slice %arg5[%add3A, %dma_start3A_76, %dma_start3A_90] : memref<32x73x80xi32, #tpu.memory_space<hbm>> -> memref<1x1x80xi32, #tpu.memory_space<hbm>>
    %dma_start3A_92 = tpu.memref_squeeze %dma_start3A_91 : memref<1x1x80xi32, #tpu.memory_space<hbm>> -> memref<80xi32, #tpu.memory_space<hbm>>
    tpu.enqueue_dma source(%dma_start3A_92 : memref<80xi32, #tpu.memory_space<hbm>>) target(%dma_start3A_89 : memref<80xi32, #tpu.memory_space<vmem>>) target_semaphore(%dma_start3A_86 : memref<!tpu.dma_semaphore, #tpu.memory_space<semaphore_mem>>)
    %dma_start3A_93 = arith.constant 0 : i32
    %dma_start3A_94 = arith.constant 0 : i32
    %dma_start3A_95 = arith.constant 0 : i32
    %dma_start3A_96 = arith.constant 0 : i32
    %dma_start3A_97 = arith.constant 0 : i32
    %dma_start3A_98 = tpu.memref_slice %arg10[%dma_start3A_94, %dma_start3A_96, %dma_start3A_97] : memref<2x80x128xf32, #tpu.memory_space<vmem>> -> memref<1x80x128xf32, #tpu.memory_space<vmem>>
    %dma_start3A_99 = tpu.memref_squeeze %dma_start3A_98 : memref<1x80x128xf32, #tpu.memory_space<vmem>> -> memref<80x128xf32, #tpu.memory_space<vmem>>
    %dma_start3A_100 = arith.constant 0 : i32
    %dma_start3A_101 = tpu.memref_slice %arg8[%dma_start3A_93, %dma_start3A_100] : memref<2x80xi32, #tpu.memory_space<vmem>> -> memref<1x80xi32, #tpu.memory_space<vmem>>
    %dma_start3A_102 = tpu.memref_squeeze %dma_start3A_101 : memref<1x80xi32, #tpu.memory_space<vmem>> -> memref<80xi32, #tpu.memory_space<vmem>>
    %dma_start3A_103 = arith.constant 0 : i32
    %dma_start3A_104 = arith.constant 0 : i32
    %dma_start3A_105 = tpu.memref_slice %arg3[%dma_start3A_103, %dma_start3A_104] : memref<10000x128xf32, #tpu.memory_space<hbm>> -> memref<10000x128xf32, #tpu.memory_space<hbm>>
    %dma_start3A_106 = tpu.memref_slice %arg13[%dma_start3A_95] : memref<2x!tpu.dma_semaphore, #tpu.memory_space<semaphore_mem>> -> memref<1x!tpu.dma_semaphore, #tpu.memory_space<semaphore_mem>>
    %dma_start3A_107 = tpu.memref_squeeze %dma_start3A_106 : memref<1x!tpu.dma_semaphore, #tpu.memory_space<semaphore_mem>> -> memref<!tpu.dma_semaphore, #tpu.memory_space<semaphore_mem>>
    tpu.enqueue_indirect_dma source(%dma_start3A_105 : memref<10000x128xf32, #tpu.memory_space<hbm>>) target(%dma_start3A_99 : memref<80x128xf32, #tpu.memory_space<vmem>>) offsets(%dma_start3A_102 : memref<80xi32, #tpu.memory_space<vmem>>) semaphore(%dma_start3A_107 : memref<!tpu.dma_semaphore, #tpu.memory_space<semaphore_mem>>)
    %scan3A = arith.constant 0 : i32
    %scan3A_108 = arith.constant 0 : i32
    %scan3A_109 = arith.constant 73 : i32
    %scan3A_110 = arith.addi %scan3A_108, %scan3A_109 : i32
    %scan3A_111 = arith.constant 1 : i32
    scf.for %scan3A_124 = %scan3A_108 to %scan3A_110 step %scan3A_111  : i32 {
      %rem3A = arith.constant 2 : i32
      %rem3A_125 = arith.remsi %scan3A_124, %rem3A : i32
      %sub3A = arith.constant 1 : i32
      %sub3A_126 = arith.subi %sub3A, %rem3A_125 : i32
      %add3A_127 = arith.constant 1 : i32
      %add3A_128 = arith.addi %scan3A_124, %add3A_127 : i32
      %lt3A_129 = arith.constant 73 : i32
      %lt3A_130 = arith.cmpi slt, %add3A_128, %lt3A_129 : i32
      %convert_element_type3A_131 = arith.extui %lt3A_130 : i1 to i32
      %cond3A_132 = arith.constant 0 : i32
      %cond3A_133 = arith.cmpi ne, %convert_element_type3A_131, %cond3A_132 : i32
      scf.if %cond3A_133 {
        %add3A_186 = arith.constant 1 : i32
        %add3A_187 = arith.addi %scan3A_124, %add3A_186 : i32
        %dma_wait3A_188 = arith.constant 0 : i32
        %dma_wait3A_189 = tpu.memref_slice %arg8[%sub3A_126, %dma_wait3A_188] : memref<2x80xi32, #tpu.memory_space<vmem>> -> memref<1x80xi32, #tpu.memory_space<vmem>>
        %dma_wait3A_190 = tpu.memref_squeeze %dma_wait3A_189 : memref<1x80xi32, #tpu.memory_space<vmem>> -> memref<80xi32, #tpu.memory_space<vmem>>
        %dma_wait3A_191 = arith.constant 0 : i32
        %dma_wait3A_192 = tpu.memref_slice %arg4[%add3A, %add3A_187, %dma_wait3A_191] : memref<32x73x80xi32, #tpu.memory_space<hbm>> -> memref<1x1x80xi32, #tpu.memory_space<hbm>>
        %dma_wait3A_193 = tpu.memref_squeeze %dma_wait3A_192 : memref<1x1x80xi32, #tpu.memory_space<hbm>> -> memref<80xi32, #tpu.memory_space<hbm>>
        %dma_wait3A_194 = tpu.memref_slice %arg15[%sub3A_126] : memref<2x!tpu.dma_semaphore, #tpu.memory_space<semaphore_mem>> -> memref<1x!tpu.dma_semaphore, #tpu.memory_space<semaphore_mem>>
        %dma_wait3A_195 = tpu.memref_squeeze %dma_wait3A_194 : memref<1x!tpu.dma_semaphore, #tpu.memory_space<semaphore_mem>> -> memref<!tpu.dma_semaphore, #tpu.memory_space<semaphore_mem>>
        %dma_wait3A_196 = arith.constant 0 : i32
        %dma_wait3A_197 = tpu.memref_slice %arg8[%sub3A_126, %dma_wait3A_196] : memref<2x80xi32, #tpu.memory_space<vmem>> -> memref<1x80xi32, #tpu.memory_space<vmem>>
        %dma_wait3A_198 = tpu.memref_squeeze %dma_wait3A_197 : memref<1x80xi32, #tpu.memory_space<vmem>> -> memref<80xi32, #tpu.memory_space<vmem>>
        %dma_wait3A_199 = arith.constant 0 : i32
        %dma_wait3A_200 = tpu.memref_slice %arg4[%add3A, %add3A_187, %dma_wait3A_199] : memref<32x73x80xi32, #tpu.memory_space<hbm>> -> memref<1x1x80xi32, #tpu.memory_space<hbm>>
        %dma_wait3A_201 = tpu.memref_squeeze %dma_wait3A_200 : memref<1x1x80xi32, #tpu.memory_space<hbm>> -> memref<80xi32, #tpu.memory_space<hbm>>
        tpu.wait_dma2 semaphore(%dma_wait3A_195 : memref<!tpu.dma_semaphore, #tpu.memory_space<semaphore_mem>>) src(%dma_wait3A_201 : memref<80xi32, #tpu.memory_space<hbm>>) dst(%dma_wait3A_198 : memref<80xi32, #tpu.memory_space<vmem>>)
        %add3A_202 = arith.constant 1 : i32
        %add3A_203 = arith.addi %scan3A_124, %add3A_202 : i32
        %mul3A_204 = arith.constant 80 : i32
        %mul3A_205 = arith.muli %add3A_203, %mul3A_204 : i32
        %add3A_206 = arith.addi %mul3A_2, %mul3A_205 : i32
        %dma_start3A_207 = arith.constant 0 : i32
        %dma_start3A_208 = arith.constant 0 : i32
        %dma_start3A_209 = tpu.memref_slice %arg11[%sub3A_126, %dma_start3A_207, %dma_start3A_208] : memref<2x80x128xf32, #tpu.memory_space<vmem>> -> memref<1x80x128xf32, #tpu.memory_space<vmem>>
        %dma_start3A_210 = tpu.memref_squeeze %dma_start3A_209 : memref<1x80x128xf32, #tpu.memory_space<vmem>> -> memref<80x128xf32, #tpu.memory_space<vmem>>
        %dma_start3A_211 = arith.constant 0 : i32
        %dma_start3A_212 = tpu.memref_slice %arg6[%add3A_206, %dma_start3A_211] : memref<186880x128xf32, #tpu.memory_space<hbm>> -> memref<80x128xf32, #tpu.memory_space<hbm>>
        %dma_start3A_213 = tpu.memref_slice %arg14[%sub3A_126] : memref<2x!tpu.dma_semaphore, #tpu.memory_space<semaphore_mem>> -> memref<1x!tpu.dma_semaphore, #tpu.memory_space<semaphore_mem>>
        %dma_start3A_214 = tpu.memref_squeeze %dma_start3A_213 : memref<1x!tpu.dma_semaphore, #tpu.memory_space<semaphore_mem>> -> memref<!tpu.dma_semaphore, #tpu.memory_space<semaphore_mem>>
        %dma_start3A_215 = arith.constant 0 : i32
        %dma_start3A_216 = arith.constant 0 : i32
        %dma_start3A_217 = tpu.memref_slice %arg11[%sub3A_126, %dma_start3A_215, %dma_start3A_216] : memref<2x80x128xf32, #tpu.memory_space<vmem>> -> memref<1x80x128xf32, #tpu.memory_space<vmem>>
        %dma_start3A_218 = tpu.memref_squeeze %dma_start3A_217 : memref<1x80x128xf32, #tpu.memory_space<vmem>> -> memref<80x128xf32, #tpu.memory_space<vmem>>
        %dma_start3A_219 = arith.constant 0 : i32
        %dma_start3A_220 = tpu.memref_slice %arg6[%add3A_206, %dma_start3A_219] : memref<186880x128xf32, #tpu.memory_space<hbm>> -> memref<80x128xf32, #tpu.memory_space<hbm>>
        tpu.enqueue_dma source(%dma_start3A_220 : memref<80x128xf32, #tpu.memory_space<hbm>>) target(%dma_start3A_218 : memref<80x128xf32, #tpu.memory_space<vmem>>) target_semaphore(%dma_start3A_214 : memref<!tpu.dma_semaphore, #tpu.memory_space<semaphore_mem>>)
        %dma_start3A_221 = arith.constant 0 : i32
        %dma_start3A_222 = tpu.memref_slice %arg9[%sub3A_126, %dma_start3A_221] : memref<2x80xi32, #tpu.memory_space<vmem>> -> memref<1x80xi32, #tpu.memory_space<vmem>>
        %dma_start3A_223 = tpu.memref_squeeze %dma_start3A_222 : memref<1x80xi32, #tpu.memory_space<vmem>> -> memref<80xi32, #tpu.memory_space<vmem>>
        %dma_start3A_224 = arith.constant 0 : i32
        %dma_start3A_225 = tpu.memref_slice %arg5[%add3A, %add3A_203, %dma_start3A_224] : memref<32x73x80xi32, #tpu.memory_space<hbm>> -> memref<1x1x80xi32, #tpu.memory_space<hbm>>
        %dma_start3A_226 = tpu.memref_squeeze %dma_start3A_225 : memref<1x1x80xi32, #tpu.memory_space<hbm>> -> memref<80xi32, #tpu.memory_space<hbm>>
        %dma_start3A_227 = tpu.memref_slice %arg14[%sub3A_126] : memref<2x!tpu.dma_semaphore, #tpu.memory_space<semaphore_mem>> -> memref<1x!tpu.dma_semaphore, #tpu.memory_space<semaphore_mem>>
        %dma_start3A_228 = tpu.memref_squeeze %dma_start3A_227 : memref<1x!tpu.dma_semaphore, #tpu.memory_space<semaphore_mem>> -> memref<!tpu.dma_semaphore, #tpu.memory_space<semaphore_mem>>
        %dma_start3A_229 = arith.constant 0 : i32
        %dma_start3A_230 = tpu.memref_slice %arg9[%sub3A_126, %dma_start3A_229] : memref<2x80xi32, #tpu.memory_space<vmem>> -> memref<1x80xi32, #tpu.memory_space<vmem>>
        %dma_start3A_231 = tpu.memref_squeeze %dma_start3A_230 : memref<1x80xi32, #tpu.memory_space<vmem>> -> memref<80xi32, #tpu.memory_space<vmem>>
        %dma_start3A_232 = arith.constant 0 : i32
        %dma_start3A_233 = tpu.memref_slice %arg5[%add3A, %add3A_203, %dma_start3A_232] : memref<32x73x80xi32, #tpu.memory_space<hbm>> -> memref<1x1x80xi32, #tpu.memory_space<hbm>>
        %dma_start3A_234 = tpu.memref_squeeze %dma_start3A_233 : memref<1x1x80xi32, #tpu.memory_space<hbm>> -> memref<80xi32, #tpu.memory_space<hbm>>
        tpu.enqueue_dma source(%dma_start3A_234 : memref<80xi32, #tpu.memory_space<hbm>>) target(%dma_start3A_231 : memref<80xi32, #tpu.memory_space<vmem>>) target_semaphore(%dma_start3A_228 : memref<!tpu.dma_semaphore, #tpu.memory_space<semaphore_mem>>)
        %dma_start3A_235 = arith.constant 0 : i32
        %dma_start3A_236 = arith.constant 0 : i32
        %dma_start3A_237 = tpu.memref_slice %arg10[%sub3A_126, %dma_start3A_235, %dma_start3A_236] : memref<2x80x128xf32, #tpu.memory_space<vmem>> -> memref<1x80x128xf32, #tpu.memory_space<vmem>>
        %dma_start3A_238 = tpu.memref_squeeze %dma_start3A_237 : memref<1x80x128xf32, #tpu.memory_space<vmem>> -> memref<80x128xf32, #tpu.memory_space<vmem>>
        %dma_start3A_239 = arith.constant 0 : i32
        %dma_start3A_240 = tpu.memref_slice %arg8[%sub3A_126, %dma_start3A_239] : memref<2x80xi32, #tpu.memory_space<vmem>> -> memref<1x80xi32, #tpu.memory_space<vmem>>
        %dma_start3A_241 = tpu.memref_squeeze %dma_start3A_240 : memref<1x80xi32, #tpu.memory_space<vmem>> -> memref<80xi32, #tpu.memory_space<vmem>>
        %dma_start3A_242 = arith.constant 0 : i32
        %dma_start3A_243 = arith.constant 0 : i32
        %dma_start3A_244 = tpu.memref_slice %arg3[%dma_start3A_242, %dma_start3A_243] : memref<10000x128xf32, #tpu.memory_space<hbm>> -> memref<10000x128xf32, #tpu.memory_space<hbm>>
        %dma_start3A_245 = tpu.memref_slice %arg13[%sub3A_126] : memref<2x!tpu.dma_semaphore, #tpu.memory_space<semaphore_mem>> -> memref<1x!tpu.dma_semaphore, #tpu.memory_space<semaphore_mem>>
        %dma_start3A_246 = tpu.memref_squeeze %dma_start3A_245 : memref<1x!tpu.dma_semaphore, #tpu.memory_space<semaphore_mem>> -> memref<!tpu.dma_semaphore, #tpu.memory_space<semaphore_mem>>
        tpu.enqueue_indirect_dma source(%dma_start3A_244 : memref<10000x128xf32, #tpu.memory_space<hbm>>) target(%dma_start3A_238 : memref<80x128xf32, #tpu.memory_space<vmem>>) offsets(%dma_start3A_241 : memref<80xi32, #tpu.memory_space<vmem>>) semaphore(%dma_start3A_246 : memref<!tpu.dma_semaphore, #tpu.memory_space<semaphore_mem>>)
      } else {
      }
      %mul3A_134 = arith.constant 80 : i32
      %mul3A_135 = arith.muli %scan3A_124, %mul3A_134 : i32
      %add3A_136 = arith.addi %mul3A_2, %mul3A_135 : i32
      %dma_wait3A_137 = arith.constant 0 : i32
      %dma_wait3A_138 = arith.constant 0 : i32
      %dma_wait3A_139 = tpu.memref_slice %arg11[%rem3A_125, %dma_wait3A_137, %dma_wait3A_138] : memref<2x80x128xf32, #tpu.memory_space<vmem>> -> memref<1x80x128xf32, #tpu.memory_space<vmem>>
      %dma_wait3A_140 = tpu.memref_squeeze %dma_wait3A_139 : memref<1x80x128xf32, #tpu.memory_space<vmem>> -> memref<80x128xf32, #tpu.memory_space<vmem>>
      %dma_wait3A_141 = arith.constant 0 : i32
      %dma_wait3A_142 = tpu.memref_slice %arg6[%add3A_136, %dma_wait3A_141] : memref<186880x128xf32, #tpu.memory_space<hbm>> -> memref<80x128xf32, #tpu.memory_space<hbm>>
      %dma_wait3A_143 = tpu.memref_slice %arg14[%rem3A_125] : memref<2x!tpu.dma_semaphore, #tpu.memory_space<semaphore_mem>> -> memref<1x!tpu.dma_semaphore, #tpu.memory_space<semaphore_mem>>
      %dma_wait3A_144 = tpu.memref_squeeze %dma_wait3A_143 : memref<1x!tpu.dma_semaphore, #tpu.memory_space<semaphore_mem>> -> memref<!tpu.dma_semaphore, #tpu.memory_space<semaphore_mem>>
      %dma_wait3A_145 = arith.constant 0 : i32
      %dma_wait3A_146 = arith.constant 0 : i32
      %dma_wait3A_147 = tpu.memref_slice %arg11[%rem3A_125, %dma_wait3A_145, %dma_wait3A_146] : memref<2x80x128xf32, #tpu.memory_space<vmem>> -> memref<1x80x128xf32, #tpu.memory_space<vmem>>
      %dma_wait3A_148 = tpu.memref_squeeze %dma_wait3A_147 : memref<1x80x128xf32, #tpu.memory_space<vmem>> -> memref<80x128xf32, #tpu.memory_space<vmem>>
      %dma_wait3A_149 = arith.constant 0 : i32
      %dma_wait3A_150 = tpu.memref_slice %arg6[%add3A_136, %dma_wait3A_149] : memref<186880x128xf32, #tpu.memory_space<hbm>> -> memref<80x128xf32, #tpu.memory_space<hbm>>
      tpu.wait_dma2 semaphore(%dma_wait3A_144 : memref<!tpu.dma_semaphore, #tpu.memory_space<semaphore_mem>>) src(%dma_wait3A_150 : memref<80x128xf32, #tpu.memory_space<hbm>>) dst(%dma_wait3A_148 : memref<80x128xf32, #tpu.memory_space<vmem>>)
      %dma_wait3A_151 = arith.constant 0 : i32
      %dma_wait3A_152 = tpu.memref_slice %arg9[%rem3A_125, %dma_wait3A_151] : memref<2x80xi32, #tpu.memory_space<vmem>> -> memref<1x80xi32, #tpu.memory_space<vmem>>
      %dma_wait3A_153 = tpu.memref_squeeze %dma_wait3A_152 : memref<1x80xi32, #tpu.memory_space<vmem>> -> memref<80xi32, #tpu.memory_space<vmem>>
      %dma_wait3A_154 = arith.constant 0 : i32
      %dma_wait3A_155 = tpu.memref_slice %arg5[%add3A, %scan3A_124, %dma_wait3A_154] : memref<32x73x80xi32, #tpu.memory_space<hbm>> -> memref<1x1x80xi32, #tpu.memory_space<hbm>>
      %dma_wait3A_156 = tpu.memref_squeeze %dma_wait3A_155 : memref<1x1x80xi32, #tpu.memory_space<hbm>> -> memref<80xi32, #tpu.memory_space<hbm>>
      %dma_wait3A_157 = tpu.memref_slice %arg14[%rem3A_125] : memref<2x!tpu.dma_semaphore, #tpu.memory_space<semaphore_mem>> -> memref<1x!tpu.dma_semaphore, #tpu.memory_space<semaphore_mem>>
      %dma_wait3A_158 = tpu.memref_squeeze %dma_wait3A_157 : memref<1x!tpu.dma_semaphore, #tpu.memory_space<semaphore_mem>> -> memref<!tpu.dma_semaphore, #tpu.memory_space<semaphore_mem>>
      %dma_wait3A_159 = arith.constant 0 : i32
      %dma_wait3A_160 = tpu.memref_slice %arg9[%rem3A_125, %dma_wait3A_159] : memref<2x80xi32, #tpu.memory_space<vmem>> -> memref<1x80xi32, #tpu.memory_space<vmem>>
      %dma_wait3A_161 = tpu.memref_squeeze %dma_wait3A_160 : memref<1x80xi32, #tpu.memory_space<vmem>> -> memref<80xi32, #tpu.memory_space<vmem>>
      %dma_wait3A_162 = arith.constant 0 : i32
      %dma_wait3A_163 = tpu.memref_slice %arg5[%add3A, %scan3A_124, %dma_wait3A_162] : memref<32x73x80xi32, #tpu.memory_space<hbm>> -> memref<1x1x80xi32, #tpu.memory_space<hbm>>
      %dma_wait3A_164 = tpu.memref_squeeze %dma_wait3A_163 : memref<1x1x80xi32, #tpu.memory_space<hbm>> -> memref<80xi32, #tpu.memory_space<hbm>>
      tpu.wait_dma2 semaphore(%dma_wait3A_158 : memref<!tpu.dma_semaphore, #tpu.memory_space<semaphore_mem>>) src(%dma_wait3A_164 : memref<80xi32, #tpu.memory_space<hbm>>) dst(%dma_wait3A_161 : memref<80xi32, #tpu.memory_space<vmem>>)
      %dma_wait3A_165 = arith.constant 0 : i32
      %dma_wait3A_166 = arith.constant 0 : i32
      %dma_wait3A_167 = tpu.memref_slice %arg10[%rem3A_125, %dma_wait3A_165, %dma_wait3A_166] : memref<2x80x128xf32, #tpu.memory_space<vmem>> -> memref<1x80x128xf32, #tpu.memory_space<vmem>>
      %dma_wait3A_168 = tpu.memref_squeeze %dma_wait3A_167 : memref<1x80x128xf32, #tpu.memory_space<vmem>> -> memref<80x128xf32, #tpu.memory_space<vmem>>
      %dma_wait3A_169 = arith.constant 0 : i32
      %dma_wait3A_170 = tpu.memref_slice %arg8[%rem3A_125, %dma_wait3A_169] : memref<2x80xi32, #tpu.memory_space<vmem>> -> memref<1x80xi32, #tpu.memory_space<vmem>>
      %dma_wait3A_171 = tpu.memref_squeeze %dma_wait3A_170 : memref<1x80xi32, #tpu.memory_space<vmem>> -> memref<80xi32, #tpu.memory_space<vmem>>
      %dma_wait3A_172 = arith.constant 0 : i32
      %dma_wait3A_173 = arith.constant 0 : i32
      %dma_wait3A_174 = tpu.memref_slice %arg3[%dma_wait3A_172, %dma_wait3A_173] : memref<10000x128xf32, #tpu.memory_space<hbm>> -> memref<10000x128xf32, #tpu.memory_space<hbm>>
      %dma_wait3A_175 = tpu.memref_slice %arg13[%rem3A_125] : memref<2x!tpu.dma_semaphore, #tpu.memory_space<semaphore_mem>> -> memref<1x!tpu.dma_semaphore, #tpu.memory_space<semaphore_mem>>
      %dma_wait3A_176 = tpu.memref_squeeze %dma_wait3A_175 : memref<1x!tpu.dma_semaphore, #tpu.memory_space<semaphore_mem>> -> memref<!tpu.dma_semaphore, #tpu.memory_space<semaphore_mem>>
      tpu.wait_indirect_dma semaphore(%dma_wait3A_176 : memref<!tpu.dma_semaphore, #tpu.memory_space<semaphore_mem>>) src(%dma_wait3A_174 : memref<10000x128xf32, #tpu.memory_space<hbm>>) dst(%dma_wait3A_168 : memref<80x128xf32, #tpu.memory_space<vmem>>)
      %add3A_177 = arith.constant 2 : i32
      %add3A_178 = arith.addi %scan3A_124, %add3A_177 : i32
      %lt3A_179 = arith.constant 73 : i32
      %lt3A_180 = arith.cmpi slt, %add3A_178, %lt3A_179 : i32
      %convert_element_type3A_181 = arith.extui %lt3A_180 : i1 to i32
      %cond3A_182 = arith.constant 0 : i32
      %cond3A_183 = arith.cmpi ne, %convert_element_type3A_181, %cond3A_182 : i32
      scf.if %cond3A_183 {
        %add3A_186 = arith.constant 2 : i32
        %add3A_187 = arith.addi %scan3A_124, %add3A_186 : i32
        %dma_start3A_188 = arith.constant 0 : i32
        %dma_start3A_189 = tpu.memref_slice %arg8[%rem3A_125, %dma_start3A_188] : memref<2x80xi32, #tpu.memory_space<vmem>> -> memref<1x80xi32, #tpu.memory_space<vmem>>
        %dma_start3A_190 = tpu.memref_squeeze %dma_start3A_189 : memref<1x80xi32, #tpu.memory_space<vmem>> -> memref<80xi32, #tpu.memory_space<vmem>>
        %dma_start3A_191 = arith.constant 0 : i32
        %dma_start3A_192 = tpu.memref_slice %arg4[%add3A, %add3A_187, %dma_start3A_191] : memref<32x73x80xi32, #tpu.memory_space<hbm>> -> memref<1x1x80xi32, #tpu.memory_space<hbm>>
        %dma_start3A_193 = tpu.memref_squeeze %dma_start3A_192 : memref<1x1x80xi32, #tpu.memory_space<hbm>> -> memref<80xi32, #tpu.memory_space<hbm>>
        %dma_start3A_194 = tpu.memref_slice %arg15[%rem3A_125] : memref<2x!tpu.dma_semaphore, #tpu.memory_space<semaphore_mem>> -> memref<1x!tpu.dma_semaphore, #tpu.memory_space<semaphore_mem>>
        %dma_start3A_195 = tpu.memref_squeeze %dma_start3A_194 : memref<1x!tpu.dma_semaphore, #tpu.memory_space<semaphore_mem>> -> memref<!tpu.dma_semaphore, #tpu.memory_space<semaphore_mem>>
        %dma_start3A_196 = arith.constant 0 : i32
        %dma_start3A_197 = tpu.memref_slice %arg8[%rem3A_125, %dma_start3A_196] : memref<2x80xi32, #tpu.memory_space<vmem>> -> memref<1x80xi32, #tpu.memory_space<vmem>>
        %dma_start3A_198 = tpu.memref_squeeze %dma_start3A_197 : memref<1x80xi32, #tpu.memory_space<vmem>> -> memref<80xi32, #tpu.memory_space<vmem>>
        %dma_start3A_199 = arith.constant 0 : i32
        %dma_start3A_200 = tpu.memref_slice %arg4[%add3A, %add3A_187, %dma_start3A_199] : memref<32x73x80xi32, #tpu.memory_space<hbm>> -> memref<1x1x80xi32, #tpu.memory_space<hbm>>
        %dma_start3A_201 = tpu.memref_squeeze %dma_start3A_200 : memref<1x1x80xi32, #tpu.memory_space<hbm>> -> memref<80xi32, #tpu.memory_space<hbm>>
        tpu.enqueue_dma source(%dma_start3A_201 : memref<80xi32, #tpu.memory_space<hbm>>) target(%dma_start3A_198 : memref<80xi32, #tpu.memory_space<vmem>>) target_semaphore(%dma_start3A_195 : memref<!tpu.dma_semaphore, #tpu.memory_space<semaphore_mem>>)
      } else {
      }
      %parallel_loop3A = arith.constant 0 : i32
      %parallel_loop3A_184 = arith.constant 80 : i32
      %parallel_loop3A_185 = arith.constant 1 : i32
      scf.for %parallel_loop3A_186 = %parallel_loop3A to %parallel_loop3A_184 step %parallel_loop3A_185  : i32 {
        %parallel_loop3A_187 = arith.constant 0 : i32
        %parallel_loop3A_188 = arith.constant 0 : i32
        %parallel_loop3A_189 = tpu.memref_slice %arg10[%rem3A_125, %parallel_loop3A_187, %parallel_loop3A_188] : memref<2x80x128xf32, #tpu.memory_space<vmem>> -> memref<1x80x128xf32, #tpu.memory_space<vmem>>
        %parallel_loop3A_190 = tpu.memref_squeeze %parallel_loop3A_189 : memref<1x80x128xf32, #tpu.memory_space<vmem>> -> memref<80x128xf32, #tpu.memory_space<vmem>>
        %parallel_loop3A_191 = arith.index_cast %parallel_loop3A_186 : i32 to index
        %parallel_loop3A_192 = arith.constant 0 : index
        %parallel_loop3A_193 = tpu.vector_load %parallel_loop3A_190[%parallel_loop3A_191, %parallel_loop3A_192] {strides = array<i32>} : memref<80x128xf32, #tpu.memory_space<vmem>>, vector<1x16xf32>,
        %parallel_loop3A_194 = vector.shape_cast %parallel_loop3A_193 : vector<1x16xf32> to vector<16xf32>
        %parallel_loop3A_195 = arith.constant 0 : i32
        %parallel_loop3A_196 = arith.constant 0 : i32
        %parallel_loop3A_197 = tpu.memref_slice %arg11[%rem3A_125, %parallel_loop3A_195, %parallel_loop3A_196] : memref<2x80x128xf32, #tpu.memory_space<vmem>> -> memref<1x80x128xf32, #tpu.memory_space<vmem>>
        %parallel_loop3A_198 = tpu.memref_squeeze %parallel_loop3A_197 : memref<1x80x128xf32, #tpu.memory_space<vmem>> -> memref<80x128xf32, #tpu.memory_space<vmem>>
        %parallel_loop3A_199 = arith.index_cast %parallel_loop3A_186 : i32 to index
        %parallel_loop3A_200 = arith.constant 0 : index
        %parallel_loop3A_201 = tpu.vector_load %parallel_loop3A_198[%parallel_loop3A_199, %parallel_loop3A_200] {strides = array<i32>} : memref<80x128xf32, #tpu.memory_space<vmem>>, vector<1x16xf32>,
        %parallel_loop3A_202 = vector.shape_cast %parallel_loop3A_201 : vector<1x16xf32> to vector<16xf32>
        %parallel_loop3A_203 = arith.addf %parallel_loop3A_194, %parallel_loop3A_202 : vector<16xf32>
        %parallel_loop3A_204 = arith.constant 0.000000e+00 : f32
        %parallel_loop3A_205 = vector.broadcast %parallel_loop3A_204 : f32 to vector<16xf32>
        %parallel_loop3A_206 = arith.maximumf %parallel_loop3A_203, %parallel_loop3A_205 : vector<16xf32>
        %parallel_loop3A_207 = arith.constant 0 : i32
        %parallel_loop3A_208 = arith.constant 0 : i32
        %parallel_loop3A_209 = tpu.memref_slice %arg10[%rem3A_125, %parallel_loop3A_207, %parallel_loop3A_208] : memref<2x80x128xf32, #tpu.memory_space<vmem>> -> memref<1x80x128xf32, #tpu.memory_space<vmem>>
        %parallel_loop3A_210 = tpu.memref_squeeze %parallel_loop3A_209 : memref<1x80x128xf32, #tpu.memory_space<vmem>> -> memref<80x128xf32, #tpu.memory_space<vmem>>
        %parallel_loop3A_211 = arith.index_cast %parallel_loop3A_186 : i32 to index
        %parallel_loop3A_212 = arith.constant 0 : index
        %parallel_loop3A_213 = tpu.vector_load %parallel_loop3A_210[%parallel_loop3A_211, %parallel_loop3A_212] {strides = array<i32>} : memref<80x128xf32, #tpu.memory_space<vmem>>, vector<1x16xf32>,
        %parallel_loop3A_214 = vector.shape_cast %parallel_loop3A_213 : vector<1x16xf32> to vector<16xf32>
        %parallel_loop3A_215 = vector.shape_cast %parallel_loop3A_206 : vector<16xf32> to vector<1x16xf32>
        tpu.vector_store %parallel_loop3A_210[%parallel_loop3A_211, %parallel_loop3A_212], %parallel_loop3A_215 {strides = array<i32>} : memref<80x128xf32, #tpu.memory_space<vmem>>, vector<1x16xf32>,
        %parallel_loop3A_216 = arith.constant 0 : i32
        %parallel_loop3A_217 = arith.constant 0 : i32
        %parallel_loop3A_218 = tpu.memref_slice %arg10[%rem3A_125, %parallel_loop3A_216, %parallel_loop3A_217] : memref<2x80x128xf32, #tpu.memory_space<vmem>> -> memref<1x80x128xf32, #tpu.memory_space<vmem>>
        %parallel_loop3A_219 = tpu.memref_squeeze %parallel_loop3A_218 : memref<1x80x128xf32, #tpu.memory_space<vmem>> -> memref<80x128xf32, #tpu.memory_space<vmem>>
        %parallel_loop3A_220 = arith.index_cast %parallel_loop3A_186 : i32 to index
        %parallel_loop3A_221 = arith.constant 16 : index
        %parallel_loop3A_222 = tpu.vector_load %parallel_loop3A_219[%parallel_loop3A_220, %parallel_loop3A_221] {strides = array<i32>} : memref<80x128xf32, #tpu.memory_space<vmem>>, vector<1x16xf32>,
        %parallel_loop3A_223 = vector.shape_cast %parallel_loop3A_222 : vector<1x16xf32> to vector<16xf32>
        %parallel_loop3A_224 = arith.constant 0 : i32
        %parallel_loop3A_225 = arith.constant 0 : i32
        %parallel_loop3A_226 = tpu.memref_slice %arg11[%rem3A_125, %parallel_loop3A_224, %parallel_loop3A_225] : memref<2x80x128xf32, #tpu.memory_space<vmem>> -> memref<1x80x128xf32, #tpu.memory_space<vmem>>
        %parallel_loop3A_227 = tpu.memref_squeeze %parallel_loop3A_226 : memref<1x80x128xf32, #tpu.memory_space<vmem>> -> memref<80x128xf32, #tpu.memory_space<vmem>>
        %parallel_loop3A_228 = arith.index_cast %parallel_loop3A_186 : i32 to index
        %parallel_loop3A_229 = arith.constant 16 : index
        %parallel_loop3A_230 = tpu.vector_load %parallel_loop3A_227[%parallel_loop3A_228, %parallel_loop3A_229] {strides = array<i32>} : memref<80x128xf32, #tpu.memory_space<vmem>>, vector<1x16xf32>,
        %parallel_loop3A_231 = vector.shape_cast %parallel_loop3A_230 : vector<1x16xf32> to vector<16xf32>
        %parallel_loop3A_232 = arith.addf %parallel_loop3A_223, %parallel_loop3A_231 : vector<16xf32>
        %parallel_loop3A_233 = arith.constant 0.000000e+00 : f32
        %parallel_loop3A_234 = vector.broadcast %parallel_loop3A_233 : f32 to vector<16xf32>
        %parallel_loop3A_235 = arith.maximumf %parallel_loop3A_232, %parallel_loop3A_234 : vector<16xf32>
        %parallel_loop3A_236 = arith.constant 0 : i32
        %parallel_loop3A_237 = arith.constant 0 : i32
        %parallel_loop3A_238 = tpu.memref_slice %arg10[%rem3A_125, %parallel_loop3A_236, %parallel_loop3A_237] : memref<2x80x128xf32, #tpu.memory_space<vmem>> -> memref<1x80x128xf32, #tpu.memory_space<vmem>>
        %parallel_loop3A_239 = tpu.memref_squeeze %parallel_loop3A_238 : memref<1x80x128xf32, #tpu.memory_space<vmem>> -> memref<80x128xf32, #tpu.memory_space<vmem>>
        %parallel_loop3A_240 = arith.index_cast %parallel_loop3A_186 : i32 to index
        %parallel_loop3A_241 = arith.constant 16 : index
        %parallel_loop3A_242 = tpu.vector_load %parallel_loop3A_239[%parallel_loop3A_240, %parallel_loop3A_241] {strides = array<i32>} : memref<80x128xf32, #tpu.memory_space<vmem>>, vector<1x16xf32>,
        %parallel_loop3A_243 = vector.shape_cast %parallel_loop3A_242 : vector<1x16xf32> to vector<16xf32>
        %parallel_loop3A_244 = vector.shape_cast %parallel_loop3A_235 : vector<16xf32> to vector<1x16xf32>
        tpu.vector_store %parallel_loop3A_239[%parallel_loop3A_240, %parallel_loop3A_241], %parallel_loop3A_244 {strides = array<i32>} : memref<80x128xf32, #tpu.memory_space<vmem>>, vector<1x16xf32>,
        %parallel_loop3A_245 = arith.constant 0 : i32
        %parallel_loop3A_246 = arith.constant 0 : i32
        %parallel_loop3A_247 = tpu.memref_slice %arg10[%rem3A_125, %parallel_loop3A_245, %parallel_loop3A_246] : memref<2x80x128xf32, #tpu.memory_space<vmem>> -> memref<1x80x128xf32, #tpu.memory_space<vmem>>
        %parallel_loop3A_248 = tpu.memref_squeeze %parallel_loop3A_247 : memref<1x80x128xf32, #tpu.memory_space<vmem>> -> memref<80x128xf32, #tpu.memory_space<vmem>>
        %parallel_loop3A_249 = arith.index_cast %parallel_loop3A_186 : i32 to index
        %parallel_loop3A_250 = arith.constant 32 : index
        %parallel_loop3A_251 = tpu.vector_load %parallel_loop3A_248[%parallel_loop3A_249, %parallel_loop3A_250] {strides = array<i32>} : memref<80x128xf32, #tpu.memory_space<vmem>>, vector<1x16xf32>,
        %parallel_loop3A_252 = vector.shape_cast %parallel_loop3A_251 : vector<1x16xf32> to vector<16xf32>
        %parallel_loop3A_253 = arith.constant 0 : i32
        %parallel_loop3A_254 = arith.constant 0 : i32
        %parallel_loop3A_255 = tpu.memref_slice %arg11[%rem3A_125, %parallel_loop3A_253, %parallel_loop3A_254] : memref<2x80x128xf32, #tpu.memory_space<vmem>> -> memref<1x80x128xf32, #tpu.memory_space<vmem>>
        %parallel_loop3A_256 = tpu.memref_squeeze %parallel_loop3A_255 : memref<1x80x128xf32, #tpu.memory_space<vmem>> -> memref<80x128xf32, #tpu.memory_space<vmem>>
        %parallel_loop3A_257 = arith.index_cast %parallel_loop3A_186 : i32 to index
        %parallel_loop3A_258 = arith.constant 32 : index
        %parallel_loop3A_259 = tpu.vector_load %parallel_loop3A_256[%parallel_loop3A_257, %parallel_loop3A_258] {strides = array<i32>} : memref<80x128xf32, #tpu.memory_space<vmem>>, vector<1x16xf32>,
        %parallel_loop3A_260 = vector.shape_cast %parallel_loop3A_259 : vector<1x16xf32> to vector<16xf32>
        %parallel_loop3A_261 = arith.addf %parallel_loop3A_252, %parallel_loop3A_260 : vector<16xf32>
        %parallel_loop3A_262 = arith.constant 0.000000e+00 : f32
        %parallel_loop3A_263 = vector.broadcast %parallel_loop3A_262 : f32 to vector<16xf32>
        %parallel_loop3A_264 = arith.maximumf %parallel_loop3A_261, %parallel_loop3A_263 : vector<16xf32>
        %parallel_loop3A_265 = arith.constant 0 : i32
        %parallel_loop3A_266 = arith.constant 0 : i32
        %parallel_loop3A_267 = tpu.memref_slice %arg10[%rem3A_125, %parallel_loop3A_265, %parallel_loop3A_266] : memref<2x80x128xf32, #tpu.memory_space<vmem>> -> memref<1x80x128xf32, #tpu.memory_space<vmem>>
        %parallel_loop3A_268 = tpu.memref_squeeze %parallel_loop3A_267 : memref<1x80x128xf32, #tpu.memory_space<vmem>> -> memref<80x128xf32, #tpu.memory_space<vmem>>
        %parallel_loop3A_269 = arith.index_cast %parallel_loop3A_186 : i32 to index
        %parallel_loop3A_270 = arith.constant 32 : index
        %parallel_loop3A_271 = tpu.vector_load %parallel_loop3A_268[%parallel_loop3A_269, %parallel_loop3A_270] {strides = array<i32>} : memref<80x128xf32, #tpu.memory_space<vmem>>, vector<1x16xf32>,
        %parallel_loop3A_272 = vector.shape_cast %parallel_loop3A_271 : vector<1x16xf32> to vector<16xf32>
        %parallel_loop3A_273 = vector.shape_cast %parallel_loop3A_264 : vector<16xf32> to vector<1x16xf32>
        tpu.vector_store %parallel_loop3A_268[%parallel_loop3A_269, %parallel_loop3A_270], %parallel_loop3A_273 {strides = array<i32>} : memref<80x128xf32, #tpu.memory_space<vmem>>, vector<1x16xf32>,
        %parallel_loop3A_274 = arith.constant 0 : i32
        %parallel_loop3A_275 = arith.constant 0 : i32
        %parallel_loop3A_276 = tpu.memref_slice %arg10[%rem3A_125, %parallel_loop3A_274, %parallel_loop3A_275] : memref<2x80x128xf32, #tpu.memory_space<vmem>> -> memref<1x80x128xf32, #tpu.memory_space<vmem>>
        %parallel_loop3A_277 = tpu.memref_squeeze %parallel_loop3A_276 : memref<1x80x128xf32, #tpu.memory_space<vmem>> -> memref<80x128xf32, #tpu.memory_space<vmem>>
        %parallel_loop3A_278 = arith.index_cast %parallel_loop3A_186 : i32 to index
        %parallel_loop3A_279 = arith.constant 48 : index
        %parallel_loop3A_280 = tpu.vector_load %parallel_loop3A_277[%parallel_loop3A_278, %parallel_loop3A_279] {strides = array<i32>} : memref<80x128xf32, #tpu.memory_space<vmem>>, vector<1x16xf32>,
        %parallel_loop3A_281 = vector.shape_cast %parallel_loop3A_280 : vector<1x16xf32> to vector<16xf32>
        %parallel_loop3A_282 = arith.constant 0 : i32
        %parallel_loop3A_283 = arith.constant 0 : i32
        %parallel_loop3A_284 = tpu.memref_slice %arg11[%rem3A_125, %parallel_loop3A_282, %parallel_loop3A_283] : memref<2x80x128xf32, #tpu.memory_space<vmem>> -> memref<1x80x128xf32, #tpu.memory_space<vmem>>
        %parallel_loop3A_285 = tpu.memref_squeeze %parallel_loop3A_284 : memref<1x80x128xf32, #tpu.memory_space<vmem>> -> memref<80x128xf32, #tpu.memory_space<vmem>>
        %parallel_loop3A_286 = arith.index_cast %parallel_loop3A_186 : i32 to index
        %parallel_loop3A_287 = arith.constant 48 : index
        %parallel_loop3A_288 = tpu.vector_load %parallel_loop3A_285[%parallel_loop3A_286, %parallel_loop3A_287] {strides = array<i32>} : memref<80x128xf32, #tpu.memory_space<vmem>>, vector<1x16xf32>,
        %parallel_loop3A_289 = vector.shape_cast %parallel_loop3A_288 : vector<1x16xf32> to vector<16xf32>
        %parallel_loop3A_290 = arith.addf %parallel_loop3A_281, %parallel_loop3A_289 : vector<16xf32>
        %parallel_loop3A_291 = arith.constant 0.000000e+00 : f32
        %parallel_loop3A_292 = vector.broadcast %parallel_loop3A_291 : f32 to vector<16xf32>
        %parallel_loop3A_293 = arith.maximumf %parallel_loop3A_290, %parallel_loop3A_292 : vector<16xf32>
        %parallel_loop3A_294 = arith.constant 0 : i32
        %parallel_loop3A_295 = arith.constant 0 : i32
        %parallel_loop3A_296 = tpu.memref_slice %arg10[%rem3A_125, %parallel_loop3A_294, %parallel_loop3A_295] : memref<2x80x128xf32, #tpu.memory_space<vmem>> -> memref<1x80x128xf32, #tpu.memory_space<vmem>>
        %parallel_loop3A_297 = tpu.memref_squeeze %parallel_loop3A_296 : memref<1x80x128xf32, #tpu.memory_space<vmem>> -> memref<80x128xf32, #tpu.memory_space<vmem>>
        %parallel_loop3A_298 = arith.index_cast %parallel_loop3A_186 : i32 to index
        %parallel_loop3A_299 = arith.constant 48 : index
        %parallel_loop3A_300 = tpu.vector_load %parallel_loop3A_297[%parallel_loop3A_298, %parallel_loop3A_299] {strides = array<i32>} : memref<80x128xf32, #tpu.memory_space<vmem>>, vector<1x16xf32>,
        %parallel_loop3A_301 = vector.shape_cast %parallel_loop3A_300 : vector<1x16xf32> to vector<16xf32>
        %parallel_loop3A_302 = vector.shape_cast %parallel_loop3A_293 : vector<16xf32> to vector<1x16xf32>
        tpu.vector_store %parallel_loop3A_297[%parallel_loop3A_298, %parallel_loop3A_299], %parallel_loop3A_302 {strides = array<i32>} : memref<80x128xf32, #tpu.memory_space<vmem>>, vector<1x16xf32>,
        %parallel_loop3A_303 = arith.constant 0 : i32
        %parallel_loop3A_304 = arith.constant 0 : i32
        %parallel_loop3A_305 = tpu.memref_slice %arg10[%rem3A_125, %parallel_loop3A_303, %parallel_loop3A_304] : memref<2x80x128xf32, #tpu.memory_space<vmem>> -> memref<1x80x128xf32, #tpu.memory_space<vmem>>
        %parallel_loop3A_306 = tpu.memref_squeeze %parallel_loop3A_305 : memref<1x80x128xf32, #tpu.memory_space<vmem>> -> memref<80x128xf32, #tpu.memory_space<vmem>>
        %parallel_loop3A_307 = arith.index_cast %parallel_loop3A_186 : i32 to index
        %parallel_loop3A_308 = arith.constant 64 : index
        %parallel_loop3A_309 = tpu.vector_load %parallel_loop3A_306[%parallel_loop3A_307, %parallel_loop3A_308] {strides = array<i32>} : memref<80x128xf32, #tpu.memory_space<vmem>>, vector<1x16xf32>,
        %parallel_loop3A_310 = vector.shape_cast %parallel_loop3A_309 : vector<1x16xf32> to vector<16xf32>
        %parallel_loop3A_311 = arith.constant 0 : i32
        %parallel_loop3A_312 = arith.constant 0 : i32
        %parallel_loop3A_313 = tpu.memref_slice %arg11[%rem3A_125, %parallel_loop3A_311, %parallel_loop3A_312] : memref<2x80x128xf32, #tpu.memory_space<vmem>> -> memref<1x80x128xf32, #tpu.memory_space<vmem>>
        %parallel_loop3A_314 = tpu.memref_squeeze %parallel_loop3A_313 : memref<1x80x128xf32, #tpu.memory_space<vmem>> -> memref<80x128xf32, #tpu.memory_space<vmem>>
        %parallel_loop3A_315 = arith.index_cast %parallel_loop3A_186 : i32 to index
        %parallel_loop3A_316 = arith.constant 64 : index
        %parallel_loop3A_317 = tpu.vector_load %parallel_loop3A_314[%parallel_loop3A_315, %parallel_loop3A_316] {strides = array<i32>} : memref<80x128xf32, #tpu.memory_space<vmem>>, vector<1x16xf32>,
        %parallel_loop3A_318 = vector.shape_cast %parallel_loop3A_317 : vector<1x16xf32> to vector<16xf32>
        %parallel_loop3A_319 = arith.addf %parallel_loop3A_310, %parallel_loop3A_318 : vector<16xf32>
        %parallel_loop3A_320 = arith.constant 0.000000e+00 : f32
        %parallel_loop3A_321 = vector.broadcast %parallel_loop3A_320 : f32 to vector<16xf32>
        %parallel_loop3A_322 = arith.maximumf %parallel_loop3A_319, %parallel_loop3A_321 : vector<16xf32>
        %parallel_loop3A_323 = arith.constant 0 : i32
        %parallel_loop3A_324 = arith.constant 0 : i32
        %parallel_loop3A_325 = tpu.memref_slice %arg10[%rem3A_125, %parallel_loop3A_323, %parallel_loop3A_324] : memref<2x80x128xf32, #tpu.memory_space<vmem>> -> memref<1x80x128xf32, #tpu.memory_space<vmem>>
        %parallel_loop3A_326 = tpu.memref_squeeze %parallel_loop3A_325 : memref<1x80x128xf32, #tpu.memory_space<vmem>> -> memref<80x128xf32, #tpu.memory_space<vmem>>
        %parallel_loop3A_327 = arith.index_cast %parallel_loop3A_186 : i32 to index
        %parallel_loop3A_328 = arith.constant 64 : index
        %parallel_loop3A_329 = tpu.vector_load %parallel_loop3A_326[%parallel_loop3A_327, %parallel_loop3A_328] {strides = array<i32>} : memref<80x128xf32, #tpu.memory_space<vmem>>, vector<1x16xf32>,
        %parallel_loop3A_330 = vector.shape_cast %parallel_loop3A_329 : vector<1x16xf32> to vector<16xf32>
        %parallel_loop3A_331 = vector.shape_cast %parallel_loop3A_322 : vector<16xf32> to vector<1x16xf32>
        tpu.vector_store %parallel_loop3A_326[%parallel_loop3A_327, %parallel_loop3A_328], %parallel_loop3A_331 {strides = array<i32>} : memref<80x128xf32, #tpu.memory_space<vmem>>, vector<1x16xf32>,
        %parallel_loop3A_332 = arith.constant 0 : i32
        %parallel_loop3A_333 = arith.constant 0 : i32
        %parallel_loop3A_334 = tpu.memref_slice %arg10[%rem3A_125, %parallel_loop3A_332, %parallel_loop3A_333] : memref<2x80x128xf32, #tpu.memory_space<vmem>> -> memref<1x80x128xf32, #tpu.memory_space<vmem>>
        %parallel_loop3A_335 = tpu.memref_squeeze %parallel_loop3A_334 : memref<1x80x128xf32, #tpu.memory_space<vmem>> -> memref<80x128xf32, #tpu.memory_space<vmem>>
        %parallel_loop3A_336 = arith.index_cast %parallel_loop3A_186 : i32 to index
        %parallel_loop3A_337 = arith.constant 80 : index
        %parallel_loop3A_338 = tpu.vector_load %parallel_loop3A_335[%parallel_loop3A_336, %parallel_loop3A_337] {strides = array<i32>} : memref<80x128xf32, #tpu.memory_space<vmem>>, vector<1x16xf32>,
        %parallel_loop3A_339 = vector.shape_cast %parallel_loop3A_338 : vector<1x16xf32> to vector<16xf32>
        %parallel_loop3A_340 = arith.constant 0 : i32
        %parallel_loop3A_341 = arith.constant 0 : i32
        %parallel_loop3A_342 = tpu.memref_slice %arg11[%rem3A_125, %parallel_loop3A_340, %parallel_loop3A_341] : memref<2x80x128xf32, #tpu.memory_space<vmem>> -> memref<1x80x128xf32, #tpu.memory_space<vmem>>
        %parallel_loop3A_343 = tpu.memref_squeeze %parallel_loop3A_342 : memref<1x80x128xf32, #tpu.memory_space<vmem>> -> memref<80x128xf32, #tpu.memory_space<vmem>>
        %parallel_loop3A_344 = arith.index_cast %parallel_loop3A_186 : i32 to index
        %parallel_loop3A_345 = arith.constant 80 : index
        %parallel_loop3A_346 = tpu.vector_load %parallel_loop3A_343[%parallel_loop3A_344, %parallel_loop3A_345] {strides = array<i32>} : memref<80x128xf32, #tpu.memory_space<vmem>>, vector<1x16xf32>,
        %parallel_loop3A_347 = vector.shape_cast %parallel_loop3A_346 : vector<1x16xf32> to vector<16xf32>
        %parallel_loop3A_348 = arith.addf %parallel_loop3A_339, %parallel_loop3A_347 : vector<16xf32>
        %parallel_loop3A_349 = arith.constant 0.000000e+00 : f32
        %parallel_loop3A_350 = vector.broadcast %parallel_loop3A_349 : f32 to vector<16xf32>
        %parallel_loop3A_351 = arith.maximumf %parallel_loop3A_348, %parallel_loop3A_350 : vector<16xf32>
        %parallel_loop3A_352 = arith.constant 0 : i32
        %parallel_loop3A_353 = arith.constant 0 : i32
        %parallel_loop3A_354 = tpu.memref_slice %arg10[%rem3A_125, %parallel_loop3A_352, %parallel_loop3A_353] : memref<2x80x128xf32, #tpu.memory_space<vmem>> -> memref<1x80x128xf32, #tpu.memory_space<vmem>>
        %parallel_loop3A_355 = tpu.memref_squeeze %parallel_loop3A_354 : memref<1x80x128xf32, #tpu.memory_space<vmem>> -> memref<80x128xf32, #tpu.memory_space<vmem>>
        %parallel_loop3A_356 = arith.index_cast %parallel_loop3A_186 : i32 to index
        %parallel_loop3A_357 = arith.constant 80 : index
        %parallel_loop3A_358 = tpu.vector_load %parallel_loop3A_355[%parallel_loop3A_356, %parallel_loop3A_357] {strides = array<i32>} : memref<80x128xf32, #tpu.memory_space<vmem>>, vector<1x16xf32>,
        %parallel_loop3A_359 = vector.shape_cast %parallel_loop3A_358 : vector<1x16xf32> to vector<16xf32>
        %parallel_loop3A_360 = vector.shape_cast %parallel_loop3A_351 : vector<16xf32> to vector<1x16xf32>
        tpu.vector_store %parallel_loop3A_355[%parallel_loop3A_356, %parallel_loop3A_357], %parallel_loop3A_360 {strides = array<i32>} : memref<80x128xf32, #tpu.memory_space<vmem>>, vector<1x16xf32>,
        %parallel_loop3A_361 = arith.constant 0 : i32
        %parallel_loop3A_362 = arith.constant 0 : i32
        %parallel_loop3A_363 = tpu.memref_slice %arg10[%rem3A_125, %parallel_loop3A_361, %parallel_loop3A_362] : memref<2x80x128xf32, #tpu.memory_space<vmem>> -> memref<1x80x128xf32, #tpu.memory_space<vmem>>
        %parallel_loop3A_364 = tpu.memref_squeeze %parallel_loop3A_363 : memref<1x80x128xf32, #tpu.memory_space<vmem>> -> memref<80x128xf32, #tpu.memory_space<vmem>>
        %parallel_loop3A_365 = arith.index_cast %parallel_loop3A_186 : i32 to index
        %parallel_loop3A_366 = arith.constant 96 : index
        %parallel_loop3A_367 = tpu.vector_load %parallel_loop3A_364[%parallel_loop3A_365, %parallel_loop3A_366] {strides = array<i32>} : memref<80x128xf32, #tpu.memory_space<vmem>>, vector<1x16xf32>,
        %parallel_loop3A_368 = vector.shape_cast %parallel_loop3A_367 : vector<1x16xf32> to vector<16xf32>
        %parallel_loop3A_369 = arith.constant 0 : i32
        %parallel_loop3A_370 = arith.constant 0 : i32
        %parallel_loop3A_371 = tpu.memref_slice %arg11[%rem3A_125, %parallel_loop3A_369, %parallel_loop3A_370] : memref<2x80x128xf32, #tpu.memory_space<vmem>> -> memref<1x80x128xf32, #tpu.memory_space<vmem>>
        %parallel_loop3A_372 = tpu.memref_squeeze %parallel_loop3A_371 : memref<1x80x128xf32, #tpu.memory_space<vmem>> -> memref<80x128xf32, #tpu.memory_space<vmem>>
        %parallel_loop3A_373 = arith.index_cast %parallel_loop3A_186 : i32 to index
        %parallel_loop3A_374 = arith.constant 96 : index
        %parallel_loop3A_375 = tpu.vector_load %parallel_loop3A_372[%parallel_loop3A_373, %parallel_loop3A_374] {strides = array<i32>} : memref<80x128xf32, #tpu.memory_space<vmem>>, vector<1x16xf32>,
        %parallel_loop3A_376 = vector.shape_cast %parallel_loop3A_375 : vector<1x16xf32> to vector<16xf32>
        %parallel_loop3A_377 = arith.addf %parallel_loop3A_368, %parallel_loop3A_376 : vector<16xf32>
        %parallel_loop3A_378 = arith.constant 0.000000e+00 : f32
        %parallel_loop3A_379 = vector.broadcast %parallel_loop3A_378 : f32 to vector<16xf32>
        %parallel_loop3A_380 = arith.maximumf %parallel_loop3A_377, %parallel_loop3A_379 : vector<16xf32>
        %parallel_loop3A_381 = arith.constant 0 : i32
        %parallel_loop3A_382 = arith.constant 0 : i32
        %parallel_loop3A_383 = tpu.memref_slice %arg10[%rem3A_125, %parallel_loop3A_381, %parallel_loop3A_382] : memref<2x80x128xf32, #tpu.memory_space<vmem>> -> memref<1x80x128xf32, #tpu.memory_space<vmem>>
        %parallel_loop3A_384 = tpu.memref_squeeze %parallel_loop3A_383 : memref<1x80x128xf32, #tpu.memory_space<vmem>> -> memref<80x128xf32, #tpu.memory_space<vmem>>
        %parallel_loop3A_385 = arith.index_cast %parallel_loop3A_186 : i32 to index
        %parallel_loop3A_386 = arith.constant 96 : index
        %parallel_loop3A_387 = tpu.vector_load %parallel_loop3A_384[%parallel_loop3A_385, %parallel_loop3A_386] {strides = array<i32>} : memref<80x128xf32, #tpu.memory_space<vmem>>, vector<1x16xf32>,
        %parallel_loop3A_388 = vector.shape_cast %parallel_loop3A_387 : vector<1x16xf32> to vector<16xf32>
        %parallel_loop3A_389 = vector.shape_cast %parallel_loop3A_380 : vector<16xf32> to vector<1x16xf32>
        tpu.vector_store %parallel_loop3A_384[%parallel_loop3A_385, %parallel_loop3A_386], %parallel_loop3A_389 {strides = array<i32>} : memref<80x128xf32, #tpu.memory_space<vmem>>, vector<1x16xf32>,
        %parallel_loop3A_390 = arith.constant 0 : i32
        %parallel_loop3A_391 = arith.constant 0 : i32
        %parallel_loop3A_392 = tpu.memref_slice %arg10[%rem3A_125, %parallel_loop3A_390, %parallel_loop3A_391] : memref<2x80x128xf32, #tpu.memory_space<vmem>> -> memref<1x80x128xf32, #tpu.memory_space<vmem>>
        %parallel_loop3A_393 = tpu.memref_squeeze %parallel_loop3A_392 : memref<1x80x128xf32, #tpu.memory_space<vmem>> -> memref<80x128xf32, #tpu.memory_space<vmem>>
        %parallel_loop3A_394 = arith.index_cast %parallel_loop3A_186 : i32 to index
        %parallel_loop3A_395 = arith.constant 112 : index
        %parallel_loop3A_396 = tpu.vector_load %parallel_loop3A_393[%parallel_loop3A_394, %parallel_loop3A_395] {strides = array<i32>} : memref<80x128xf32, #tpu.memory_space<vmem>>, vector<1x16xf32>,
        %parallel_loop3A_397 = vector.shape_cast %parallel_loop3A_396 : vector<1x16xf32> to vector<16xf32>
        %parallel_loop3A_398 = arith.constant 0 : i32
        %parallel_loop3A_399 = arith.constant 0 : i32
        %parallel_loop3A_400 = tpu.memref_slice %arg11[%rem3A_125, %parallel_loop3A_398, %parallel_loop3A_399] : memref<2x80x128xf32, #tpu.memory_space<vmem>> -> memref<1x80x128xf32, #tpu.memory_space<vmem>>
        %parallel_loop3A_401 = tpu.memref_squeeze %parallel_loop3A_400 : memref<1x80x128xf32, #tpu.memory_space<vmem>> -> memref<80x128xf32, #tpu.memory_space<vmem>>
        %parallel_loop3A_402 = arith.index_cast %parallel_loop3A_186 : i32 to index
        %parallel_loop3A_403 = arith.constant 112 : index
        %parallel_loop3A_404 = tpu.vector_load %parallel_loop3A_401[%parallel_loop3A_402, %parallel_loop3A_403] {strides = array<i32>} : memref<80x128xf32, #tpu.memory_space<vmem>>, vector<1x16xf32>,
        %parallel_loop3A_405 = vector.shape_cast %parallel_loop3A_404 : vector<1x16xf32> to vector<16xf32>
        %parallel_loop3A_406 = arith.addf %parallel_loop3A_397, %parallel_loop3A_405 : vector<16xf32>
        %parallel_loop3A_407 = arith.constant 0.000000e+00 : f32
        %parallel_loop3A_408 = vector.broadcast %parallel_loop3A_407 : f32 to vector<16xf32>
        %parallel_loop3A_409 = arith.maximumf %parallel_loop3A_406, %parallel_loop3A_408 : vector<16xf32>
        %parallel_loop3A_410 = arith.constant 0 : i32
        %parallel_loop3A_411 = arith.constant 0 : i32
        %parallel_loop3A_412 = tpu.memref_slice %arg10[%rem3A_125, %parallel_loop3A_410, %parallel_loop3A_411] : memref<2x80x128xf32, #tpu.memory_space<vmem>> -> memref<1x80x128xf32, #tpu.memory_space<vmem>>
        %parallel_loop3A_413 = tpu.memref_squeeze %parallel_loop3A_412 : memref<1x80x128xf32, #tpu.memory_space<vmem>> -> memref<80x128xf32, #tpu.memory_space<vmem>>
        %parallel_loop3A_414 = arith.index_cast %parallel_loop3A_186 : i32 to index
        %parallel_loop3A_415 = arith.constant 112 : index
        %parallel_loop3A_416 = tpu.vector_load %parallel_loop3A_413[%parallel_loop3A_414, %parallel_loop3A_415] {strides = array<i32>} : memref<80x128xf32, #tpu.memory_space<vmem>>, vector<1x16xf32>,
        %parallel_loop3A_417 = vector.shape_cast %parallel_loop3A_416 : vector<1x16xf32> to vector<16xf32>
        %parallel_loop3A_418 = vector.shape_cast %parallel_loop3A_409 : vector<16xf32> to vector<1x16xf32>
        tpu.vector_store %parallel_loop3A_413[%parallel_loop3A_414, %parallel_loop3A_415], %parallel_loop3A_418 {strides = array<i32>} : memref<80x128xf32, #tpu.memory_space<vmem>>, vector<1x16xf32>,
      } {sc.loop_unroll_factor = 4 : i64, sc.parallel_access}
      "tpu.region"() ({
        %run_scoped3A = tpu.sem_alloc : memref<!tpu.dma_semaphore, #tpu.memory_space<semaphore_mem>>
        %dma_start3A_186 = arith.constant 0 : i32
        %dma_start3A_187 = arith.constant 0 : i32
        %dma_start3A_188 = tpu.memref_slice %arg10[%rem3A_125, %dma_start3A_186, %dma_start3A_187] : memref<2x80x128xf32, #tpu.memory_space<vmem>> -> memref<1x80x128xf32, #tpu.memory_space<vmem>>
        %dma_start3A_189 = tpu.memref_squeeze %dma_start3A_188 : memref<1x80x128xf32, #tpu.memory_space<vmem>> -> memref<80x128xf32, #tpu.memory_space<vmem>>
        %dma_start3A_190 = arith.constant 0 : i32
        %dma_start3A_191 = tpu.memref_slice %arg9[%rem3A_125, %dma_start3A_190] : memref<2x80xi32, #tpu.memory_space<vmem>> -> memref<1x80xi32, #tpu.memory_space<vmem>>
        %dma_start3A_192 = tpu.memref_squeeze %dma_start3A_191 : memref<1x80xi32, #tpu.memory_space<vmem>> -> memref<80xi32, #tpu.memory_space<vmem>>
        %dma_start3A_193 = arith.constant 0 : i32
        %dma_start3A_194 = arith.constant 0 : i32
        %dma_start3A_195 = tpu.memref_slice %arg12[%dma_start3A_193, %dma_start3A_194] : memref<10000x128xf32, #tpu.memory_space<vmem_shared>> -> memref<10000x128xf32, #tpu.memory_space<vmem_shared>>
        tpu.enqueue_indirect_dma source(%dma_start3A_189 : memref<80x128xf32, #tpu.memory_space<vmem>>) target(%dma_start3A_195 : memref<10000x128xf32, #tpu.memory_space<vmem_shared>>) offsets(%dma_start3A_192 : memref<80xi32, #tpu.memory_space<vmem>>) semaphore(%run_scoped3A : memref<!tpu.dma_semaphore, #tpu.memory_space<semaphore_mem>>) {add = true}
        %dma_wait3A_196 = arith.constant 0 : i32
        %dma_wait3A_197 = arith.constant 0 : i32
        %dma_wait3A_198 = tpu.memref_slice %arg10[%rem3A_125, %dma_wait3A_196, %dma_wait3A_197] : memref<2x80x128xf32, #tpu.memory_space<vmem>> -> memref<1x80x128xf32, #tpu.memory_space<vmem>>
        %dma_wait3A_199 = tpu.memref_squeeze %dma_wait3A_198 : memref<1x80x128xf32, #tpu.memory_space<vmem>> -> memref<80x128xf32, #tpu.memory_space<vmem>>
        %dma_wait3A_200 = arith.constant 0 : i32
        %dma_wait3A_201 = tpu.memref_slice %arg9[%rem3A_125, %dma_wait3A_200] : memref<2x80xi32, #tpu.memory_space<vmem>> -> memref<1x80xi32, #tpu.memory_space<vmem>>
        %dma_wait3A_202 = tpu.memref_squeeze %dma_wait3A_201 : memref<1x80xi32, #tpu.memory_space<vmem>> -> memref<80xi32, #tpu.memory_space<vmem>>
        %dma_wait3A_203 = arith.constant 0 : i32
        %dma_wait3A_204 = arith.constant 0 : i32
        %dma_wait3A_205 = tpu.memref_slice %arg12[%dma_wait3A_203, %dma_wait3A_204] : memref<10000x128xf32, #tpu.memory_space<vmem_shared>> -> memref<10000x128xf32, #tpu.memory_space<vmem_shared>>
        tpu.wait_indirect_dma semaphore(%run_scoped3A : memref<!tpu.dma_semaphore, #tpu.memory_space<semaphore_mem>>) src(%dma_wait3A_199 : memref<80x128xf32, #tpu.memory_space<vmem>>) dst(%dma_wait3A_205 : memref<10000x128xf32, #tpu.memory_space<vmem_shared>>)
        tpu.yield
      }) : () -> ()
    }
    %scan3A_112 = arith.constant 73 : i32
    %barrier3A_113 = arith.constant 0 : index
    tpu.barrier barrier_id(%barrier3A_113)
    %lt3A_114 = arith.constant 15 : i32
    %lt3A_115 = arith.cmpi slt, %arg1, %lt3A_114 : i32
    %convert_element_type3A_116 = arith.extui %lt3A_115 : i1 to i32
    %cond3A_117 = arith.constant 0 : i32
    %cond3A_118 = arith.cmpi ne, %convert_element_type3A_116, %cond3A_117 : i32
    scf.if %cond3A_118 {
      %mul3A_124 = arith.constant 624 : i32
      %mul3A_125 = arith.muli %arg1, %mul3A_124 : i32
      %mul3A_126 = arith.constant 624 : i32
      %mul3A_127 = arith.muli %arg1, %mul3A_126 : i32
      "tpu.region"() ({
        %run_scoped3A = tpu.sem_alloc : memref<!tpu.dma_semaphore, #tpu.memory_space<semaphore_mem>>
        %dma_start3A_128 = arith.constant 0 : i32
        %dma_start3A_129 = tpu.memref_slice %arg7[%arg0, %mul3A_127, %dma_start3A_128] : memref<2x10000x128xf32, #tpu.memory_space<hbm>> -> memref<1x624x128xf32, #tpu.memory_space<hbm>>
        %dma_start3A_130 = tpu.memref_squeeze %dma_start3A_129 : memref<1x624x128xf32, #tpu.memory_space<hbm>> -> memref<624x128xf32, #tpu.memory_space<hbm>>
        %dma_start3A_131 = arith.constant 0 : i32
        %dma_start3A_132 = tpu.memref_slice %arg12[%mul3A_125, %dma_start3A_131] : memref<10000x128xf32, #tpu.memory_space<vmem_shared>> -> memref<624x128xf32, #tpu.memory_space<vmem_shared>>
        tpu.enqueue_dma source(%dma_start3A_132 : memref<624x128xf32, #tpu.memory_space<vmem_shared>>) target(%dma_start3A_130 : memref<624x128xf32, #tpu.memory_space<hbm>>) target_semaphore(%run_scoped3A : memref<!tpu.dma_semaphore, #tpu.memory_space<semaphore_mem>>)
        %dma_wait3A_133 = arith.constant 0 : i32
        %dma_wait3A_134 = tpu.memref_slice %arg7[%arg0, %mul3A_127, %dma_wait3A_133] : memref<2x10000x128xf32, #tpu.memory_space<hbm>> -> memref<1x624x128xf32, #tpu.memory_space<hbm>>
        %dma_wait3A_135 = tpu.memref_squeeze %dma_wait3A_134 : memref<1x624x128xf32, #tpu.memory_space<hbm>> -> memref<624x128xf32, #tpu.memory_space<hbm>>
        %dma_wait3A_136 = arith.constant 0 : i32
        %dma_wait3A_137 = tpu.memref_slice %arg12[%mul3A_125, %dma_wait3A_136] : memref<10000x128xf32, #tpu.memory_space<vmem_shared>> -> memref<624x128xf32, #tpu.memory_space<vmem_shared>>
        tpu.wait_dma2 semaphore(%run_scoped3A : memref<!tpu.dma_semaphore, #tpu.memory_space<semaphore_mem>>) src(%dma_wait3A_137 : memref<624x128xf32, #tpu.memory_space<vmem_shared>>) dst(%dma_wait3A_135 : memref<624x128xf32, #tpu.memory_space<hbm>>)
        tpu.yield
      }) : () -> ()
    } else {
    }
    %eq3A_119 = arith.constant 15 : i32
    %eq3A_120 = arith.cmpi eq, %arg1, %eq3A_119 : i32
    %convert_element_type3A_121 = arith.extui %eq3A_120 : i1 to i32
    %cond3A_122 = arith.constant 0 : i32
    %cond3A_123 = arith.cmpi ne, %convert_element_type3A_121, %cond3A_122 : i32
    scf.if %cond3A_123 {
      %mul3A_124 = arith.constant 624 : i32
      %mul3A_125 = arith.muli %arg1, %mul3A_124 : i32
      %mul3A_126 = arith.constant 624 : i32
      %mul3A_127 = arith.muli %arg1, %mul3A_126 : i32
      "tpu.region"() ({
        %run_scoped3A = tpu.sem_alloc : memref<!tpu.dma_semaphore, #tpu.memory_space<semaphore_mem>>
        %dma_start3A_128 = arith.constant 0 : i32
        %dma_start3A_129 = tpu.memref_slice %arg7[%arg0, %mul3A_127, %dma_start3A_128] : memref<2x10000x128xf32, #tpu.memory_space<hbm>> -> memref<1x640x128xf32, #tpu.memory_space<hbm>>
        %dma_start3A_130 = tpu.memref_squeeze %dma_start3A_129 : memref<1x640x128xf32, #tpu.memory_space<hbm>> -> memref<640x128xf32, #tpu.memory_space<hbm>>
        %dma_start3A_131 = arith.constant 0 : i32
        %dma_start3A_132 = tpu.memref_slice %arg12[%mul3A_125, %dma_start3A_131] : memref<10000x128xf32, #tpu.memory_space<vmem_shared>> -> memref<640x128xf32, #tpu.memory_space<vmem_shared>>
        tpu.enqueue_dma source(%dma_start3A_132 : memref<640x128xf32, #tpu.memory_space<vmem_shared>>) target(%dma_start3A_130 : memref<640x128xf32, #tpu.memory_space<hbm>>) target_semaphore(%run_scoped3A : memref<!tpu.dma_semaphore, #tpu.memory_space<semaphore_mem>>)
        %dma_wait3A_133 = arith.constant 0 : i32
        %dma_wait3A_134 = tpu.memref_slice %arg7[%arg0, %mul3A_127, %dma_wait3A_133] : memref<2x10000x128xf32, #tpu.memory_space<hbm>> -> memref<1x640x128xf32, #tpu.memory_space<hbm>>
        %dma_wait3A_135 = tpu.memref_squeeze %dma_wait3A_134 : memref<1x640x128xf32, #tpu.memory_space<hbm>> -> memref<640x128xf32, #tpu.memory_space<hbm>>
        %dma_wait3A_136 = arith.constant 0 : i32
        %dma_wait3A_137 = tpu.memref_slice %arg12[%mul3A_125, %dma_wait3A_136] : memref<10000x128xf32, #tpu.memory_space<vmem_shared>> -> memref<640x128xf32, #tpu.memory_space<vmem_shared>>
        tpu.wait_dma2 semaphore(%run_scoped3A : memref<!tpu.dma_semaphore, #tpu.memory_space<semaphore_mem>>) src(%dma_wait3A_137 : memref<640x128xf32, #tpu.memory_space<vmem_shared>>) dst(%dma_wait3A_135 : memref<640x128xf32, #tpu.memory_space<hbm>>)
        tpu.yield
      }) : () -> ()
    } else {
    }
    return
  }
}

module attributes {stable_mosaic.version = 14 : i64} {
  func.func @_edge_mm_body(%arg0: i32, %arg1: memref<16x2560xf32, #tpu.memory_space<vmem>>, %arg2: memref<16x128xf32, #tpu.memory_space<vmem>>, %arg3: memref<1x128xf32, #tpu.memory_space<vmem>>, %arg4: memref<2560x128xf32, #tpu.memory_space<vmem>>) attributes {dimension_semantics = [#tpu.dimension_semantics<arbitrary>], iteration_bounds = array<i64: 52>, scalar_prefetch = 0 : i64, scratch_operands = 0 : i64, tpu.core_type = #tpu.core_type<tc>, window_params = [{transform_indices = @transform_0, window_bounds = array<i64: 16, 2560>}, {pipeline_mode = #tpu.pipeline_mode<synchronous>, transform_indices = @transform_1, window_bounds = array<i64: 16, 128>}, {pipeline_mode = #tpu.pipeline_mode<synchronous>, transform_indices = @transform_2, window_bounds = array<i64: 1, 128>}, {transform_indices = @transform_3, window_bounds = array<i64: 2560, 128>}]} {
    %get3A = arith.constant 0 : index
    %get3A_0 = arith.constant 0 : index
    %get3A_1 = vector.load %arg1[%get3A, %get3A_0] : memref<16x2560xf32, #tpu.memory_space<vmem>>, vector<16x2560xf32>
    %get3A_2 = arith.constant 0 : index
    %get3A_3 = arith.constant 0 : index
    %get3A_4 = vector.load %arg2[%get3A_2, %get3A_3] : memref<16x128xf32, #tpu.memory_space<vmem>>, vector<16x128xf32>
    %dot_general3A = arith.constant dense<0.000000e+00> : vector<2560x128xf32>
    %dot_general3A_5 = tpu.matmul %get3A_1, %get3A_4, %dot_general3A {dimension_numbers = #tpu.dot_dimension_numbers<[0], [0], [1], [1], [0, 1, 1, 1], [], []>, transpose_lhs_hint = false} : vector<16x2560xf32>, vector<16x128xf32>, vector<2560x128xf32> -> vector<2560x128xf32>
    %get3A_6 = arith.constant 0 : index
    %get3A_7 = arith.constant 0 : index
    %get3A_8 = vector.load %arg3[%get3A_6, %get3A_7] : memref<1x128xf32, #tpu.memory_space<vmem>>, vector<1x128xf32>
    %add3A = vector.broadcast %get3A_8 : vector<1x128xf32> to vector<2560x128xf32>
    %add3A_9 = arith.addf %dot_general3A_5, %add3A : vector<2560x128xf32>
    %swap3A = arith.constant 0 : index
    %swap3A_10 = arith.constant 0 : index
    %swap3A_11 = vector.load %arg4[%swap3A, %swap3A_10] : memref<2560x128xf32, #tpu.memory_space<vmem>>, vector<2560x128xf32>
    tpu.vector_store %arg4[%swap3A, %swap3A_10], %add3A_9 {strides = array<i32>} : memref<2560x128xf32, #tpu.memory_space<vmem>>, vector<2560x128xf32>,
    return
  }
  func.func @transform_0(%arg0: i32) -> (i32, i32) {
    %add3A = arith.constant 0 : i32
    %add3A_0 = arith.addi %arg0, %add3A : i32
    %c0_i32 = arith.constant 0 : i32
    %c0_i32_1 = arith.constant 0 : i32
    return %c0_i32, %add3A_0 : i32, i32
  }
  func.func @transform_1(%arg0: i32) -> (i32, i32) {
    %c0_i32 = arith.constant 0 : i32
    %c0_i32_0 = arith.constant 0 : i32
    %c0_i32_1 = arith.constant 0 : i32
    return %c0_i32, %c0_i32_0 : i32, i32
  }
  func.func @transform_2(%arg0: i32) -> (i32, i32) {
    %c0_i32 = arith.constant 0 : i32
    %c0_i32_0 = arith.constant 0 : i32
    %c0_i32_1 = arith.constant 0 : i32
    return %c0_i32, %c0_i32_0 : i32, i32
  }
  func.func @transform_3(%arg0: i32) -> (i32, i32) {
    %c0_i32 = arith.constant 0 : i32
    %c0_i32_0 = arith.constant 0 : i32
    return %arg0, %c0_i32 : i32, i32
  }
}

module attributes {stable_mosaic.version = 14 : i64} {
  func.func @_edge_mm_body(%arg0: i32, %arg1: memref<16x2560xf32, #tpu.memory_space<vmem>>, %arg2: memref<16x128xf32, #tpu.memory_space<vmem>>, %arg3: memref<1x128xf32, #tpu.memory_space<vmem>>, %arg4: memref<2560x128xf32, #tpu.memory_space<vmem>>) attributes {dimension_semantics = [#tpu.dimension_semantics<arbitrary>], iteration_bounds = array<i64: 73>, scalar_prefetch = 0 : i64, scratch_operands = 0 : i64, tpu.core_type = #tpu.core_type<tc>, window_params = [{transform_indices = @transform_0, window_bounds = array<i64: 16, 2560>}, {pipeline_mode = #tpu.pipeline_mode<synchronous>, transform_indices = @transform_1, window_bounds = array<i64: 16, 128>}, {pipeline_mode = #tpu.pipeline_mode<synchronous>, transform_indices = @transform_2, window_bounds = array<i64: 1, 128>}, {transform_indices = @transform_3, window_bounds = array<i64: 2560, 128>}]} {
    %get3A = arith.constant 0 : index
    %get3A_0 = arith.constant 0 : index
    %get3A_1 = vector.load %arg1[%get3A, %get3A_0] : memref<16x2560xf32, #tpu.memory_space<vmem>>, vector<16x2560xf32>
    %get3A_2 = arith.constant 0 : index
    %get3A_3 = arith.constant 0 : index
    %get3A_4 = vector.load %arg2[%get3A_2, %get3A_3] : memref<16x128xf32, #tpu.memory_space<vmem>>, vector<16x128xf32>
    %dot_general3A = arith.constant dense<0.000000e+00> : vector<2560x128xf32>
    %dot_general3A_5 = tpu.matmul %get3A_1, %get3A_4, %dot_general3A {dimension_numbers = #tpu.dot_dimension_numbers<[0], [0], [1], [1], [0, 1, 1, 1], [], []>, transpose_lhs_hint = false} : vector<16x2560xf32>, vector<16x128xf32>, vector<2560x128xf32> -> vector<2560x128xf32>
    %get3A_6 = arith.constant 0 : index
    %get3A_7 = arith.constant 0 : index
    %get3A_8 = vector.load %arg3[%get3A_6, %get3A_7] : memref<1x128xf32, #tpu.memory_space<vmem>>, vector<1x128xf32>
    %add3A = vector.broadcast %get3A_8 : vector<1x128xf32> to vector<2560x128xf32>
    %add3A_9 = arith.addf %dot_general3A_5, %add3A : vector<2560x128xf32>
    %swap3A = arith.constant 0 : index
    %swap3A_10 = arith.constant 0 : index
    %swap3A_11 = vector.load %arg4[%swap3A, %swap3A_10] : memref<2560x128xf32, #tpu.memory_space<vmem>>, vector<2560x128xf32>
    tpu.vector_store %arg4[%swap3A, %swap3A_10], %add3A_9 {strides = array<i32>} : memref<2560x128xf32, #tpu.memory_space<vmem>>, vector<2560x128xf32>,
    return
  }
  func.func @transform_0(%arg0: i32) -> (i32, i32) {
    %add3A = arith.constant 52 : i32
    %add3A_0 = arith.addi %arg0, %add3A : i32
    %c0_i32 = arith.constant 0 : i32
    %c0_i32_1 = arith.constant 0 : i32
    return %c0_i32, %add3A_0 : i32, i32
  }
  func.func @transform_1(%arg0: i32) -> (i32, i32) {
    %c0_i32 = arith.constant 0 : i32
    %c0_i32_0 = arith.constant 0 : i32
    %c0_i32_1 = arith.constant 0 : i32
    return %c0_i32, %c0_i32_0 : i32, i32
  }
  func.func @transform_2(%arg0: i32) -> (i32, i32) {
    %c0_i32 = arith.constant 0 : i32
    %c0_i32_0 = arith.constant 0 : i32
    %c0_i32_1 = arith.constant 0 : i32
    return %c0_i32, %c0_i32_0 : i32, i32
  }
  func.func @transform_3(%arg0: i32) -> (i32, i32) {
    %c0_i32 = arith.constant 0 : i32
    %c0_i32_0 = arith.constant 0 : i32
    return %arg0, %c0_i32 : i32, i32
  }
}

module attributes {stable_mosaic.version = 14 : i64} {
  func.func @_mlp_body(%arg0: i32, %arg1: memref<1xf32, #tpu.memory_space<smem>>, %arg2: memref<2000x128xf32, #tpu.memory_space<vmem>>, %arg3: memref<2x2000x128xf32, #tpu.memory_space<vmem>>, %arg4: memref<128x256xf32, #tpu.memory_space<vmem>>, %arg5: memref<1x256xf32, #tpu.memory_space<vmem>>, %arg6: memref<1x256xf32, #tpu.memory_space<vmem>>, %arg7: memref<1x256xf32, #tpu.memory_space<vmem>>, %arg8: memref<256x128xf32, #tpu.memory_space<vmem>>, %arg9: memref<1x128xf32, #tpu.memory_space<vmem>>, %arg10: memref<2000x128xf32, #tpu.memory_space<vmem>>) attributes {dimension_semantics = [#tpu.dimension_semantics<arbitrary>], iteration_bounds = array<i64: 5>, scalar_prefetch = 0 : i64, scratch_operands = 0 : i64, tpu.core_type = #tpu.core_type<tc>, window_params = [{transform_indices = @transform_0, window_bounds = array<i64: 1>}, {transform_indices = @transform_1, window_bounds = array<i64: 2000, 128>}, {transform_indices = @transform_2, window_bounds = array<i64: 2, 2000, 128>}, {pipeline_mode = #tpu.pipeline_mode<synchronous>, transform_indices = @transform_3, window_bounds = array<i64: 128, 256>}, {pipeline_mode = #tpu.pipeline_mode<synchronous>, transform_indices = @transform_4, window_bounds = array<i64: 1, 256>}, {pipeline_mode = #tpu.pipeline_mode<synchronous>, transform_indices = @transform_5, window_bounds = array<i64: 1, 256>}, {pipeline_mode = #tpu.pipeline_mode<synchronous>, transform_indices = @transform_6, window_bounds = array<i64: 1, 256>}, {pipeline_mode = #tpu.pipeline_mode<synchronous>, transform_indices = @transform_7, window_bounds = array<i64: 256, 128>}, {pipeline_mode = #tpu.pipeline_mode<synchronous>, transform_indices = @transform_8, window_bounds = array<i64: 1, 128>}, {transform_indices = @transform_9, window_bounds = array<i64: 2000, 128>}]} {
    %get3A = arith.constant 0 : index
    %get3A_0 = arith.constant 0 : index
    %get3A_1 = vector.load %arg2[%get3A, %get3A_0] : memref<2000x128xf32, #tpu.memory_space<vmem>>, vector<2000x128xf32>
    %get3A_2 = arith.constant 0 : index
    %get3A_3 = memref.load %arg1[%get3A_2] : memref<1xf32, #tpu.memory_space<smem>>
    %mul3A = vector.broadcast %get3A_3 : f32 to vector<2000x128xf32>
    %mul3A_4 = arith.mulf %get3A_1, %mul3A : vector<2000x128xf32>
    %get3A_5 = arith.constant 0 : index
    %get3A_6 = arith.constant 0 : index
    %get3A_7 = arith.constant 0 : index
    %get3A_8 = vector.load %arg3[%get3A_5, %get3A_6, %get3A_7] : memref<2x2000x128xf32, #tpu.memory_space<vmem>>, vector<1x2000x128xf32>
    %get3A_9 = vector.shape_cast %get3A_8 : vector<1x2000x128xf32> to vector<2000x128xf32>
    %add3A = arith.addf %mul3A_4, %get3A_9 : vector<2000x128xf32>
    %get3A_10 = arith.constant 1 : index
    %get3A_11 = arith.constant 0 : index
    %get3A_12 = arith.constant 0 : index
    %get3A_13 = vector.load %arg3[%get3A_10, %get3A_11, %get3A_12] : memref<2x2000x128xf32, #tpu.memory_space<vmem>>, vector<1x2000x128xf32>
    %get3A_14 = vector.shape_cast %get3A_13 : vector<1x2000x128xf32> to vector<2000x128xf32>
    %add3A_15 = arith.addf %add3A, %get3A_14 : vector<2000x128xf32>
    %get3A_16 = arith.constant 0 : index
    %get3A_17 = arith.constant 0 : index
    %get3A_18 = vector.load %arg4[%get3A_16, %get3A_17] : memref<128x256xf32, #tpu.memory_space<vmem>>, vector<128x256xf32>
    %dot_general3A = arith.constant dense<0.000000e+00> : vector<2000x256xf32>
    %dot_general3A_19 = tpu.matmul %add3A_15, %get3A_18, %dot_general3A {dimension_numbers = #tpu.dot_dimension_numbers<[1], [0], [0], [1], [0, 0, 1, 1], [], []>, transpose_lhs_hint = false} : vector<2000x128xf32>, vector<128x256xf32>, vector<2000x256xf32> -> vector<2000x256xf32>
    %get3A_20 = arith.constant 0 : index
    %get3A_21 = arith.constant 0 : index
    %get3A_22 = vector.load %arg5[%get3A_20, %get3A_21] : memref<1x256xf32, #tpu.memory_space<vmem>>, vector<1x256xf32>
    %add3A_23 = vector.broadcast %get3A_22 : vector<1x256xf32> to vector<2000x256xf32>
    %add3A_24 = arith.addf %dot_general3A_19, %add3A_23 : vector<2000x256xf32>
    %reduce_sum3A = arith.constant dense<0.000000e+00> : vector<2000xf32>
    %reduce_sum3A_25 = vector.multi_reduction <add>, %add3A_24, %reduce_sum3A [1] : vector<2000x256xf32> to vector<2000xf32>
    %broadcast_in_dim3A = vector.shape_cast %reduce_sum3A_25 : vector<2000xf32> to vector<2000x1xf32>
    %div3A = arith.constant 2.560000e+02 : f32
    %div3A_26 = vector.broadcast %div3A : f32 to vector<2000x1xf32>
    %div3A_27 = arith.divf %broadcast_in_dim3A, %div3A_26 : vector<2000x1xf32>
    %sub3A = vector.broadcast %div3A_27 : vector<2000x1xf32> to vector<2000x256xf32>
    %sub3A_28 = arith.subf %add3A_24, %sub3A : vector<2000x256xf32>
    %sub3A_29 = vector.broadcast %div3A_27 : vector<2000x1xf32> to vector<2000x256xf32>
    %sub3A_30 = arith.subf %add3A_24, %sub3A_29 : vector<2000x256xf32>
    %mul3A_31 = arith.mulf %sub3A_28, %sub3A_30 : vector<2000x256xf32>
    %reduce_sum3A_32 = arith.constant dense<0.000000e+00> : vector<2000xf32>
    %reduce_sum3A_33 = vector.multi_reduction <add>, %mul3A_31, %reduce_sum3A_32 [1] : vector<2000x256xf32> to vector<2000xf32>
    %broadcast_in_dim3A_34 = vector.shape_cast %reduce_sum3A_33 : vector<2000xf32> to vector<2000x1xf32>
    %div3A_35 = arith.constant 2.560000e+02 : f32
    %div3A_36 = vector.broadcast %div3A_35 : f32 to vector<2000x1xf32>
    %div3A_37 = arith.divf %broadcast_in_dim3A_34, %div3A_36 : vector<2000x1xf32>
    %sub3A_38 = vector.broadcast %div3A_27 : vector<2000x1xf32> to vector<2000x256xf32>
    %sub3A_39 = arith.subf %add3A_24, %sub3A_38 : vector<2000x256xf32>
    %add3A_40 = arith.constant 9.99999974E-6 : f32
    %add3A_41 = vector.broadcast %add3A_40 : f32 to vector<2000x1xf32>
    %add3A_42 = arith.addf %div3A_37, %add3A_41 : vector<2000x1xf32>
    %rsqrt3A = math.rsqrt %add3A_42 : vector<2000x1xf32>
    %mul3A_43 = vector.broadcast %rsqrt3A : vector<2000x1xf32> to vector<2000x256xf32>
    %mul3A_44 = arith.mulf %sub3A_39, %mul3A_43 : vector<2000x256xf32>
    %get3A_45 = arith.constant 0 : index
    %get3A_46 = arith.constant 0 : index
    %get3A_47 = vector.load %arg6[%get3A_45, %get3A_46] : memref<1x256xf32, #tpu.memory_space<vmem>>, vector<1x256xf32>
    %mul3A_48 = vector.broadcast %get3A_47 : vector<1x256xf32> to vector<2000x256xf32>
    %mul3A_49 = arith.mulf %mul3A_44, %mul3A_48 : vector<2000x256xf32>
    %get3A_50 = arith.constant 0 : index
    %get3A_51 = arith.constant 0 : index
    %get3A_52 = vector.load %arg7[%get3A_50, %get3A_51] : memref<1x256xf32, #tpu.memory_space<vmem>>, vector<1x256xf32>
    %add3A_53 = vector.broadcast %get3A_52 : vector<1x256xf32> to vector<2000x256xf32>
    %add3A_54 = arith.addf %mul3A_49, %add3A_53 : vector<2000x256xf32>
    %max3A = arith.constant 0.000000e+00 : f32
    %max3A_55 = vector.broadcast %max3A : f32 to vector<2000x256xf32>
    %max3A_56 = arith.maximumf %add3A_54, %max3A_55 : vector<2000x256xf32>
    %get3A_57 = arith.constant 0 : index
    %get3A_58 = arith.constant 0 : index
    %get3A_59 = vector.load %arg8[%get3A_57, %get3A_58] : memref<256x128xf32, #tpu.memory_space<vmem>>, vector<256x128xf32>
    %dot_general3A_60 = arith.constant dense<0.000000e+00> : vector<2000x128xf32>
    %dot_general3A_61 = tpu.matmul %max3A_56, %get3A_59, %dot_general3A_60 {dimension_numbers = #tpu.dot_dimension_numbers<[1], [0], [0], [1], [0, 0, 1, 1], [], []>, transpose_lhs_hint = false} : vector<2000x256xf32>, vector<256x128xf32>, vector<2000x128xf32> -> vector<2000x128xf32>
    %get3A_62 = arith.constant 0 : index
    %get3A_63 = arith.constant 0 : index
    %get3A_64 = vector.load %arg9[%get3A_62, %get3A_63] : memref<1x128xf32, #tpu.memory_space<vmem>>, vector<1x128xf32>
    %add3A_65 = vector.broadcast %get3A_64 : vector<1x128xf32> to vector<2000x128xf32>
    %add3A_66 = arith.addf %dot_general3A_61, %add3A_65 : vector<2000x128xf32>
    %swap3A = arith.constant 0 : index
    %swap3A_67 = arith.constant 0 : index
    %swap3A_68 = vector.load %arg10[%swap3A, %swap3A_67] : memref<2000x128xf32, #tpu.memory_space<vmem>>, vector<2000x128xf32>
    tpu.vector_store %arg10[%swap3A, %swap3A_67], %add3A_66 {strides = array<i32>} : memref<2000x128xf32, #tpu.memory_space<vmem>>, vector<2000x128xf32>,
    return
  }
  func.func @transform_0(%arg0: i32) -> i32 {
    %c0_i32 = arith.constant 0 : i32
    %c0_i32_0 = arith.constant 0 : i32
    return %c0_i32 : i32
  }
  func.func @transform_1(%arg0: i32) -> (i32, i32) {
    %c0_i32 = arith.constant 0 : i32
    %c0_i32_0 = arith.constant 0 : i32
    return %arg0, %c0_i32 : i32, i32
  }
  func.func @transform_2(%arg0: i32) -> (i32, i32, i32) {
    %c0_i32 = arith.constant 0 : i32
    %c0_i32_0 = arith.constant 0 : i32
    %c0_i32_1 = arith.constant 0 : i32
    return %c0_i32, %arg0, %c0_i32_0 : i32, i32, i32
  }
  func.func @transform_3(%arg0: i32) -> (i32, i32) {
    %c0_i32 = arith.constant 0 : i32
    %c0_i32_0 = arith.constant 0 : i32
    %c0_i32_1 = arith.constant 0 : i32
    return %c0_i32, %c0_i32_0 : i32, i32
  }
  func.func @transform_4(%arg0: i32) -> (i32, i32) {
    %c0_i32 = arith.constant 0 : i32
    %c0_i32_0 = arith.constant 0 : i32
    %c0_i32_1 = arith.constant 0 : i32
    return %c0_i32, %c0_i32_0 : i32, i32
  }
  func.func @transform_5(%arg0: i32) -> (i32, i32) {
    %c0_i32 = arith.constant 0 : i32
    %c0_i32_0 = arith.constant 0 : i32
    %c0_i32_1 = arith.constant 0 : i32
    return %c0_i32, %c0_i32_0 : i32, i32
  }
  func.func @transform_6(%arg0: i32) -> (i32, i32) {
    %c0_i32 = arith.constant 0 : i32
    %c0_i32_0 = arith.constant 0 : i32
    %c0_i32_1 = arith.constant 0 : i32
    return %c0_i32, %c0_i32_0 : i32, i32
  }
  func.func @transform_7(%arg0: i32) -> (i32, i32) {
    %c0_i32 = arith.constant 0 : i32
    %c0_i32_0 = arith.constant 0 : i32
    %c0_i32_1 = arith.constant 0 : i32
    return %c0_i32, %c0_i32_0 : i32, i32
  }
  func.func @transform_8(%arg0: i32) -> (i32, i32) {
    %c0_i32 = arith.constant 0 : i32
    %c0_i32_0 = arith.constant 0 : i32
    %c0_i32_1 = arith.constant 0 : i32
    return %c0_i32, %c0_i32_0 : i32, i32
  }
  func.func @transform_9(%arg0: i32) -> (i32, i32) {
    %c0_i32 = arith.constant 0 : i32
    %c0_i32_0 = arith.constant 0 : i32
    return %arg0, %c0_i32 : i32, i32
  }
}

</mosaic_0001>

<sc_bundles>
// kernel: kernel.10.cloned.1.call-start
scs
__scs_entry_jumppad:
0x0: {  	(pc) =	sbr.rel $0x88, $3  }
0x1: {  	(tag) =	ssettag $0x0;
	lr =	simm.s32 $0x1  }
0x2: {  	[smem:$0x3F95] =	sst lr;
	_ =	strace $0xD0000000  }
0x3: {  	_ = 	snop  }
0x4: {  	_ = 	snop  }
0x5: {  	_ = 	snop  }
0x6: {  	_ = 	snop  }
0x7: {  	_ = 	snop  }
__scs_overlays_trampoline_lowered:
0x8: {  	[smem:$0x3FA4] =	sst s0  }
0x9: {  	[smem:$0x3FA5] =	sst s1  }
0xa: {  	[smem:$0x3FA6] =	sst s2  }
0xb: {  	[smem:$0x3FA7] =	sst s3  }
0xc: {  	[smem:$0x3FA8] =	sst s4  }
0xd: {  	[smem:$0x3FA9] =	sst s5  }
0xe: {  	[smem:$0x3FAA] =	sst s6  }
0xf: {  	[smem:$0x3FAB] =	sst s7  }
0x10: {  	[smem:$0x3FAC] =	sst s8  }
0x11: {  	[smem:$0x3FAD] =	sst s9;
	s0 =	simm.s32 @!p0 $0x0  }
0x12: {  	s1 =	sld [smem:$0x3F93];
	s0 =	simm.s32 @p0 $0x1  }
0x13: {  	[smem:$0x3FAE] =	sst s0;
	s0 =	simm.s32 @!p1 $0x0  }
0x14: {  	s2 =	sld [smem:$0x3F92];
	s0 =	simm.s32 @p1 $0x1  }
0x15: {  	[smem:$0x3FAF] =	sst s0;
	s0 =	simm.s32 @!p2 $0x0  }
0x16: {  	s3 =	sld [smem:$0x3FDB];
	s0 =	simm.s32 @p2 $0x1  }
0x17: {  	s4 =	simm.s32 $0x1BF5;
	[smem:$0x3FB1] =	sst s0  }
0x18: {  	s0 =	sld [smem:$0x3F94];
	_ =	swait.ge [sflag:s4], $0x0  }
0x19: {  	s7 =	sld [smem:$0x3F95]  }
0x1a: {  	s8 =	sadd.s32 $0xFFFFE003, lr  }
0x1b: {  	s9 =	sadd.s32 $0xFFFFFEF7, lr;
	s5 =	simm.s32 $0xFFFFFFFF;
	p2 =	slt.u32 s8, $0xFFFFF086  }
0x1c: {  	p1 =	slt.u32 s9, $0xF7A;
	s5 =	simm.s32 @!p2 $0x0  }
0x1d: {  	s5 =	simm.s32 @p1 $0x1;
	p0 =	seq.s32 s7, s2  }
0x1e: {  	s7 =	smul.u32 @!p0 $0xF7A, s2;
	p2 =	seq.s32 @!p0 s5, $0x0  }
0x1f: {  	s9 =	smul.u32 $0xF7A, s1;
	s8 =	simm.s32 @!p0 $0x1BF5;
	p2 =	por !p2, p0  }
0x20: {  	[sflag:s8] =	ssyncset.s32 @!p0 $0xFFFFF086;
	s6 =	sadd.s32 @!p0 s3, s7;
	s7 =	simm.s32 @!p0 $0x108  }
0x21: {  	s3 =	sadd.s32 s3, s9;
	s6 =	sadd.s32 @!p0 $0x88, s6;
	s7 =	simm.s32 @p2 $0x1082  }
0x22: {  	[simem:s7], [sflag:s8] =	dma.local @!p0 [hbm:s6], $0xF7A  }
0x23: {  	s9 =	sor.u32 $0xD0000000, s2;
	s6 =	simm.s32 $0x108;
	_ =	swait.ge @!p0 [sflag:s8], $0x0  }
0x24: {  	s3 =	sadd.s32 $0x88, s3;
	s6 =	simm.s32 @!p1 $0x1082;
	[sflag:s4] =	ssyncset.s32 $0xFFFFF086  }
0x25: {  	[simem:s6], [sflag:s4] =	dma.local [hbm:s3], $0xF7A  }
0x26: {  	[smem:$0x3F95] =	sst s1;
	(tag) =	ssettag s2;
	_ =	strace s9  }
0x27: {  	s1 =	sld [smem:$0x3FA5]  }
0x28: {  	s2 =	sld [smem:$0x3FA6]  }
0x29: {  	s4 =	sld [smem:$0x3FA8]  }
0x2a: {  	p0 =	seq.s32 s5, $0x0;
	s5 =	sld [smem:$0x3FA9]  }
0x2b: {  	s6 =	sld [smem:$0x3FAA]  }
0x2c: {  	s7 =	sld [smem:$0x3FAB]  }
0x2d: {  	s3 =	simm.s32 $0x108;
	s8 =	sld [smem:$0x3FAC]  }
0x2e: {  	s3 =	simm.s32 @!p0 $0x1082;
	s9 =	sld [smem:$0x3FAD]  }
0x2f: {  	lr =	sadd.s32 s0, s3;
	s0 =	sld [smem:$0x3FA4]  }
0x30: {  	s3 =	sld [smem:$0x3FA7]  }
0x31: {  	[smem:$0x3FB0] =	sst s10  }
0x32: {  	s10 =	sld [smem:$0x3FAE];
	_ =	sdelay $0x3  }
0x33: {  	p0 =	seq.s32 s10, $0x1;
	s10 =	sld [smem:$0x3FB0];
	_ =	sdelay $0x3  }
0x34: {  	[smem:$0x3FB0] =	sst s10  }
0x35: {  	s10 =	sld [smem:$0x3FAF];
	_ =	sdelay $0x3  }
0x36: {  	p1 =	seq.s32 s10, $0x1;
	s10 =	sld [smem:$0x3FB0];
	_ =	sdelay $0x3  }
0x37: {  	[smem:$0x3FB0] =	sst s10  }
0x38: {  	s10 =	sld [smem:$0x3FB1]  }
0x39: {  	_ = 	snop;
	(pc) =	sbr.ind lr, $3  }
0x3a: {  	_ = 	snop  }
0x3b: {  	_ = 	snop  }
0x3c: {  	p2 =	seq.s32 s10, $0x1;
	s10 =	sld [smem:$0x3FB0]  }
0x3d: {  	_ =	shalt  }
0x3e: {  	_ =	shalt  }
0x3f: {  	_ =	shalt  }
0x40: {  	_ =	shalt  }
0x41: {  	_ =	shalt  }
0x42: {  	_ =	shalt  }
0x43: {  	_ =	shalt  }
0x44: {  	_ =	shalt  }
0x45: {  	_ =	shalt  }
0x46: {  	_ =	shalt  }
0x47: {  	_ =	shalt  }
0x48: {  	_ =	shalt  }
0x49: {  	_ =	shalt  }
0x4a: {  	_ =	shalt  }
0x4b: {  	_ =	shalt  }
0x4c: {  	_ =	shalt  }
0x4d: {  	_ =	shalt  }
0x4e: {  	_ =	shalt  }
0x4f: {  	_ =	shalt  }
0x50: {  	_ =	shalt  }
0x51: {  	_ =	shalt  }
0x52: {  	_ =	shalt  }
0x53: {  	_ =	shalt  }
0x54: {  	_ =	shalt  }
0x55: {  	_ =	shalt  }
0x56: {  	_ =	shalt  }
0x57: {  	_ =	shalt  }
0x58: {  	_ =	shalt  }
0x59: {  	_ =	shalt  }
0x5a: {  	_ =	shalt  }
0x5b: {  	_ =	shalt  }
0x5c: {  	_ =	shalt  }
0x5d: {  	_ =	shalt  }
0x5e: {  	_ =	shalt  }
0x5f: {  	_ =	shalt  }
0x60: {  	_ =	shalt  }
0x61: {  	_ =	shalt  }
0x62: {  	_ =	shalt  }
0x63: {  	_ =	shalt  }
0x64: {  	_ =	shalt  }
0x65: {  	_ =	shalt  }
0x66: {  	_ =	shalt  }
0x67: {  	_ =	shalt  }
0x68: {  	_ =	shalt  }
0x69: {  	_ =	shalt  }
0x6a: {  	_ =	shalt  }
0x6b: {  	_ =	shalt  }
0x6c: {  	_ =	shalt  }
0x6d: {  	_ =	shalt  }
0x6e: {  	_ =	shalt  }
0x6f: {  	_ =	shalt  }
0x70: {  	_ =	shalt  }
0x71: {  	_ =	shalt  }
0x72: {  	_ =	shalt  }
0x73: {  	_ =	shalt  }
0x74: {  	_ =	shalt  }
0x75: {  	_ =	shalt  }
0x76: {  	_ =	shalt  }
0x77: {  	_ =	shalt  }
0x78: {  	_ =	shalt  }
0x79: {  	_ =	shalt  }
0x7a: {  	_ =	shalt  }
0x7b: {  	_ =	shalt  }
0x7c: {  	_ =	shalt  }
0x7d: {  	_ =	shalt  }
0x7e: {  	_ =	shalt  }
0x7f: {  	_ =	shalt  }
0x80: {  	_ =	shalt  }
0x81: {  	_ =	shalt  }
0x82: {  	_ =	shalt  }
0x83: {  	_ =	shalt  }
0x84: {  	_ =	shalt  }
0x85: {  	_ =	shalt  }
0x86: {  	_ =	shalt  }
0x87: {  	_ =	shalt  }
.Lfunc_end0:
.L_simem_size_0:
called_computation.1_lowered:
.L_overlay_start_0:
0x88: {  	s2 =	sld [smem:$0x3FD9]  }
0x89: {  	s3 =	sld [smem:$0x3FFE];
	_ =	sdelay $0x1  }
0x8a: {  	s1 =	srdreg.scid  }
0x8b: {  	s0 =	sand.u32 $0x1, s1  }
0x8c: {  	s17 =	sshll.u32 s0, $0xA;
	s2 =	sadd.s32 s3, s2  }
0x8d: {  	s2 =	sadd.s32 s2, s17  }
0x8e: {  	[smem:$0x3FBC] =	sst s2  }
0x8f: {  	_ = 	snop  }
0x90: {  	s2 =	sld [smem:$0x3FC9];
	(tm) =	ssettm $0x1  }
0x91: {  	s18 =	sld [smem:$0x3FFB];
	_ =	sdelay $0x3  }
0x92: {  	_ =	strace s18  }
0x93: {  	s3 =	sld [smem:$0x3FFC];
	_ =	sdelay $0x3  }
0x94: {  	_ =	strace s3  }
0x95: {  	s3 =	sld [smem:$0x3FFD];
	_ =	sdelay $0x3  }
0x96: {  	_ =	strace s3  }
0x97: {  	_ =	strace $0x8FFFFFFF  }
0x98: {  	s19 =	sld [smem:$0x3FDB];
	_ =	sdelay $0x1  }
0x99: {  	s4 =	simm.s32 $_scs_section_size  }
0x9a: {  	s5 =	simm.s32 $_size__tile_overlayer_lowered;
	s6 =	simm.s32 $_tile_overlayer_lowered  }
0x9b: {  	s22 =	simm.s32 $0x1BFF;
	s21 =	sshll.u32 s6, $0x1;
	s3 =	sadd.s32 s4, s19  }
0x9c: {  	s7 =	simm.s32 $0x0;
	s20 =	sshll.u32 s5, $0x1;
	s5 =	sadd.s32 s21, s3  }
0x9d: {  	[timem:s7], [sflag:s22] =	dma.local [hbm:s5], s20  }
0x9e: {  	_ =	swait.ge [sflag:s22], s20  }
0x9f: {  	s4 =	ssub.s32 $0x0, s20;
	[sflag:s22] =	ssyncset.done $0x0  }
0xa0: {  	[sflag:s22] =	ssyncadd.s32 s4;
	_ =	sdelay $0x1  }
0xa1: {  	s23 =	simm.s32 $0x1B8B  }
0xa2: {  	_ =	swait.ge [sflag:s23], $0x1  }
0xa3: {  	[sflag:s23] =	ssyncset.done $0x0  }
0xa4: {  	s25 =	simm.s32 $0x1B8E;
	s24 =	sld [smem:$0x3FFE];
	[sflag:s23] =	ssyncadd.s32 $0xFFFFFFFF  }
0xa5: {  	s26 =	simm.s32 $execute0_lowered;
	[smem:$0x3FD2] =	sst s25  }
0xa6: {  	s5 =	sshll.u32 s26, $0x1;
	_ =	strace $0x80000049;
	[dreg:$0x1] =	wrdreg $0xFFFFFFFF  }
0xa7: {  	s28 =	simm.s32 $_size_execute0_lowered;
	s3 =	sadd.s32 s3, s5;
	[dreg:$0x0] =	wrdreg $0x0  }
0xa8: {  	s5 =	sshll.u32 s28, $0x1;
	[dreg:$0x2] =	wrdreg s3  }
0xa9: {  	[dreg:$0x3] =	wrdreg s5  }
0xaa: {  	[dreg:$0x4] =	wrdreg $0xC0  }
0xab: {  	_ =	task [dreg:s7], $0x5FFFF  }
0xac: {  	[dreg:$0x1] =	wrdreg $0xFFFFFFFF  }
0xad: {  	[dreg:$0x0] =	wrdreg $0x60  }
0xae: {  	[dreg:$0x2] =	wrdreg s24  }
0xaf: {  	[dreg:$0x3] =	wrdreg s2  }
0xb0: {  	[dreg:$0x4] =	wrdreg $0xA2000  }
0xb1: {  	[dreg:$0x5] =	wrdreg $0x9  }
0xb2: {  	_ =	task.clear_ibuf [dreg:s7], $0x6FFFF;
	_ =	strace $0x90000049  }
0xb3: {  	s29 =	simm.s32 $0x9;
	_ =	strace $0x8000004B  }
0xb4: {  	_ =	swait.ge [sflag:s29], $0x1  }
0xb5: {  	[sflag:s29] =	ssyncadd.s32 $0xFFFFFFFF  }
0xb6: {  	_ =	strace $0x9000004B  }
0xb7: {  	_ =	sfence  }
0xb8: {  	s30 =	sld [smem:$0x0];
	_ =	sdelay $0x2  }
0xb9: {  	s31 =	sshll.u32 s1, $0xD;
	s1 =	sshrl.u32 s1, $0x2  }
0xba: {  	s3 =	sand.u32 $0x4000, s31;
	s1 =	sadd.s32 s1, s30  }
0xbb: {  	s0 =	sor.u32 s3, s0;
	s1 =	sshll.u32 s1, $0x11  }
0xbc: {  	s0 =	sor.u32 s1, s0  }
0xbd: {  	s0 =	sadd.s32 $0x8F2B, s0  }
0xbe: {  	[sflag:s0] =	ssyncadd.remote.s32 $0x1  }
0xbf: {  	_ =	sfence.sel $0xFFFF  }
0xc0: {  	[dreg:$0x0] =	wrdreg $0xFFFFFFFF;
	(pc) =	sbr.abs _section_cstart, $3  }
0xc1: {  	[dreg:$0x1] =	wrdreg $0xFFFFFFFF  }
0xc2: {  	_ =	task.clear_ibuf [dreg:s7], $0x2FFFF;
	_ =	strace $0x9FFFFFFF  }
0xc3: {  	(tm) =	ssettm $0x7FFFFFFF  }
tec
execute0_lowered:
.L_overlay_start_1:
0x0: {  	(tag) =	ssettag $0x1  }
0x1: {  	s0 =	rddreg [dreg:$0x0]  }
0x2: {  	s1 =	rddreg [dreg:$0x1]  }
0x3: {  	s2 =	rddreg [dreg:$0x2];
	s3 =	simm.s32 $0x0  }
0x4: {  	s4 =	srdreg.scid;
	s15 =	stileid.u32;
	s22 =	simm.s32 $0x5  }
0x5: {  	s25 =	simm.s32 $0x50;
	s28 =	simm.s32 $0x7;
	[smem:$0x7FF] =	sst s3  }
0x6: {  	s29 =	simm.s32 $0x0;
	s11 =	sadd.s32 $0x217400, s0;
	s5 =	sadd.s32 $0x53F600, s0  }
0x7: {  	s4 =	sand.u32 $0x1, s4;
	s8 =	sadd.s32 $0x265600, s0;
	s13 =	smul.u32 $0x4E000, s15  }
0x8: {  	s14 =	smul.u32 $0x13800, s15;
	s31 =	sadd.s32 $0x124800, s2;
	p0 =	seq.s32 s15, $0xF  }
0x9: {  	_ =	strace $0x8000004A;
	s6 =	sshll.u32 s4, $0x4;
	s9 =	ssub.s32 $0x2, s4  }
0xa: {  	s4 =	smul.u32 $0x138800, s4;
	[dreg:$0x7] =	wrdreg s31;
	s12 =	sor.u32 s15, s6  }
0xb: {  	s6 =	sadd.s32 $0x549600, s0;
	s0 =	sadd.s32 $0x1400, s0;
	s10 =	sshrl.u32 s9, $0x1  }
0xc: {  	s13 =	sshrl.u32 s13, $0x2;
	s7 =	smul.u32 $0x2800, s12;
	s20 =	ssub.s32 s9, s10  }
0xd: {  	s9 =	smul.u32 $0x16D0, s12;
	s14 =	sadd.s32 s14, s4;
	s13 =	sadd.s32 s13, s2  }
0xe: {  	s4 =	sshrl.u32 s4, $0x3;
	s12 =	smul.u32 $0x16D00, s12;
	[dreg:$0x5] =	wrdreg s13  }
0xf: {  	s30 =	sshrl.u32 s14, $0x3;
	s4 =	sadd.s32 $0x24900, s4;
	s20 =	smax.u32 s20, $0x1  }
0x10: {  	s17 =	sshrl.u32 s7, $0x3;
	s14 =	sadd.s32 s11, s30;
	s11 =	sadd.s32 s11, s4  }
0x11: {  	s18 =	sadd.s32 s0, s30;
	s10 =	sadd.s32 s5, s17;
	[dreg:$0x6] =	wrdreg s14  }
0x12: {  	s19 =	sadd.s32 s0, s4;
	[dreg:$0x8] =	wrdreg s11;
	s16 =	sadd.s32 $0x10, s10  }
0x13: {  	s17 =	sadd.s32 s6, s17;
	[dreg:$0x4] =	wrdreg s16;
	s16 =	sadd.s32 s8, s12  }
.LBB2_1:
0x14: {  	[tilespmem:s3], [sflag:$0x5] =	stream.linear.gather [hbm4b:s10+s3], $0x80, $0x38;
	[tilespmem:$0x1DA80] =	vst v63  }
0x15: {  	s0 =	rddreg [dreg:$0x4];
	s4 =	simm.s32 $0x80  }
0x16: {  	[tilespmem:s4], [sflag:$0x6] =	stream.linear.gather [hbm4b:s0+s3], $0x80, $0x38;
	[tilespmem:$0x1DA80] =	vst v63  }
0x17: {  	s0 =	rddreg [dreg:$0x7]  }
0x18: {  	s4 =	rddreg [dreg:$0x8];
	s30 =	sshrl.u32 @p0 s0, $0x3;
	s0 =	simm.s32 @p0 $0x1FC7  }
0x19: {  	[spmem:s30], [sflag:s0] =	dma.local @p0 [hbm:s4], $0x2800  }
0x1a: {  	s0 =	simm.s32 @p0 $0x7  }
0x1b: {  	_ =	swait.ge @p0 [sflag:s0], $0x2800  }
0x1c: {  	s4 =	stileid.u32;
	[sflag:s0] =	ssyncset.done @p0 $0x0  }
0x1d: {  	s4 =	sshll.u32 @!p0 s4, $0x6;
	[sflag:s0] =	ssyncadd.s32 @p0 $0xFFFFD800;
	s0 =	rddreg [dreg:$0x5]  }
0x1e: {  	s31 =	sor.u32 @!p0 $0x1C07, s4;
	s4 =	rddreg [dreg:$0x6];
	s0 =	sshrl.u32 @!p0 s0, $0x3  }
0x1f: {  	[spmem:s0], [sflag:s31] =	dma.local @!p0 [hbm:s4], $0x2700  }
0x20: {  	s4 =	simm.s32 @!p0 $0x7  }
0x21: {  	_ =	swait.ge @!p0 [sflag:s4], $0x2700  }
0x22: {  	[sflag:s4] =	ssyncset.done @!p0 $0x0  }
0x23: {  	[sflag:s4] =	ssyncadd.s32 @!p0 $0xFFFFD900  }
0x24: {  	[bflag:$0x0] =	sbarrier.arrive $0xFFFF  }
0x25: {  	_ =	swait.ge [sflag:s22], $0x80  }
0x26: {  	[sflag:s22] =	ssyncset.done $0x0  }
0x27: {  	s23 =	simm.s32 $0x5200;
	[sflag:s22] =	ssyncadd.s32 $0xFFFFFF80  }
0x28: {  	[tilespmem:s23], [sflag:$0x3] =	stream.linear.gather [hbm4b:s16+s3], $0x2800, $0x38;
	[tilespmem:$0x1DA80] =	vst v63  }
0x29: {  	s24 =	simm.s32 $0x100  }
0x2a: {  	[tilespmem:s24], [sflag:$0x3] =	stream.linear.gather [hbm4b:s17+s3], $0x80, $0x38;
	[tilespmem:$0x1DA80] =	vst v63  }
0x2b: {  	s26 =	simm.s32 $0x200;
	p1 =	por $0x0, $0x0;
	s21 =	simm.s32 $0x0  }
0x2c: {  	[tilespmem:s26], [sflag:$0x1] =	stream.indirect.gather [hbm4b:s1+s25], $0x80, s3, s25, $0xb8;
	[tilespmem:$0x1DA80] =	vst v63  }
.LBB2_2:
0x2d: {  	s11 =	smov.u32 s21  }
0x2e: {  	s4 =	sand.u32 $0x1, s21;
	s21 =	sadd.s32 $0x1, s21;
	p2 =	seq.s32 s11, $0x48  }
0x2f: {  	s12 =	sxor.u32 @!p2 $0x1, s4;
	s13 =	sshll.u32 @!p2 s21, $0x7;
	s26 =	smul.u32 @!p2 $0x50, s21  }
0x30: {  	s23 =	sadd.s32 @!p2 $0x5, s12;
	s24 =	sand.u32 @!p2 $0x7C00, s13;
	s13 =	sand.u32 @!p2 $0x380, s13  }
0x31: {  	s24 =	sadd.s32 @!p2 s7, s24;
	_ =	swait.ge @!p2 [sflag:s23], $0x80;
	s26 =	sadd.s32 @!p2 s9, s26  }
0x32: {  	s13 =	sor.u32 @!p2 s13, s24;
	[sflag:s23] =	ssyncset.done @!p2 $0x0;
	s24 =	smul.u32 @!p2 $0x2800, s12  }
0x33: {  	s15 =	simm.s32 @!p2 $0x0;
	s26 =	sshll.u32 @!p2 s26, $0x4;
	[sflag:s23] =	ssyncadd.s32 @!p2 $0xFFFFFF80  }
0x34: {  	s23 =	sadd.s32 @!p2 $0x3, s12;
	s26 =	sadd.s32 @!p2 s8, s26;
	s14 =	sadd.s32 @!p2 $0x5200, s24  }
0x35: {  	[tilespmem:s14], [sflag:s23] =	stream.linear.gather @!p2 [hbm4b:s26+s15], $0x2800, $0x38;
	[tilespmem:$0x1DA80] =	vst v63  }
0x36: {  	s13 =	sshrl.u32 @!p2 s13, $0x3;
	s14 =	sshll.u32 @!p2 s12, $0x7  }
0x37: {  	s13 =	sadd.s32 @!p2 s6, s13;
	s12 =	sadd.s32 @!p2 $0x1, s12;
	s26 =	sor.u32 @!p2 $0x100, s14  }
0x38: {  	[tilespmem:s26], [sflag:s23] =	stream.linear.gather @!p2 [hbm4b:s13+s15], $0x80, $0x38;
	[tilespmem:$0x1DA80] =	vst v63  }
0x39: {  	s13 =	sor.u32 @!p2 $0x200, s24;
	s15 =	simm.s32 @!p2 $0x50;
	s24 =	sadd.s32 $0x3, s4  }
0x3a: {  	[tilespmem:s13], [sflag:s12] =	stream.indirect.gather @!p2 [hbm4b:s1+s15], $0x80, s14, s15, $0xb8;
	[tilespmem:$0x1DA80] =	vst v63  }
0x3b: {  	s26 =	sadd.s32 $0x1, s4;
	s13 =	simm.s32 $0x1;
	_ =	swait.ge [sflag:s24], $0x2800  }
0x3c: {  	p2 =	sgt.u32 s11, $0x46;
	s13 =	simm.s32 @!p1 $0x0;
	[sflag:s24] =	ssyncset.done $0x0  }
0x3d: {  	s11 =	sshll.u32 @!p2 s11, $0x7;
	s15 =	simm.s32 @!p2 $0x0;
	[sflag:s24] =	ssyncadd.s32 $0xFFFFD800  }
0x3e: {  	s13 =	smul.u32 $0xA000, s13;
	s11 =	sadd.s32 @!p2 $0x100, s11;
	_ =	swait.ge [sflag:s24], $0x80  }
0x3f: {  	s14 =	sand.u32 @!p2 $0x7C00, s11;
	s11 =	sand.u32 @!p2 $0x380, s11;
	[sflag:s24] =	ssyncset.done $0x0  }
0x40: {  	s13 =	sshrl.u32 s13, $0x2;
	s14 =	sadd.s32 @!p2 s7, s14;
	[sflag:s24] =	ssyncadd.s32 $0xFFFFFF80  }
0x41: {  	s23 =	sor.u32 $0x300, s13;
	s14 =	sor.u32 @!p2 s11, s14;
	_ =	swait.ge [sflag:s26], $0x2800  }
0x42: {  	s11 =	sshll.u32 s4, $0x7;
	s12 =	sshrl.u32 @!p2 s14, $0x3;
	[sflag:s26] =	ssyncset.done $0x0  }
0x43: {  	s14 =	sadd.s32 @!p2 $0x5, s4;
	s12 =	sadd.s32 @!p2 s5, s12;
	[sflag:s26] =	ssyncadd.s32 $0xFFFFD800  }
0x44: {  	[tilespmem:s11], [sflag:s14] =	stream.linear.gather @!p2 [hbm4b:s12+s15], $0x80, $0x38;
	[tilespmem:$0x1DA80] =	vst v63  }
0x45: {  	s13 =	sadd.s32 $0x5300, s13;
	v0 =	vld [tilespmem:s23+$0x80]  }
0x46: {  	v1 =	vld [tilespmem:s13+$0x80]  }
0x47: {  	v2 =	vld [tilespmem:s13+$0xFFFFFF00]  }
0x48: {  	v3 =	vld [tilespmem:s23+$0xFFFFFF80]  }
0x49: {  	v4 =	vld [tilespmem:s13+$0xFFFFFF80]  }
0x4a: {  	v5 =	vld [tilespmem:s13+$0x0]  }
0x4b: {  	v0 =	vadd.f32 v1, v0;
	v1 =	vld [tilespmem:s23+$0x0]  }
0x4c: {  	v6 =	vld [tilespmem:s23+$0xFFFFFF00]  }
0x4d: {  	v0 =	vmax.f32 v0, $0.0e+00  }
0x4e: {  	v3 =	vadd.f32 v4, v3;
	[tilespmem:s23+$0x80] =	vst v0;
	v0 =	vld [tilespmem:s23+$0x90]  }
0x4f: {  	v7 =	vld [tilespmem:s13+$0x90]  }
0x50: {  	v8 =	vld [tilespmem:s23+$0xFFFFFF90];
	v3 =	vmax.f32 v3, $0.0e+00;
	v1 =	vadd.f32 v5, v1  }
0x51: {  	v4 =	vld [tilespmem:s23+$0xFFFFFF10];
	v2 =	vadd.f32 v2, v6;
	[tilespmem:s23+$0xFFFFFF80] =	vst v3  }
0x52: {  	v5 =	vld [tilespmem:s13+$0xFFFFFF90];
	v1 =	vmax.f32 v1, $0.0e+00  }
0x53: {  	v2 =	vmax.f32 v2, $0.0e+00;
	v3 =	vld [tilespmem:s23+$0x10];
	[tilespmem:s23+$0x0] =	vst v1  }
0x54: {  	[tilespmem:s23+$0xFFFFFF00] =	vst v2;
	v0 =	vadd.f32 v7, v0;
	v1 =	vld [tilespmem:s13+$0x10]  }
0x55: {  	v2 =	vld [tilespmem:s13+$0xFFFFFF10]  }
0x56: {  	v0 =	vmax.f32 v0, $0.0e+00  }
0x57: {  	v5 =	vadd.f32 v5, v8;
	[tilespmem:s23+$0x90] =	vst v0;
	v0 =	vld [tilespmem:s23+$0xA0]  }
0x58: {  	v7 =	vld [tilespmem:s13+$0xA0]  }
0x59: {  	v6 =	vld [tilespmem:s23+$0xFFFFFF20];
	v5 =	vmax.f32 v5, $0.0e+00;
	v1 =	vadd.f32 v1, v3  }
0x5a: {  	v2 =	vadd.f32 v2, v4;
	v8 =	vld [tilespmem:s23+$0xFFFFFFA0];
	[tilespmem:s23+$0xFFFFFF90] =	vst v5  }
0x5b: {  	v4 =	vld [tilespmem:s13+$0xFFFFFFA0];
	v1 =	vmax.f32 v1, $0.0e+00  }
0x5c: {  	v2 =	vmax.f32 v2, $0.0e+00;
	v3 =	vld [tilespmem:s23+$0x20];
	[tilespmem:s23+$0x10] =	vst v1  }
0x5d: {  	[tilespmem:s23+$0xFFFFFF10] =	vst v2;
	v0 =	vadd.f32 v7, v0;
	v1 =	vld [tilespmem:s13+$0x20]  }
0x5e: {  	v2 =	vld [tilespmem:s13+$0xFFFFFF20]  }
0x5f: {  	v0 =	vmax.f32 v0, $0.0e+00  }
0x60: {  	v4 =	vadd.f32 v4, v8;
	[tilespmem:s23+$0xA0] =	vst v0;
	v0 =	vld [tilespmem:s23+$0xB0]  }
0x61: {  	v7 =	vld [tilespmem:s13+$0xB0]  }
0x62: {  	v9 =	vld [tilespmem:s23+$0x30];
	v4 =	vmax.f32 v4, $0.0e+00;
	v1 =	vadd.f32 v1, v3  }
0x63: {  	v2 =	vadd.f32 v2, v6;
	v8 =	vld [tilespmem:s23+$0xFFFFFFB0];
	[tilespmem:s23+$0xFFFFFFA0] =	vst v4  }
0x64: {  	v3 =	vld [tilespmem:s13+$0xFFFFFFB0];
	v1 =	vmax.f32 v1, $0.0e+00  }
0x65: {  	v5 =	vld [tilespmem:s23+$0xFFFFFF30];
	[tilespmem:s23+$0x20] =	vst v1;
	v1 =	vmax.f32 v2, $0.0e+00  }
0x66: {  	v0 =	vadd.f32 v7, v0;
	[tilespmem:s23+$0xFFFFFF20] =	vst v1;
	v1 =	vld [tilespmem:s13+$0x30]  }
0x67: {  	v6 =	vld [tilespmem:s13+$0xFFFFFF30]  }
0x68: {  	v10 =	vld [tilespmem:s23+$0xFFFFFF40];
	v0 =	vmax.f32 v0, $0.0e+00  }
0x69: {  	v3 =	vadd.f32 v3, v8;
	[tilespmem:s23+$0xB0] =	vst v0;
	v0 =	vld [tilespmem:s23+$0xC0]  }
0x6a: {  	v7 =	vld [tilespmem:s13+$0xC0]  }
0x6b: {  	v11 =	vld [tilespmem:s23+$0xFFFFFFD0];
	v3 =	vmax.f32 v3, $0.0e+00;
	v1 =	vadd.f32 v1, v9  }
0x6c: {  	v4 =	vld [tilespmem:s23+$0xFFFFFFC0];
	[tilespmem:s23+$0xFFFFFFB0] =	vst v3;
	v5 =	vadd.f32 v6, v5  }
0x6d: {  	v6 =	vld [tilespmem:s13+$0xFFFFFFC0];
	v1 =	vmax.f32 v1, $0.0e+00  }
0x6e: {  	v2 =	vld [tilespmem:s23+$0x40];
	[tilespmem:s23+$0x30] =	vst v1;
	v1 =	vmax.f32 v5, $0.0e+00  }
0x6f: {  	v0 =	vadd.f32 v7, v0;
	v5 =	vld [tilespmem:s13+$0x40];
	[tilespmem:s23+$0xFFFFFF30] =	vst v1  }
0x70: {  	v1 =	vld [tilespmem:s13+$0xFFFFFF40]  }
0x71: {  	v8 =	vld [tilespmem:s23+$0xFFFFFF50];
	v0 =	vmax.f32 v0, $0.0e+00  }
0x72: {  	[tilespmem:s23+$0xC0] =	vst v0;
	v0 =	vadd.f32 v6, v4;
	v6 =	vld [tilespmem:s23+$0xD0]  }
0x73: {  	v7 =	vld [tilespmem:s13+$0xD0]  }
0x74: {  	v3 =	vld [tilespmem:s23+$0xFFFFFF60];
	v0 =	vmax.f32 v0, $0.0e+00;
	v2 =	vadd.f32 v5, v2  }
0x75: {  	v9 =	vld [tilespmem:s23+$0x50];
	[tilespmem:s23+$0xFFFFFFC0] =	vst v0;
	v0 =	vadd.f32 v1, v10  }
0x76: {  	v1 =	vld [tilespmem:s13+$0xFFFFFFD0];
	v2 =	vmax.f32 v2, $0.0e+00  }
0x77: {  	v4 =	vld [tilespmem:s23+$0xFFFFFFE0];
	[tilespmem:s23+$0x40] =	vst v2;
	v0 =	vmax.f32 v0, $0.0e+00  }
0x78: {  	v2 =	vld [tilespmem:s13+$0x50];
	v6 =	vadd.f32 v7, v6;
	[tilespmem:s23+$0xFFFFFF40] =	vst v0  }
0x79: {  	v0 =	vld [tilespmem:s13+$0xFFFFFF50]  }
0x7a: {  	v5 =	vld [tilespmem:s23+$0x60];
	v6 =	vmax.f32 v6, $0.0e+00  }
0x7b: {  	v1 =	vadd.f32 v1, v11;
	[tilespmem:s23+$0xD0] =	vst v6;
	v6 =	vld [tilespmem:s23+$0xE0]  }
0x7c: {  	v10 =	vld [tilespmem:s13+$0xE0]  }
0x7d: {  	v1 =	vmax.f32 v1, $0.0e+00;
	v7 =	vadd.f32 v2, v9;
	v2 =	vld [tilespmem:s23+$0xFFFFFF70]  }
0x7e: {  	[tilespmem:s23+$0xFFFFFFD0] =	vst v1;
	v0 =	vadd.f32 v0, v8;
	v1 =	vld [tilespmem:s23+$0xFFFFFFF0]  }
0x7f: {  	v8 =	vmax.f32 v7, $0.0e+00;
	v7 =	vld [tilespmem:s13+$0xFFFFFFE0]  }
0x80: {  	s4 =	smul.u32 $0x2800, s4;
	[tilespmem:s23+$0x50] =	vst v8;
	v8 =	vmax.f32 v0, $0.0e+00;
	v0 =	vld [tilespmem:s23+$0x70]  }
0x81: {  	[tilespmem:s23+$0xFFFFFF50] =	vst v8;
	v8 =	vld [tilespmem:s13+$0x60];
	v6 =	vadd.f32 v10, v6  }
0x82: {  	s24 =	smov.u32 s13;
	s4 =	sor.u32 $0x200, s4;
	v9 =	vld [tilespmem:s13+$0xFFFFFF60]  }
0x83: {  	s26 =	sor.u32 $0x100, s11;
	s11 =	simm.s32 $0x0;
	s12 =	sadd.s32 $0x200, s23;
	v10 =	vmax.f32 v6, $0.0e+00;
	v6 =	vld [tilespmem:s23+$0xF0]  }
.LBB2_3:
0x84: {  	v11 =	vld [tilespmem:s12+$0x80];
	v4 =	vadd.f32 v7, v4;
	[tilespmem:s23+$0xE0] =	vst v10  }
0x85: {  	s24 =	sadd.s32 $0x200, s24;
	v7 =	vld [tilespmem:s13+$0xF0]  }
0x86: {  	s11 =	sadd.s32 $0x4, s11;
	v10 =	vld [tilespmem:s24+$0x80];
	v4 =	vmax.f32 v4, $0.0e+00;
	v5 =	vadd.f32 v8, v5  }
0x87: {  	p2 =	slt.u32 s11, $0x4C;
	v8 =	vld [tilespmem:s24+$0xFFFFFF00];
	v3 =	vadd.f32 v9, v3;
	[tilespmem:s23+$0xFFFFFFE0] =	vst v4  }
0x88: {  	v4 =	vld [tilespmem:s12+$0xFFFFFF80];
	v5 =	vmax.f32 v5, $0.0e+00  }
0x89: {  	v9 =	vld [tilespmem:s24+$0xFFFFFF80];
	v3 =	vmax.f32 v3, $0.0e+00;
	[tilespmem:s23+$0x60] =	vst v5  }
0x8a: {  	v5 =	vld [tilespmem:s12+$0x0];
	[tilespmem:s23+$0xFFFFFF60] =	vst v3;
	v3 =	vadd.f32 v7, v6  }
0x8b: {  	v6 =	vld [tilespmem:s24+$0x0];
	v7 =	vadd.f32 v10, v11  }
0x8c: {  	v10 =	vld [tilespmem:s12+$0xFFFFFF00];
	v3 =	vmax.f32 v3, $0.0e+00  }
0x8d: {  	v11 =	vld [tilespmem:s12+$0xFFFFFF10];
	v7 =	vmax.f32 v7, $0.0e+00;
	[tilespmem:s23+$0xF0] =	vst v3  }
0x8e: {  	v3 =	vadd.f32 v9, v4;
	[tilespmem:s12+$0x80] =	vst v7;
	v4 =	vld [tilespmem:s12+$0x90]  }
0x8f: {  	v7 =	vld [tilespmem:s24+$0x90]  }
0x90: {  	v3 =	vmax.f32 v3, $0.0e+00;
	v9 =	vld [tilespmem:s12+$0xFFFFFF90];
	v5 =	vadd.f32 v6, v5  }
0x91: {  	v6 =	vadd.f32 v8, v10;
	[tilespmem:s12+$0xFFFFFF80] =	vst v3;
	v3 =	vld [tilespmem:s12+$0x10]  }
0x92: {  	v8 =	vld [tilespmem:s24+$0xFFFFFF90];
	v5 =	vmax.f32 v5, $0.0e+00  }
0x93: {  	v6 =	vmax.f32 v6, $0.0e+00;
	v10 =	vld [tilespmem:s12+$0xFFFFFF20];
	[tilespmem:s12+$0x0] =	vst v5  }
0x94: {  	[tilespmem:s12+$0xFFFFFF00] =	vst v6;
	v5 =	vld [tilespmem:s24+$0x10];
	v4 =	vadd.f32 v7, v4  }
0x95: {  	v6 =	vld [tilespmem:s24+$0xFFFFFF10]  }
0x96: {  	v7 =	vld [tilespmem:s12+$0xFFFFFFA0];
	v4 =	vmax.f32 v4, $0.0e+00  }
0x97: {  	v8 =	vadd.f32 v8, v9;
	[tilespmem:s12+$0x90] =	vst v4;
	v4 =	vld [tilespmem:s12+$0xA0]  }
0x98: {  	v9 =	vld [tilespmem:s24+$0xA0]  }
0x99: {  	v8 =	vmax.f32 v8, $0.0e+00;
	v3 =	vadd.f32 v5, v3;
	v5 =	vld [tilespmem:s12+$0x20]  }
0x9a: {  	v6 =	vadd.f32 v6, v11;
	v11 =	vld [tilespmem:s12+$0xFFFFFF30];
	[tilespmem:s12+$0xFFFFFF90] =	vst v8  }
0x9b: {  	v8 =	vld [tilespmem:s24+$0xFFFFFFA0];
	v3 =	vmax.f32 v3, $0.0e+00  }
0x9c: {  	v6 =	vmax.f32 v6, $0.0e+00;
	v12 =	vld [tilespmem:s12+$0xFFFFFFB0];
	[tilespmem:s12+$0x10] =	vst v3  }
0x9d: {  	[tilespmem:s12+$0xFFFFFF10] =	vst v6;
	v3 =	vld [tilespmem:s24+$0x20];
	v4 =	vadd.f32 v9, v4  }
0x9e: {  	v6 =	vld [tilespmem:s24+$0xFFFFFF20]  }
0x9f: {  	v9 =	vld [tilespmem:s12+$0x30];
	v4 =	vmax.f32 v4, $0.0e+00  }
0xa0: {  	v7 =	vadd.f32 v8, v7;
	[tilespmem:s12+$0xA0] =	vst v4;
	v4 =	vld [tilespmem:s12+$0xB0]  }
0xa1: {  	v8 =	vld [tilespmem:s24+$0xB0]  }
0xa2: {  	v13 =	vld [tilespmem:s12+$0xFFFFFF40];
	v7 =	vmax.f32 v7, $0.0e+00;
	v3 =	vadd.f32 v3, v5  }
0xa3: {  	v5 =	vadd.f32 v6, v10;
	[tilespmem:s12+$0xFFFFFFA0] =	vst v7;
	v6 =	vld [tilespmem:s12+$0xFFFFFFC0]  }
0xa4: {  	v7 =	vld [tilespmem:s24+$0xFFFFFFB0];
	v3 =	vmax.f32 v3, $0.0e+00  }
0xa5: {  	v5 =	vmax.f32 v5, $0.0e+00;
	[tilespmem:s12+$0x20] =	vst v3;
	v10 =	vld [tilespmem:s12+$0x40]  }
0xa6: {  	[tilespmem:s12+$0xFFFFFF20] =	vst v5;
	v3 =	vld [tilespmem:s24+$0x30];
	v4 =	vadd.f32 v8, v4  }
0xa7: {  	v5 =	vld [tilespmem:s24+$0xFFFFFF30]  }
0xa8: {  	v8 =	vld [tilespmem:s12+$0xFFFFFF50];
	v4 =	vmax.f32 v4, $0.0e+00  }
0xa9: {  	v7 =	vadd.f32 v7, v12;
	[tilespmem:s12+$0xB0] =	vst v4;
	v4 =	vld [tilespmem:s12+$0xC0]  }
0xaa: {  	v12 =	vld [tilespmem:s24+$0xC0]  }
0xab: {  	v7 =	vmax.f32 v7, $0.0e+00;
	v14 =	vld [tilespmem:s12+$0xFFFFFFD0];
	v3 =	vadd.f32 v3, v9  }
0xac: {  	v5 =	vadd.f32 v5, v11;
	[tilespmem:s12+$0xFFFFFFB0] =	vst v7;
	v7 =	vld [tilespmem:s12+$0x50]  }
0xad: {  	v9 =	vld [tilespmem:s24+$0xFFFFFFC0];
	v11 =	vmax.f32 v3, $0.0e+00  }
0xae: {  	v5 =	vmax.f32 v5, $0.0e+00;
	v3 =	vld [tilespmem:s12+$0xFFFFFF60];
	[tilespmem:s12+$0x30] =	vst v11  }
0xaf: {  	[tilespmem:s12+$0xFFFFFF30] =	vst v5;
	v5 =	vld [tilespmem:s24+$0x40];
	v11 =	vadd.f32 v12, v4  }
0xb0: {  	v12 =	vld [tilespmem:s24+$0xFFFFFF40]  }
0xb1: {  	v4 =	vld [tilespmem:s12+$0xFFFFFFE0];
	v11 =	vmax.f32 v11, $0.0e+00  }
0xb2: {  	v6 =	vadd.f32 v9, v6;
	[tilespmem:s12+$0xC0] =	vst v11;
	v9 =	vld [tilespmem:s12+$0xD0]  }
0xb3: {  	v11 =	vld [tilespmem:s24+$0xD0]  }
0xb4: {  	v6 =	vmax.f32 v6, $0.0e+00;
	v10 =	vadd.f32 v5, v10;
	v5 =	vld [tilespmem:s12+$0x60]  }
0xb5: {  	v12 =	vadd.f32 v12, v13;
	[tilespmem:s12+$0xFFFFFFC0] =	vst v6;
	v6 =	vld [tilespmem:s13+$0xFFFFFF70]  }
0xb6: {  	v13 =	vld [tilespmem:s24+$0xFFFFFFD0];
	v10 =	vmax.f32 v10, $0.0e+00  }
0xb7: {  	v12 =	vmax.f32 v12, $0.0e+00;
	[tilespmem:s12+$0x40] =	vst v10;
	v10 =	vld [tilespmem:s13+$0xFFFFFFF0]  }
0xb8: {  	[tilespmem:s12+$0xFFFFFF40] =	vst v12;
	v12 =	vld [tilespmem:s24+$0x50];
	v9 =	vadd.f32 v11, v9  }
0xb9: {  	v11 =	vld [tilespmem:s24+$0xFFFFFF50]  }
0xba: {  	v9 =	vmax.f32 v9, $0.0e+00;
	v2 =	vadd.f32 v6, v2;
	v6 =	vld [tilespmem:s13+$0x70];
	s13 =	smov.u32 s24  }
0xbb: {  	v13 =	vadd.f32 v13, v14;
	[tilespmem:s12+$0xD0] =	vst v9;
	v9 =	vld [tilespmem:s12+$0xE0]  }
0xbc: {  	v14 =	vld [tilespmem:s24+$0xE0];
	v15 =	vmax.f32 v2, $0.0e+00;
	v10 =	vadd.f32 v10, v1  }
0xbd: {  	v2 =	vld [tilespmem:s12+$0xFFFFFF70];
	v1 =	vmax.f32 v13, $0.0e+00;
	v12 =	vadd.f32 v12, v7;
	[tilespmem:s23+$0xFFFFFF70] =	vst v15  }
0xbe: {  	v8 =	vadd.f32 v11, v8;
	[tilespmem:s12+$0xFFFFFFD0] =	vst v1;
	v1 =	vld [tilespmem:s12+$0xFFFFFFF0];
	v10 =	vmax.f32 v10, $0.0e+00  }
.Ltmp0:
0xbf: {  	v7 =	vld [tilespmem:s24+$0xFFFFFFE0];
	v11 =	vmax.f32 v12, $0.0e+00;
	[tilespmem:s23+$0xFFFFFFF0] =	vst v10;
	v6 =	vadd.f32 v6, v0;
	(pc) =	sbr.rel @p2 .LBB2_3-.Ltmp0, $4  }
0xc0: {  	v8 =	vmax.f32 v8, $0.0e+00;
	[tilespmem:s12+$0x50] =	vst v11;
	v0 =	vld [tilespmem:s12+$0x70]  }
0xc1: {  	[tilespmem:s12+$0xFFFFFF50] =	vst v8;
	v8 =	vld [tilespmem:s24+$0x60];
	v10 =	vadd.f32 v14, v9;
	v6 =	vmax.f32 v6, $0.0e+00  }
0xc2: {  	v9 =	vld [tilespmem:s24+$0xFFFFFF60];
	[tilespmem:s23+$0x70] =	vst v6;
	s23 =	smov.u32 s12  }
0xc3: {  	s12 =	sadd.s32 $0x200, s12;
	v10 =	vmax.f32 v10, $0.0e+00;
	v6 =	vld [tilespmem:s23+$0xF0]  }
0xc4: {  	_ = 	snop  }
0xc5: {  	v4 =	vadd.f32 v7, v4  }
0xc6: {  	v5 =	vadd.f32 v8, v5  }
0xc7: {  	[tilespmem:s23+$0xE0] =	vst v10;
	v4 =	vmax.f32 v4, $0.0e+00;
	v3 =	vadd.f32 v9, v3  }
0xc8: {  	v58 =	vld [tilespmem:s13+$0xF0];
	[tilespmem:s23+$0xFFFFFFE0] =	vst v4;
	v59 =	vmax.f32 v5, $0.0e+00  }
0xc9: {  	v61 =	vld [tilespmem:s13+$0xFFFFFFF0];
	v3 =	vmax.f32 v3, $0.0e+00;
	[tilespmem:s23+$0x60] =	vst v59  }
0xca: {  	[tilespmem:s23+$0xFFFFFF60] =	vst v3;
	v62 =	vld [tilespmem:s13+$0x70]  }
0xcb: {  	v60 =	vld [tilespmem:s13+$0xFFFFFF70];
	_ =	sdelay $0x1  }
0xcc: {  	v6 =	vadd.f32 v58, v6  }
0xcd: {  	v1 =	vadd.f32 v61, v1  }
0xce: {  	v63 =	vmax.f32 v6, $0.0e+00;
	v0 =	vadd.f32 v62, v0  }
0xcf: {  	[tilespmem:s23+$0xF0] =	vst v63;
	v1 =	vmax.f32 v1, $0.0e+00;
	v2 =	vadd.f32 v60, v2  }
0xd0: {  	[tilespmem:s23+$0xFFFFFFF0] =	vst v1;
	v0 =	vmax.f32 v0, $0.0e+00  }
0xd1: {  	p2 =	sne.s32 s21, $0x49;
	v2 =	vmax.f32 v2, $0.0e+00;
	[tilespmem:s23+$0x70] =	vst v0  }
.Ltmp1:
0xd2: {  	[tilespmem:s23+$0xFFFFFF70] =	vst v2;
	(pc) =	sbr.rel @p2 .LBB2_2-.Ltmp1, $4  }
0xd3: {  	[spmem:s2] =	stream.indirect.scatter.add.f32 [tilespmem:s4], [sflag:$0x7], $0x80, s26, s25, $0xb8;
	[tilespmem:$0x1DA80] =	vst v63  }
0xd4: {  	_ =	swait.ge [sflag:s28], $0x2800  }
0xd5: {  	[sflag:s28] =	ssyncset.done $0x0  }
0xd6: {  	p1 =	por !p1, !p1;
	[sflag:s28] =	ssyncadd.s32 $0xFFFFD800  }
0xd7: {  	[bflag:$0x0] =	sbarrier.arrive $0xFFFF;
	s4 =	simm.s32 @p0 $0x1FC7  }
0xd8: {  	[hbm:s19], [sflag:s4] =	dma.local @p0 [spmem:s30], $0x2800  }
0xd9: {  	s4 =	simm.s32 @p0 $0x7  }
0xda: {  	_ =	swait.ge @p0 [sflag:s4], $0x2800  }
0xdb: {  	s29 =	sadd.s32 $0x1, s29;
	[sflag:s4] =	ssyncset.done @p0 $0x0  }
0xdc: {  	p1 =	sne.s32 s29, s20;
	[sflag:s4] =	ssyncadd.s32 @p0 $0xFFFFD800  }
0xdd: {  	[hbm:s18], [sflag:s31] =	dma.local @!p0 [spmem:s0], $0x2700  }
.Ltmp2:
0xde: {  	_ = 	snop;
	(pc) =	sbr.rel @p1 .LBB2_1-.Ltmp2, $4  }
0xdf: {  	s0 =	simm.s32 @!p0 $0x7  }
0xe0: {  	_ =	swait.ge @!p0 [sflag:s0], $0x2700  }
0xe1: {  	[sflag:s0] =	ssyncset.done @!p0 $0x0  }
0xe2: {  	[sflag:s0] =	ssyncadd.s32 @!p0 $0xFFFFD900  }
0xe3: {  	_ =	sfence.sel $0x180000  }
0xe4: {  	[bflag:$0x0] =	sbarrier.arrive $0xFFFF  }
0xe5: {  	_ =	strace $0x9000004A  }
0xe6: {  	s0 =	stileid.u32;
	[bflag:$0x2] =	sbarrier.arrive $0xFFFF  }
0xe7: {  	p0 =	sne.s32 s0, $0x0;
	s0 =	rddreg [dreg:$0x3]  }
0xe8: {  	s0 =	sadd.s32 @!p0 $0x100000, s0  }
0xe9: {  	[sflag:s0] =	ssyncadd.tile.s32 @!p0 $0x1;
	_ =	shalt  }
.Lfunc_end2:
_tile_overlayer_lowered:
.L_overlay_start_2:
0xea: {  	(tag) =	ssettag $0x2  }
0xeb: {  	s0 =	rddreg [dreg:$0x0];
	s2 =	stileid.u32  }
0xec: {  	s1 =	rddreg [dreg:$0x1];
	p0 =	sne.s32 s2, $0x0  }
0xed: {  	s3 =	rddreg [dreg:$0x2];
	[bflag:$0x3] =	sbarrier.arrive $0xFFFF;
	s2 =	simm.s32 @!p0 $0x1C07  }
0xee: {  	[timem:s3], [sflag:s2] =	dma.local @!p0 [hbm:s0], s1  }
0xef: {  	s0 =	simm.s32 @!p0 $0x7  }
0xf0: {  	_ =	swait.ge @!p0 [sflag:s0], s1  }
0xf1: {  	s1 =	ssub.s32 @!p0 $0x0, s1;
	[sflag:s0] =	ssyncset.done @!p0 $0x0  }
0xf2: {  	[sflag:s0] =	ssyncadd.s32 @!p0 s1  }
0xf3: {  	[bflag:$0x3] =	sbarrier.arrive $0xFFFF  }
0xf4: {  	_ =	shalt  }

// kernel: kernel.7.cloned.1.call-start
scs
__scs_entry_jumppad:
0x0: {  	(pc) =	sbr.rel $0x88, $3  }
0x1: {  	(tag) =	ssettag $0x0;
	lr =	simm.s32 $0x1  }
0x2: {  	[smem:$0x3F95] =	sst lr;
	_ =	strace $0xD0000000  }
0x3: {  	_ = 	snop  }
0x4: {  	_ = 	snop  }
0x5: {  	_ = 	snop  }
0x6: {  	_ = 	snop  }
0x7: {  	_ = 	snop  }
__scs_overlays_trampoline_lowered:
0x8: {  	[smem:$0x3FA4] =	sst s0  }
0x9: {  	[smem:$0x3FA5] =	sst s1  }
0xa: {  	[smem:$0x3FA6] =	sst s2  }
0xb: {  	[smem:$0x3FA7] =	sst s3  }
0xc: {  	[smem:$0x3FA8] =	sst s4  }
0xd: {  	[smem:$0x3FA9] =	sst s5  }
0xe: {  	[smem:$0x3FAA] =	sst s6  }
0xf: {  	[smem:$0x3FAB] =	sst s7  }
0x10: {  	[smem:$0x3FAC] =	sst s8  }
0x11: {  	[smem:$0x3FAD] =	sst s9;
	s0 =	simm.s32 @!p0 $0x0  }
0x12: {  	s1 =	sld [smem:$0x3F93];
	s0 =	simm.s32 @p0 $0x1  }
0x13: {  	[smem:$0x3FAE] =	sst s0;
	s0 =	simm.s32 @!p1 $0x0  }
0x14: {  	s2 =	sld [smem:$0x3F92];
	s0 =	simm.s32 @p1 $0x1  }
0x15: {  	[smem:$0x3FAF] =	sst s0;
	s0 =	simm.s32 @!p2 $0x0  }
0x16: {  	s3 =	sld [smem:$0x3FDB];
	s0 =	simm.s32 @p2 $0x1  }
0x17: {  	s4 =	simm.s32 $0x1BF5;
	[smem:$0x3FB1] =	sst s0  }
0x18: {  	s0 =	sld [smem:$0x3F94];
	_ =	swait.ge [sflag:s4], $0x0  }
0x19: {  	s7 =	sld [smem:$0x3F95]  }
0x1a: {  	s8 =	sadd.s32 $0xFFFFE003, lr  }
0x1b: {  	s9 =	sadd.s32 $0xFFFFFEF7, lr;
	s5 =	simm.s32 $0xFFFFFFFF;
	p2 =	slt.u32 s8, $0xFFFFF086  }
0x1c: {  	p1 =	slt.u32 s9, $0xF7A;
	s5 =	simm.s32 @!p2 $0x0  }
0x1d: {  	s5 =	simm.s32 @p1 $0x1;
	p0 =	seq.s32 s7, s2  }
0x1e: {  	s7 =	smul.u32 @!p0 $0xF7A, s2;
	p2 =	seq.s32 @!p0 s5, $0x0  }
0x1f: {  	s9 =	smul.u32 $0xF7A, s1;
	s8 =	simm.s32 @!p0 $0x1BF5;
	p2 =	por !p2, p0  }
0x20: {  	[sflag:s8] =	ssyncset.s32 @!p0 $0xFFFFF086;
	s6 =	sadd.s32 @!p0 s3, s7;
	s7 =	simm.s32 @!p0 $0x108  }
0x21: {  	s3 =	sadd.s32 s3, s9;
	s6 =	sadd.s32 @!p0 $0x88, s6;
	s7 =	simm.s32 @p2 $0x1082  }
0x22: {  	[simem:s7], [sflag:s8] =	dma.local @!p0 [hbm:s6], $0xF7A  }
0x23: {  	s9 =	sor.u32 $0xD0000000, s2;
	s6 =	simm.s32 $0x108;
	_ =	swait.ge @!p0 [sflag:s8], $0x0  }
0x24: {  	s3 =	sadd.s32 $0x88, s3;
	s6 =	simm.s32 @!p1 $0x1082;
	[sflag:s4] =	ssyncset.s32 $0xFFFFF086  }
0x25: {  	[simem:s6], [sflag:s4] =	dma.local [hbm:s3], $0xF7A  }
0x26: {  	[smem:$0x3F95] =	sst s1;
	(tag) =	ssettag s2;
	_ =	strace s9  }
0x27: {  	s1 =	sld [smem:$0x3FA5]  }
0x28: {  	s2 =	sld [smem:$0x3FA6]  }
0x29: {  	s4 =	sld [smem:$0x3FA8]  }
0x2a: {  	p0 =	seq.s32 s5, $0x0;
	s5 =	sld [smem:$0x3FA9]  }
0x2b: {  	s6 =	sld [smem:$0x3FAA]  }
0x2c: {  	s7 =	sld [smem:$0x3FAB]  }
0x2d: {  	s3 =	simm.s32 $0x108;
	s8 =	sld [smem:$0x3FAC]  }
0x2e: {  	s3 =	simm.s32 @!p0 $0x1082;
	s9 =	sld [smem:$0x3FAD]  }
0x2f: {  	lr =	sadd.s32 s0, s3;
	s0 =	sld [smem:$0x3FA4]  }
0x30: {  	s3 =	sld [smem:$0x3FA7]  }
0x31: {  	[smem:$0x3FB0] =	sst s10  }
0x32: {  	s10 =	sld [smem:$0x3FAE];
	_ =	sdelay $0x3  }
0x33: {  	p0 =	seq.s32 s10, $0x1;
	s10 =	sld [smem:$0x3FB0];
	_ =	sdelay $0x3  }
0x34: {  	[smem:$0x3FB0] =	sst s10  }
0x35: {  	s10 =	sld [smem:$0x3FAF];
	_ =	sdelay $0x3  }
0x36: {  	p1 =	seq.s32 s10, $0x1;
	s10 =	sld [smem:$0x3FB0];
	_ =	sdelay $0x3  }
0x37: {  	[smem:$0x3FB0] =	sst s10  }
0x38: {  	s10 =	sld [smem:$0x3FB1]  }
0x39: {  	_ = 	snop;
	(pc) =	sbr.ind lr, $3  }
0x3a: {  	_ = 	snop  }
0x3b: {  	_ = 	snop  }
0x3c: {  	p2 =	seq.s32 s10, $0x1;
	s10 =	sld [smem:$0x3FB0]  }
0x3d: {  	_ =	shalt  }
0x3e: {  	_ =	shalt  }
0x3f: {  	_ =	shalt  }
0x40: {  	_ =	shalt  }
0x41: {  	_ =	shalt  }
0x42: {  	_ =	shalt  }
0x43: {  	_ =	shalt  }
0x44: {  	_ =	shalt  }
0x45: {  	_ =	shalt  }
0x46: {  	_ =	shalt  }
0x47: {  	_ =	shalt  }
0x48: {  	_ =	shalt  }
0x49: {  	_ =	shalt  }
0x4a: {  	_ =	shalt  }
0x4b: {  	_ =	shalt  }
0x4c: {  	_ =	shalt  }
0x4d: {  	_ =	shalt  }
0x4e: {  	_ =	shalt  }
0x4f: {  	_ =	shalt  }
0x50: {  	_ =	shalt  }
0x51: {  	_ =	shalt  }
0x52: {  	_ =	shalt  }
0x53: {  	_ =	shalt  }
0x54: {  	_ =	shalt  }
0x55: {  	_ =	shalt  }
0x56: {  	_ =	shalt  }
0x57: {  	_ =	shalt  }
0x58: {  	_ =	shalt  }
0x59: {  	_ =	shalt  }
0x5a: {  	_ =	shalt  }
0x5b: {  	_ =	shalt  }
0x5c: {  	_ =	shalt  }
0x5d: {  	_ =	shalt  }
0x5e: {  	_ =	shalt  }
0x5f: {  	_ =	shalt  }
0x60: {  	_ =	shalt  }
0x61: {  	_ =	shalt  }
0x62: {  	_ =	shalt  }
0x63: {  	_ =	shalt  }
0x64: {  	_ =	shalt  }
0x65: {  	_ =	shalt  }
0x66: {  	_ =	shalt  }
0x67: {  	_ =	shalt  }
0x68: {  	_ =	shalt  }
0x69: {  	_ =	shalt  }
0x6a: {  	_ =	shalt  }
0x6b: {  	_ =	shalt  }
0x6c: {  	_ =	shalt  }
0x6d: {  	_ =	shalt  }
0x6e: {  	_ =	shalt  }
0x6f: {  	_ =	shalt  }
0x70: {  	_ =	shalt  }
0x71: {  	_ =	shalt  }
0x72: {  	_ =	shalt  }
0x73: {  	_ =	shalt  }
0x74: {  	_ =	shalt  }
0x75: {  	_ =	shalt  }
0x76: {  	_ =	shalt  }
0x77: {  	_ =	shalt  }
0x78: {  	_ =	shalt  }
0x79: {  	_ =	shalt  }
0x7a: {  	_ =	shalt  }
0x7b: {  	_ =	shalt  }
0x7c: {  	_ =	shalt  }
0x7d: {  	_ =	shalt  }
0x7e: {  	_ =	shalt  }
0x7f: {  	_ =	shalt  }
0x80: {  	_ =	shalt  }
0x81: {  	_ =	shalt  }
0x82: {  	_ =	shalt  }
0x83: {  	_ =	shalt  }
0x84: {  	_ =	shalt  }
0x85: {  	_ =	shalt  }
0x86: {  	_ =	shalt  }
0x87: {  	_ =	shalt  }
.Lfunc_end0:
.L_simem_size_0:
called_computation_lowered:
.L_overlay_start_0:
0x88: {  	s2 =	sld [smem:$0x3FD9]  }
0x89: {  	s3 =	sld [smem:$0x3FFE];
	_ =	sdelay $0x1  }
0x8a: {  	s1 =	srdreg.scid  }
0x8b: {  	s0 =	sand.u32 $0x1, s1  }
0x8c: {  	s17 =	sshll.u32 s0, $0xA;
	s2 =	sadd.s32 s3, s2  }
0x8d: {  	s2 =	sadd.s32 s2, s17  }
0x8e: {  	[smem:$0x3FBC] =	sst s2  }
0x8f: {  	_ = 	snop  }
0x90: {  	s2 =	sld [smem:$0x3FC9]  }
0x91: {  	s18 =	sld [smem:$0x3FD0];
	(tm) =	ssettm $0x1  }
0x92: {  	s4 =	sld [smem:$0x3FFB];
	_ =	sdelay $0x3  }
0x93: {  	_ =	strace s4  }
0x94: {  	s4 =	sld [smem:$0x3FFC];
	_ =	sdelay $0x3  }
0x95: {  	_ =	strace s4  }
0x96: {  	s4 =	sld [smem:$0x3FFD];
	_ =	sdelay $0x3  }
0x97: {  	_ =	strace s4  }
0x98: {  	_ =	strace $0x8FFFFFFF  }
0x99: {  	s19 =	sld [smem:$0x3FDB];
	_ =	sdelay $0x1  }
0x9a: {  	s5 =	simm.s32 $_scs_section_size  }
0x9b: {  	s6 =	simm.s32 $_size__tile_overlayer_lowered;
	s7 =	simm.s32 $_tile_overlayer_lowered  }
0x9c: {  	s22 =	simm.s32 $0x1BFF;
	s21 =	sshll.u32 s7, $0x1;
	s4 =	sadd.s32 s5, s19  }
0x9d: {  	s8 =	simm.s32 $0x0;
	s20 =	sshll.u32 s6, $0x1;
	s6 =	sadd.s32 s21, s4  }
0x9e: {  	[timem:s8], [sflag:s22] =	dma.local [hbm:s6], s20  }
0x9f: {  	_ =	swait.ge [sflag:s22], s20  }
0xa0: {  	s5 =	ssub.s32 $0x0, s20;
	[sflag:s22] =	ssyncset.done $0x0  }
0xa1: {  	[sflag:s22] =	ssyncadd.s32 s5;
	_ =	sdelay $0x1  }
0xa2: {  	s23 =	simm.s32 $0x1B8B  }
0xa3: {  	_ =	swait.ge [sflag:s23], $0x1  }
0xa4: {  	[sflag:s23] =	ssyncset.done $0x0  }
0xa5: {  	s25 =	simm.s32 $0x1B8E;
	s24 =	sld [smem:$0x3FFE];
	[sflag:s23] =	ssyncadd.s32 $0xFFFFFFFF  }
0xa6: {  	s26 =	simm.s32 $execute0_lowered;
	[smem:$0x3FD2] =	sst s25  }
0xa7: {  	s6 =	sshll.u32 s26, $0x1;
	_ =	strace $0x80000046;
	[dreg:$0x1] =	wrdreg $0xFFFFFFFF  }
0xa8: {  	s28 =	simm.s32 $_size_execute0_lowered;
	s4 =	sadd.s32 s4, s6;
	[dreg:$0x0] =	wrdreg $0x0  }
0xa9: {  	s6 =	sshll.u32 s28, $0x1;
	[dreg:$0x2] =	wrdreg s4  }
0xaa: {  	[dreg:$0x3] =	wrdreg s6  }
0xab: {  	[dreg:$0x4] =	wrdreg $0xC0  }
0xac: {  	_ =	task [dreg:s8], $0x5FFFF  }
0xad: {  	[dreg:$0x1] =	wrdreg $0xFFFFFFFF  }
0xae: {  	[dreg:$0x0] =	wrdreg $0x60  }
0xaf: {  	[dreg:$0x2] =	wrdreg s18  }
0xb0: {  	[dreg:$0x3] =	wrdreg s2  }
0xb1: {  	[dreg:$0x4] =	wrdreg s24  }
0xb2: {  	[dreg:$0x5] =	wrdreg $0xA2000  }
0xb3: {  	[dreg:$0x6] =	wrdreg $0x9  }
0xb4: {  	_ =	task.clear_ibuf [dreg:s8], $0x7FFFF;
	_ =	strace $0x90000046  }
0xb5: {  	s29 =	simm.s32 $0x9;
	_ =	strace $0x80000048  }
0xb6: {  	_ =	swait.ge [sflag:s29], $0x1  }
0xb7: {  	[sflag:s29] =	ssyncadd.s32 $0xFFFFFFFF  }
0xb8: {  	_ =	strace $0x90000048  }
0xb9: {  	_ =	sfence  }
0xba: {  	s30 =	sld [smem:$0x0];
	_ =	sdelay $0x2  }
0xbb: {  	s31 =	sshll.u32 s1, $0xD;
	s1 =	sshrl.u32 s1, $0x2  }
0xbc: {  	s3 =	sand.u32 $0x4000, s31;
	s1 =	sadd.s32 s1, s30  }
0xbd: {  	s0 =	sor.u32 s3, s0;
	s1 =	sshll.u32 s1, $0x11  }
0xbe: {  	s0 =	sor.u32 s1, s0  }
0xbf: {  	s0 =	sadd.s32 $0x8F2B, s0  }
0xc0: {  	[sflag:s0] =	ssyncadd.remote.s32 $0x1  }
0xc1: {  	_ =	sfence.sel $0xFFFF  }
0xc2: {  	[dreg:$0x0] =	wrdreg $0xFFFFFFFF;
	(pc) =	sbr.abs _section_cstart, $3  }
0xc3: {  	[dreg:$0x1] =	wrdreg $0xFFFFFFFF  }
0xc4: {  	_ =	task.clear_ibuf [dreg:s8], $0x2FFFF;
	_ =	strace $0x9FFFFFFF  }
0xc5: {  	(tm) =	ssettm $0x7FFFFFFF  }
tec
execute0_lowered:
.L_overlay_start_1:
0x0: {  	(tag) =	ssettag $0x1  }
0x1: {  	s0 =	rddreg [dreg:$0x0]  }
0x2: {  	s1 =	rddreg [dreg:$0x1]  }
0x3: {  	s3 =	rddreg [dreg:$0x2]  }
0x4: {  	s2 =	rddreg [dreg:$0x3];
	s4 =	srdreg.scid  }
0x5: {  	s21 =	stileid.u32;
	s22 =	simm.s32 $0x5;
	s28 =	simm.s32 $0x7  }
0x6: {  	s29 =	simm.s32 $0x0;
	s11 =	sand.u32 $0x1, s4;
	s13 =	smul.u32 $0x4E000, s21  }
0x7: {  	s4 =	simm.s32 $0x0;
	s7 =	sadd.s32 $0x8400, s3;
	s15 =	smul.u32 $0x2700, s21  }
0x8: {  	s8 =	sadd.s32 $0xF400, s3;
	s17 =	smul.u32 $0x13800, s21;
	s20 =	sadd.s32 $0x124800, s2  }
0x9: {  	p0 =	seq.s32 s21, $0xF;
	s5 =	sshll.u32 s11, $0x4;
	[smem:$0x7FF] =	sst s4  }
0xa: {  	s10 =	ssub.s32 $0x2, s11;
	s11 =	smul.u32 $0x138800, s11;
	_ =	strace $0x80000047  }
0xb: {  	s12 =	sor.u32 s21, s5;
	s5 =	sadd.s32 $0x1400, s3;
	s3 =	sadd.s32 $0x217400, s3  }
0xc: {  	s14 =	sshrl.u32 s10, $0x1;
	s13 =	sshrl.u32 s13, $0x2;
	s26 =	sadd.s32 s0, s15  }
0xd: {  	s0 =	sadd.s32 $0x24900, s0;
	s21 =	sshrl.u32 @p0 s20, $0x3;
	s6 =	smul.u32 $0x1040, s12  }
0xe: {  	s9 =	smul.u32 $0x1C00, s12;
	s19 =	ssub.s32 s10, s14;
	[dreg:$0x7] =	wrdreg s26  }
0xf: {  	s13 =	sadd.s32 s13, s2;
	s12 =	smul.u32 $0x10400, s12;
	[dreg:$0x8] =	wrdreg s0  }
0x10: {  	s30 =	sadd.s32 s17, s11;
	s11 =	sshrl.u32 s11, $0x3;
	[dreg:$0x6] =	wrdreg s13  }
0x11: {  	s0 =	sshrl.u32 s30, $0x3;
	s31 =	sadd.s32 s3, s11;
	s16 =	sshrl.u32 s9, $0x3  }
0x12: {  	s19 =	smax.u32 s19, $0x1;
	s15 =	sadd.s32 s8, s12;
	s10 =	sadd.s32 s5, s16  }
0x13: {  	s17 =	sadd.s32 s3, s0;
	s18 =	sadd.s32 $0x24900, s31;
	s25 =	sadd.s32 $0x10, s10  }
0x14: {  	s16 =	sadd.s32 s7, s16;
	[dreg:$0x5] =	wrdreg s25;
	s25 =	simm.s32 $0x50  }
.LBB2_1:
0x15: {  	[tilespmem:s4], [sflag:$0x5] =	stream.linear.gather [hbm4b:s10+s4], $0x80, $0x38;
	[tilespmem:$0x1DA80] =	vst v63  }
0x16: {  	s0 =	rddreg [dreg:$0x5];
	s3 =	simm.s32 $0x80  }
0x17: {  	[tilespmem:s3], [sflag:$0x6] =	stream.linear.gather [hbm4b:s0+s4], $0x80, $0x38;
	[tilespmem:$0x1DA80] =	vst v63  }
0x18: {  	s0 =	simm.s32 @p0 $0x1FC7;
	s3 =	rddreg [dreg:$0x8]  }
0x19: {  	[spmem:s21], [sflag:s0] =	dma.local @p0 [hbm:s3], $0x2800  }
0x1a: {  	s0 =	simm.s32 @p0 $0x7  }
0x1b: {  	_ =	swait.ge @p0 [sflag:s0], $0x2800  }
0x1c: {  	s3 =	stileid.u32;
	[sflag:s0] =	ssyncset.done @p0 $0x0  }
0x1d: {  	s3 =	sshll.u32 @!p0 s3, $0x6;
	[sflag:s0] =	ssyncadd.s32 @p0 $0xFFFFD800;
	s0 =	rddreg [dreg:$0x6]  }
0x1e: {  	s30 =	sor.u32 @!p0 $0x1C07, s3;
	s31 =	sshrl.u32 @!p0 s0, $0x3;
	s0 =	rddreg [dreg:$0x7]  }
0x1f: {  	[spmem:s31], [sflag:s30] =	dma.local @!p0 [hbm:s0], $0x2700  }
0x20: {  	s0 =	simm.s32 @!p0 $0x7  }
0x21: {  	_ =	swait.ge @!p0 [sflag:s0], $0x2700  }
0x22: {  	[sflag:s0] =	ssyncset.done @!p0 $0x0  }
0x23: {  	[sflag:s0] =	ssyncadd.s32 @!p0 $0xFFFFD900  }
0x24: {  	[bflag:$0x0] =	sbarrier.arrive $0xFFFF  }
0x25: {  	_ =	swait.ge [sflag:s22], $0x80  }
0x26: {  	[sflag:s22] =	ssyncset.done $0x0  }
0x27: {  	s23 =	simm.s32 $0x5200;
	[sflag:s22] =	ssyncadd.s32 $0xFFFFFF80  }
0x28: {  	[tilespmem:s23], [sflag:$0x3] =	stream.linear.gather [hbm4b:s15+s4], $0x2800, $0x38;
	[tilespmem:$0x1DA80] =	vst v63  }
0x29: {  	s24 =	simm.s32 $0x100  }
0x2a: {  	[tilespmem:s24], [sflag:$0x3] =	stream.linear.gather [hbm4b:s16+s4], $0x80, $0x38;
	[tilespmem:$0x1DA80] =	vst v63  }
0x2b: {  	s26 =	simm.s32 $0x200;
	p1 =	por $0x0, $0x0;
	s0 =	simm.s32 $0x0  }
0x2c: {  	[tilespmem:s26], [sflag:$0x1] =	stream.indirect.gather [hbm4b:s1+s25], $0x80, s4, s25, $0xb8;
	[tilespmem:$0x1DA80] =	vst v63  }
.LBB2_2:
0x2d: {  	s11 =	smov.u32 s0  }
0x2e: {  	s3 =	sand.u32 $0x1, s0;
	s0 =	sadd.s32 $0x1, s0;
	p2 =	seq.s32 s11, $0x33  }
0x2f: {  	s12 =	sxor.u32 @!p2 $0x1, s3;
	s20 =	sshll.u32 @!p2 s0, $0x7;
	s26 =	smul.u32 @!p2 $0x50, s0  }
0x30: {  	s23 =	sadd.s32 @!p2 $0x5, s12;
	s24 =	sand.u32 @!p2 $0x3C00, s20;
	s20 =	sand.u32 @!p2 $0x380, s20  }
0x31: {  	s24 =	sadd.s32 @!p2 s9, s24;
	_ =	swait.ge @!p2 [sflag:s23], $0x80;
	s26 =	sadd.s32 @!p2 s6, s26  }
0x32: {  	s20 =	sor.u32 @!p2 s20, s24;
	[sflag:s23] =	ssyncset.done @!p2 $0x0;
	s24 =	smul.u32 @!p2 $0x2800, s12  }
0x33: {  	s14 =	simm.s32 @!p2 $0x0;
	s26 =	sshll.u32 @!p2 s26, $0x4;
	[sflag:s23] =	ssyncadd.s32 @!p2 $0xFFFFFF80  }
0x34: {  	s23 =	sadd.s32 @!p2 $0x3, s12;
	s26 =	sadd.s32 @!p2 s8, s26;
	s13 =	sadd.s32 @!p2 $0x5200, s24  }
0x35: {  	[tilespmem:s13], [sflag:s23] =	stream.linear.gather @!p2 [hbm4b:s26+s14], $0x2800, $0x38;
	[tilespmem:$0x1DA80] =	vst v63  }
0x36: {  	s20 =	sshrl.u32 @!p2 s20, $0x3;
	s13 =	sshll.u32 @!p2 s12, $0x7  }
0x37: {  	s20 =	sadd.s32 @!p2 s7, s20;
	s12 =	sadd.s32 @!p2 $0x1, s12;
	s26 =	sor.u32 @!p2 $0x100, s13  }
0x38: {  	[tilespmem:s26], [sflag:s23] =	stream.linear.gather @!p2 [hbm4b:s20+s14], $0x80, $0x38;
	[tilespmem:$0x1DA80] =	vst v63  }
0x39: {  	s14 =	sor.u32 @!p2 $0x200, s24;
	s20 =	simm.s32 @!p2 $0x50;
	s24 =	sadd.s32 $0x3, s3  }
0x3a: {  	[tilespmem:s14], [sflag:s12] =	stream.indirect.gather @!p2 [hbm4b:s1+s20], $0x80, s13, s20, $0xb8;
	[tilespmem:$0x1DA80] =	vst v63  }
0x3b: {  	s26 =	sadd.s32 $0x1, s3;
	s13 =	simm.s32 $0x1;
	_ =	swait.ge [sflag:s24], $0x2800  }
0x3c: {  	p2 =	sgt.u32 s11, $0x31;
	s13 =	simm.s32 @!p1 $0x0;
	[sflag:s24] =	ssyncset.done $0x0  }
0x3d: {  	s11 =	sshll.u32 @!p2 s11, $0x7;
	s23 =	simm.s32 @!p2 $0x0;
	[sflag:s24] =	ssyncadd.s32 $0xFFFFD800  }
0x3e: {  	s13 =	smul.u32 $0xA000, s13;
	s11 =	sadd.s32 @!p2 $0x100, s11;
	_ =	swait.ge [sflag:s24], $0x80  }
0x3f: {  	s14 =	sand.u32 @!p2 $0x3C00, s11;
	s11 =	sand.u32 @!p2 $0x380, s11;
	[sflag:s24] =	ssyncset.done $0x0  }
0x40: {  	s13 =	sshrl.u32 s13, $0x2;
	s14 =	sadd.s32 @!p2 s9, s14;
	[sflag:s24] =	ssyncadd.s32 $0xFFFFFF80  }
0x41: {  	s20 =	sor.u32 $0x300, s13;
	s14 =	sor.u32 @!p2 s11, s14;
	_ =	swait.ge [sflag:s26], $0x2800  }
0x42: {  	s11 =	sshll.u32 s3, $0x7;
	s12 =	sshrl.u32 @!p2 s14, $0x3;
	[sflag:s26] =	ssyncset.done $0x0  }
0x43: {  	s14 =	sadd.s32 @!p2 $0x5, s3;
	s12 =	sadd.s32 @!p2 s5, s12;
	[sflag:s26] =	ssyncadd.s32 $0xFFFFD800  }
0x44: {  	[tilespmem:s11], [sflag:s14] =	stream.linear.gather @!p2 [hbm4b:s12+s23], $0x80, $0x38;
	[tilespmem:$0x1DA80] =	vst v63  }
0x45: {  	s12 =	sadd.s32 $0x5300, s13;
	v0 =	vld [tilespmem:s20+$0x80]  }
0x46: {  	v1 =	vld [tilespmem:s12+$0x80]  }
0x47: {  	v2 =	vld [tilespmem:s12+$0xFFFFFF00]  }
0x48: {  	v3 =	vld [tilespmem:s20+$0xFFFFFF80]  }
0x49: {  	v4 =	vld [tilespmem:s12+$0xFFFFFF80]  }
0x4a: {  	v5 =	vld [tilespmem:s12+$0x0]  }
0x4b: {  	v0 =	vadd.f32 v1, v0;
	v1 =	vld [tilespmem:s20+$0x0]  }
0x4c: {  	v6 =	vld [tilespmem:s20+$0xFFFFFF00]  }
0x4d: {  	v0 =	vmax.f32 v0, $0.0e+00  }
0x4e: {  	v3 =	vadd.f32 v4, v3;
	[tilespmem:s20+$0x80] =	vst v0;
	v0 =	vld [tilespmem:s20+$0x90]  }
0x4f: {  	v7 =	vld [tilespmem:s12+$0x90]  }
0x50: {  	v8 =	vld [tilespmem:s20+$0xFFFFFF90];
	v3 =	vmax.f32 v3, $0.0e+00;
	v1 =	vadd.f32 v5, v1  }
0x51: {  	v4 =	vld [tilespmem:s20+$0xFFFFFF10];
	v2 =	vadd.f32 v2, v6;
	[tilespmem:s20+$0xFFFFFF80] =	vst v3  }
0x52: {  	v5 =	vld [tilespmem:s12+$0xFFFFFF90];
	v1 =	vmax.f32 v1, $0.0e+00  }
0x53: {  	v2 =	vmax.f32 v2, $0.0e+00;
	v3 =	vld [tilespmem:s20+$0x10];
	[tilespmem:s20+$0x0] =	vst v1  }
0x54: {  	[tilespmem:s20+$0xFFFFFF00] =	vst v2;
	v0 =	vadd.f32 v7, v0;
	v1 =	vld [tilespmem:s12+$0x10]  }
0x55: {  	v2 =	vld [tilespmem:s12+$0xFFFFFF10]  }
0x56: {  	v0 =	vmax.f32 v0, $0.0e+00  }
0x57: {  	v5 =	vadd.f32 v5, v8;
	[tilespmem:s20+$0x90] =	vst v0;
	v0 =	vld [tilespmem:s20+$0xA0]  }
0x58: {  	v7 =	vld [tilespmem:s12+$0xA0]  }
0x59: {  	v6 =	vld [tilespmem:s20+$0xFFFFFF20];
	v5 =	vmax.f32 v5, $0.0e+00;
	v1 =	vadd.f32 v1, v3  }
0x5a: {  	v2 =	vadd.f32 v2, v4;
	v8 =	vld [tilespmem:s20+$0xFFFFFFA0];
	[tilespmem:s20+$0xFFFFFF90] =	vst v5  }
0x5b: {  	v4 =	vld [tilespmem:s12+$0xFFFFFFA0];
	v1 =	vmax.f32 v1, $0.0e+00  }
0x5c: {  	v2 =	vmax.f32 v2, $0.0e+00;
	v3 =	vld [tilespmem:s20+$0x20];
	[tilespmem:s20+$0x10] =	vst v1  }
0x5d: {  	[tilespmem:s20+$0xFFFFFF10] =	vst v2;
	v0 =	vadd.f32 v7, v0;
	v1 =	vld [tilespmem:s12+$0x20]  }
0x5e: {  	v2 =	vld [tilespmem:s12+$0xFFFFFF20]  }
0x5f: {  	v0 =	vmax.f32 v0, $0.0e+00  }
0x60: {  	v4 =	vadd.f32 v4, v8;
	[tilespmem:s20+$0xA0] =	vst v0;
	v0 =	vld [tilespmem:s20+$0xB0]  }
0x61: {  	v7 =	vld [tilespmem:s12+$0xB0]  }
0x62: {  	v9 =	vld [tilespmem:s20+$0x30];
	v4 =	vmax.f32 v4, $0.0e+00;
	v1 =	vadd.f32 v1, v3  }
0x63: {  	v2 =	vadd.f32 v2, v6;
	v8 =	vld [tilespmem:s20+$0xFFFFFFB0];
	[tilespmem:s20+$0xFFFFFFA0] =	vst v4  }
0x64: {  	v3 =	vld [tilespmem:s12+$0xFFFFFFB0];
	v1 =	vmax.f32 v1, $0.0e+00  }
0x65: {  	v5 =	vld [tilespmem:s20+$0xFFFFFF30];
	[tilespmem:s20+$0x20] =	vst v1;
	v1 =	vmax.f32 v2, $0.0e+00  }
0x66: {  	v0 =	vadd.f32 v7, v0;
	[tilespmem:s20+$0xFFFFFF20] =	vst v1;
	v1 =	vld [tilespmem:s12+$0x30]  }
0x67: {  	v6 =	vld [tilespmem:s12+$0xFFFFFF30]  }
0x68: {  	v10 =	vld [tilespmem:s20+$0xFFFFFF40];
	v0 =	vmax.f32 v0, $0.0e+00  }
0x69: {  	v3 =	vadd.f32 v3, v8;
	[tilespmem:s20+$0xB0] =	vst v0;
	v0 =	vld [tilespmem:s20+$0xC0]  }
0x6a: {  	v7 =	vld [tilespmem:s12+$0xC0]  }
0x6b: {  	v11 =	vld [tilespmem:s20+$0xFFFFFFD0];
	v3 =	vmax.f32 v3, $0.0e+00;
	v1 =	vadd.f32 v1, v9  }
0x6c: {  	v4 =	vld [tilespmem:s20+$0xFFFFFFC0];
	[tilespmem:s20+$0xFFFFFFB0] =	vst v3;
	v5 =	vadd.f32 v6, v5  }
0x6d: {  	v6 =	vld [tilespmem:s12+$0xFFFFFFC0];
	v1 =	vmax.f32 v1, $0.0e+00  }
0x6e: {  	v2 =	vld [tilespmem:s20+$0x40];
	[tilespmem:s20+$0x30] =	vst v1;
	v1 =	vmax.f32 v5, $0.0e+00  }
0x6f: {  	v0 =	vadd.f32 v7, v0;
	v5 =	vld [tilespmem:s12+$0x40];
	[tilespmem:s20+$0xFFFFFF30] =	vst v1  }
0x70: {  	v1 =	vld [tilespmem:s12+$0xFFFFFF40]  }
0x71: {  	v8 =	vld [tilespmem:s20+$0xFFFFFF50];
	v0 =	vmax.f32 v0, $0.0e+00  }
0x72: {  	[tilespmem:s20+$0xC0] =	vst v0;
	v0 =	vadd.f32 v6, v4;
	v6 =	vld [tilespmem:s20+$0xD0]  }
0x73: {  	v7 =	vld [tilespmem:s12+$0xD0]  }
0x74: {  	v3 =	vld [tilespmem:s20+$0xFFFFFF60];
	v0 =	vmax.f32 v0, $0.0e+00;
	v2 =	vadd.f32 v5, v2  }
0x75: {  	v9 =	vld [tilespmem:s20+$0x50];
	[tilespmem:s20+$0xFFFFFFC0] =	vst v0;
	v0 =	vadd.f32 v1, v10  }
0x76: {  	v1 =	vld [tilespmem:s12+$0xFFFFFFD0];
	v2 =	vmax.f32 v2, $0.0e+00  }
0x77: {  	v4 =	vld [tilespmem:s20+$0xFFFFFFE0];
	[tilespmem:s20+$0x40] =	vst v2;
	v0 =	vmax.f32 v0, $0.0e+00  }
0x78: {  	v2 =	vld [tilespmem:s12+$0x50];
	v6 =	vadd.f32 v7, v6;
	[tilespmem:s20+$0xFFFFFF40] =	vst v0  }
0x79: {  	v0 =	vld [tilespmem:s12+$0xFFFFFF50]  }
0x7a: {  	v5 =	vld [tilespmem:s20+$0x60];
	v6 =	vmax.f32 v6, $0.0e+00  }
0x7b: {  	v1 =	vadd.f32 v1, v11;
	[tilespmem:s20+$0xD0] =	vst v6;
	v6 =	vld [tilespmem:s20+$0xE0]  }
0x7c: {  	v10 =	vld [tilespmem:s12+$0xE0]  }
0x7d: {  	v1 =	vmax.f32 v1, $0.0e+00;
	v7 =	vadd.f32 v2, v9;
	v2 =	vld [tilespmem:s20+$0xFFFFFF70]  }
0x7e: {  	[tilespmem:s20+$0xFFFFFFD0] =	vst v1;
	v0 =	vadd.f32 v0, v8;
	v1 =	vld [tilespmem:s20+$0xFFFFFFF0]  }
0x7f: {  	v8 =	vmax.f32 v7, $0.0e+00;
	v7 =	vld [tilespmem:s12+$0xFFFFFFE0]  }
0x80: {  	s3 =	smul.u32 $0x2800, s3;
	[tilespmem:s20+$0x50] =	vst v8;
	v8 =	vmax.f32 v0, $0.0e+00;
	v0 =	vld [tilespmem:s20+$0x70]  }
0x81: {  	[tilespmem:s20+$0xFFFFFF50] =	vst v8;
	v8 =	vld [tilespmem:s12+$0x60];
	v6 =	vadd.f32 v10, v6  }
0x82: {  	s24 =	sor.u32 $0x100, s11;
	s26 =	sor.u32 $0x200, s3;
	v9 =	vld [tilespmem:s12+$0xFFFFFF60]  }
0x83: {  	s3 =	simm.s32 $0x0;
	s11 =	sadd.s32 $0x200, s20;
	s23 =	smov.u32 s12;
	v10 =	vmax.f32 v6, $0.0e+00;
	v6 =	vld [tilespmem:s20+$0xF0]  }
.LBB2_3:
0x84: {  	v11 =	vld [tilespmem:s11+$0x80];
	v4 =	vadd.f32 v7, v4;
	[tilespmem:s20+$0xE0] =	vst v10  }
0x85: {  	s23 =	sadd.s32 $0x200, s23;
	v7 =	vld [tilespmem:s12+$0xF0]  }
0x86: {  	s3 =	sadd.s32 $0x4, s3;
	v10 =	vld [tilespmem:s23+$0x80];
	v4 =	vmax.f32 v4, $0.0e+00;
	v5 =	vadd.f32 v8, v5  }
0x87: {  	p2 =	slt.u32 s3, $0x4C;
	v8 =	vld [tilespmem:s23+$0xFFFFFF00];
	v3 =	vadd.f32 v9, v3;
	[tilespmem:s20+$0xFFFFFFE0] =	vst v4  }
0x88: {  	v4 =	vld [tilespmem:s11+$0xFFFFFF80];
	v5 =	vmax.f32 v5, $0.0e+00  }
0x89: {  	v9 =	vld [tilespmem:s23+$0xFFFFFF80];
	v3 =	vmax.f32 v3, $0.0e+00;
	[tilespmem:s20+$0x60] =	vst v5  }
0x8a: {  	v5 =	vld [tilespmem:s11+$0x0];
	[tilespmem:s20+$0xFFFFFF60] =	vst v3;
	v3 =	vadd.f32 v7, v6  }
0x8b: {  	v6 =	vld [tilespmem:s23+$0x0];
	v7 =	vadd.f32 v10, v11  }
0x8c: {  	v10 =	vld [tilespmem:s11+$0xFFFFFF00];
	v3 =	vmax.f32 v3, $0.0e+00  }
0x8d: {  	v11 =	vld [tilespmem:s11+$0xFFFFFF10];
	v7 =	vmax.f32 v7, $0.0e+00;
	[tilespmem:s20+$0xF0] =	vst v3  }
0x8e: {  	v3 =	vadd.f32 v9, v4;
	[tilespmem:s11+$0x80] =	vst v7;
	v4 =	vld [tilespmem:s11+$0x90]  }
0x8f: {  	v7 =	vld [tilespmem:s23+$0x90]  }
0x90: {  	v3 =	vmax.f32 v3, $0.0e+00;
	v9 =	vld [tilespmem:s11+$0xFFFFFF90];
	v5 =	vadd.f32 v6, v5  }
0x91: {  	v6 =	vadd.f32 v8, v10;
	[tilespmem:s11+$0xFFFFFF80] =	vst v3;
	v3 =	vld [tilespmem:s11+$0x10]  }
0x92: {  	v8 =	vld [tilespmem:s23+$0xFFFFFF90];
	v5 =	vmax.f32 v5, $0.0e+00  }
0x93: {  	v6 =	vmax.f32 v6, $0.0e+00;
	v10 =	vld [tilespmem:s11+$0xFFFFFF20];
	[tilespmem:s11+$0x0] =	vst v5  }
0x94: {  	[tilespmem:s11+$0xFFFFFF00] =	vst v6;
	v5 =	vld [tilespmem:s23+$0x10];
	v4 =	vadd.f32 v7, v4  }
0x95: {  	v6 =	vld [tilespmem:s23+$0xFFFFFF10]  }
0x96: {  	v7 =	vld [tilespmem:s11+$0xFFFFFFA0];
	v4 =	vmax.f32 v4, $0.0e+00  }
0x97: {  	v8 =	vadd.f32 v8, v9;
	[tilespmem:s11+$0x90] =	vst v4;
	v4 =	vld [tilespmem:s11+$0xA0]  }
0x98: {  	v9 =	vld [tilespmem:s23+$0xA0]  }
0x99: {  	v8 =	vmax.f32 v8, $0.0e+00;
	v3 =	vadd.f32 v5, v3;
	v5 =	vld [tilespmem:s11+$0x20]  }
0x9a: {  	v6 =	vadd.f32 v6, v11;
	v11 =	vld [tilespmem:s11+$0xFFFFFF30];
	[tilespmem:s11+$0xFFFFFF90] =	vst v8  }
0x9b: {  	v8 =	vld [tilespmem:s23+$0xFFFFFFA0];
	v3 =	vmax.f32 v3, $0.0e+00  }
0x9c: {  	v6 =	vmax.f32 v6, $0.0e+00;
	v12 =	vld [tilespmem:s11+$0xFFFFFFB0];
	[tilespmem:s11+$0x10] =	vst v3  }
0x9d: {  	[tilespmem:s11+$0xFFFFFF10] =	vst v6;
	v3 =	vld [tilespmem:s23+$0x20];
	v4 =	vadd.f32 v9, v4  }
0x9e: {  	v6 =	vld [tilespmem:s23+$0xFFFFFF20]  }
0x9f: {  	v9 =	vld [tilespmem:s11+$0x30];
	v4 =	vmax.f32 v4, $0.0e+00  }
0xa0: {  	v7 =	vadd.f32 v8, v7;
	[tilespmem:s11+$0xA0] =	vst v4;
	v4 =	vld [tilespmem:s11+$0xB0]  }
0xa1: {  	v8 =	vld [tilespmem:s23+$0xB0]  }
0xa2: {  	v13 =	vld [tilespmem:s11+$0xFFFFFF40];
	v7 =	vmax.f32 v7, $0.0e+00;
	v3 =	vadd.f32 v3, v5  }
0xa3: {  	v5 =	vadd.f32 v6, v10;
	[tilespmem:s11+$0xFFFFFFA0] =	vst v7;
	v6 =	vld [tilespmem:s11+$0xFFFFFFC0]  }
0xa4: {  	v7 =	vld [tilespmem:s23+$0xFFFFFFB0];
	v3 =	vmax.f32 v3, $0.0e+00  }
0xa5: {  	v5 =	vmax.f32 v5, $0.0e+00;
	[tilespmem:s11+$0x20] =	vst v3;
	v10 =	vld [tilespmem:s11+$0x40]  }
0xa6: {  	[tilespmem:s11+$0xFFFFFF20] =	vst v5;
	v3 =	vld [tilespmem:s23+$0x30];
	v4 =	vadd.f32 v8, v4  }
0xa7: {  	v5 =	vld [tilespmem:s23+$0xFFFFFF30]  }
0xa8: {  	v8 =	vld [tilespmem:s11+$0xFFFFFF50];
	v4 =	vmax.f32 v4, $0.0e+00  }
0xa9: {  	v7 =	vadd.f32 v7, v12;
	[tilespmem:s11+$0xB0] =	vst v4;
	v4 =	vld [tilespmem:s11+$0xC0]  }
0xaa: {  	v12 =	vld [tilespmem:s23+$0xC0]  }
0xab: {  	v7 =	vmax.f32 v7, $0.0e+00;
	v14 =	vld [tilespmem:s11+$0xFFFFFFD0];
	v3 =	vadd.f32 v3, v9  }
0xac: {  	v5 =	vadd.f32 v5, v11;
	[tilespmem:s11+$0xFFFFFFB0] =	vst v7;
	v7 =	vld [tilespmem:s11+$0x50]  }
0xad: {  	v9 =	vld [tilespmem:s23+$0xFFFFFFC0];
	v11 =	vmax.f32 v3, $0.0e+00  }
0xae: {  	v5 =	vmax.f32 v5, $0.0e+00;
	v3 =	vld [tilespmem:s11+$0xFFFFFF60];
	[tilespmem:s11+$0x30] =	vst v11  }
0xaf: {  	[tilespmem:s11+$0xFFFFFF30] =	vst v5;
	v5 =	vld [tilespmem:s23+$0x40];
	v11 =	vadd.f32 v12, v4  }
0xb0: {  	v12 =	vld [tilespmem:s23+$0xFFFFFF40]  }
0xb1: {  	v4 =	vld [tilespmem:s11+$0xFFFFFFE0];
	v11 =	vmax.f32 v11, $0.0e+00  }
0xb2: {  	v6 =	vadd.f32 v9, v6;
	[tilespmem:s11+$0xC0] =	vst v11;
	v9 =	vld [tilespmem:s11+$0xD0]  }
0xb3: {  	v11 =	vld [tilespmem:s23+$0xD0]  }
0xb4: {  	v6 =	vmax.f32 v6, $0.0e+00;
	v10 =	vadd.f32 v5, v10;
	v5 =	vld [tilespmem:s11+$0x60]  }
0xb5: {  	v12 =	vadd.f32 v12, v13;
	[tilespmem:s11+$0xFFFFFFC0] =	vst v6;
	v6 =	vld [tilespmem:s12+$0xFFFFFF70]  }
0xb6: {  	v13 =	vld [tilespmem:s23+$0xFFFFFFD0];
	v10 =	vmax.f32 v10, $0.0e+00  }
0xb7: {  	v12 =	vmax.f32 v12, $0.0e+00;
	[tilespmem:s11+$0x40] =	vst v10;
	v10 =	vld [tilespmem:s12+$0xFFFFFFF0]  }
0xb8: {  	[tilespmem:s11+$0xFFFFFF40] =	vst v12;
	v12 =	vld [tilespmem:s23+$0x50];
	v9 =	vadd.f32 v11, v9  }
0xb9: {  	v11 =	vld [tilespmem:s23+$0xFFFFFF50]  }
0xba: {  	v9 =	vmax.f32 v9, $0.0e+00;
	v2 =	vadd.f32 v6, v2;
	v6 =	vld [tilespmem:s12+$0x70];
	s12 =	smov.u32 s23  }
0xbb: {  	v13 =	vadd.f32 v13, v14;
	[tilespmem:s11+$0xD0] =	vst v9;
	v9 =	vld [tilespmem:s11+$0xE0]  }
0xbc: {  	v14 =	vld [tilespmem:s23+$0xE0];
	v15 =	vmax.f32 v2, $0.0e+00;
	v10 =	vadd.f32 v10, v1  }
0xbd: {  	v2 =	vld [tilespmem:s11+$0xFFFFFF70];
	v1 =	vmax.f32 v13, $0.0e+00;
	v12 =	vadd.f32 v12, v7;
	[tilespmem:s20+$0xFFFFFF70] =	vst v15  }
0xbe: {  	v8 =	vadd.f32 v11, v8;
	[tilespmem:s11+$0xFFFFFFD0] =	vst v1;
	v1 =	vld [tilespmem:s11+$0xFFFFFFF0];
	v10 =	vmax.f32 v10, $0.0e+00  }
.Ltmp0:
0xbf: {  	v7 =	vld [tilespmem:s23+$0xFFFFFFE0];
	v11 =	vmax.f32 v12, $0.0e+00;
	[tilespmem:s20+$0xFFFFFFF0] =	vst v10;
	v6 =	vadd.f32 v6, v0;
	(pc) =	sbr.rel @p2 .LBB2_3-.Ltmp0, $4  }
0xc0: {  	v8 =	vmax.f32 v8, $0.0e+00;
	[tilespmem:s11+$0x50] =	vst v11;
	v0 =	vld [tilespmem:s11+$0x70]  }
0xc1: {  	[tilespmem:s11+$0xFFFFFF50] =	vst v8;
	v8 =	vld [tilespmem:s23+$0x60];
	v10 =	vadd.f32 v14, v9;
	v6 =	vmax.f32 v6, $0.0e+00  }
0xc2: {  	v9 =	vld [tilespmem:s23+$0xFFFFFF60];
	[tilespmem:s20+$0x70] =	vst v6;
	s20 =	smov.u32 s11  }
0xc3: {  	s11 =	sadd.s32 $0x200, s11;
	v10 =	vmax.f32 v10, $0.0e+00;
	v6 =	vld [tilespmem:s20+$0xF0]  }
0xc4: {  	_ = 	snop  }
0xc5: {  	v4 =	vadd.f32 v7, v4  }
0xc6: {  	v5 =	vadd.f32 v8, v5  }
0xc7: {  	[tilespmem:s20+$0xE0] =	vst v10;
	v4 =	vmax.f32 v4, $0.0e+00;
	v3 =	vadd.f32 v9, v3  }
0xc8: {  	v58 =	vld [tilespmem:s12+$0xF0];
	[tilespmem:s20+$0xFFFFFFE0] =	vst v4;
	v59 =	vmax.f32 v5, $0.0e+00  }
0xc9: {  	v61 =	vld [tilespmem:s12+$0xFFFFFFF0];
	v3 =	vmax.f32 v3, $0.0e+00;
	[tilespmem:s20+$0x60] =	vst v59  }
0xca: {  	[tilespmem:s20+$0xFFFFFF60] =	vst v3;
	v62 =	vld [tilespmem:s12+$0x70]  }
0xcb: {  	v60 =	vld [tilespmem:s12+$0xFFFFFF70];
	_ =	sdelay $0x1  }
0xcc: {  	v6 =	vadd.f32 v58, v6  }
0xcd: {  	v1 =	vadd.f32 v61, v1  }
0xce: {  	v63 =	vmax.f32 v6, $0.0e+00;
	v0 =	vadd.f32 v62, v0  }
0xcf: {  	[tilespmem:s20+$0xF0] =	vst v63;
	v1 =	vmax.f32 v1, $0.0e+00;
	v2 =	vadd.f32 v60, v2  }
0xd0: {  	[tilespmem:s20+$0xFFFFFFF0] =	vst v1;
	v0 =	vmax.f32 v0, $0.0e+00  }
0xd1: {  	p2 =	sne.s32 s0, $0x34;
	v2 =	vmax.f32 v2, $0.0e+00;
	[tilespmem:s20+$0x70] =	vst v0  }
.Ltmp1:
0xd2: {  	[tilespmem:s20+$0xFFFFFF70] =	vst v2;
	(pc) =	sbr.rel @p2 .LBB2_2-.Ltmp1, $4  }
0xd3: {  	[spmem:s2] =	stream.indirect.scatter.add.f32 [tilespmem:s26], [sflag:$0x7], $0x80, s24, s25, $0xb8;
	[tilespmem:$0x1DA80] =	vst v63  }
0xd4: {  	_ =	swait.ge [sflag:s28], $0x2800  }
0xd5: {  	[sflag:s28] =	ssyncset.done $0x0  }
0xd6: {  	p1 =	por !p1, !p1;
	[sflag:s28] =	ssyncadd.s32 $0xFFFFD800  }
0xd7: {  	[bflag:$0x0] =	sbarrier.arrive $0xFFFF;
	s0 =	simm.s32 @p0 $0x1FC7  }
0xd8: {  	[hbm:s18], [sflag:s0] =	dma.local @p0 [spmem:s21], $0x2800  }
0xd9: {  	s0 =	simm.s32 @p0 $0x7  }
0xda: {  	s29 =	sadd.s32 $0x1, s29;
	_ =	swait.ge @p0 [sflag:s0], $0x2800  }
0xdb: {  	p1 =	sne.s32 s29, s19;
	[sflag:s0] =	ssyncset.done @p0 $0x0  }
.Ltmp2:
0xdc: {  	[sflag:s0] =	ssyncadd.s32 @p0 $0xFFFFD800;
	s0 =	simm.s32 @!p0 $0x7;
	(pc) =	sbr.rel @p1 .LBB2_1-.Ltmp2, $4  }
0xdd: {  	[hbm:s17], [sflag:s30] =	dma.local @!p0 [spmem:s31], $0x2700  }
0xde: {  	_ =	swait.ge @!p0 [sflag:s0], $0x2700  }
0xdf: {  	[sflag:s0] =	ssyncset.done @!p0 $0x0  }
0xe0: {  	[sflag:s0] =	ssyncadd.s32 @!p0 $0xFFFFD900  }
0xe1: {  	_ =	sfence.sel $0x180000  }
0xe2: {  	[bflag:$0x0] =	sbarrier.arrive $0xFFFF  }
0xe3: {  	_ =	strace $0x90000047  }
0xe4: {  	s0 =	stileid.u32;
	[bflag:$0x2] =	sbarrier.arrive $0xFFFF  }
0xe5: {  	p0 =	sne.s32 s0, $0x0;
	s0 =	rddreg [dreg:$0x4]  }
0xe6: {  	s0 =	sadd.s32 @!p0 $0x100000, s0  }
0xe7: {  	[sflag:s0] =	ssyncadd.tile.s32 @!p0 $0x1;
	_ =	shalt  }
.Lfunc_end2:
_tile_overlayer_lowered:
.L_overlay_start_2:
0xe8: {  	(tag) =	ssettag $0x2  }
0xe9: {  	s0 =	rddreg [dreg:$0x0];
	s2 =	stileid.u32  }
0xea: {  	s1 =	rddreg [dreg:$0x1];
	p0 =	sne.s32 s2, $0x0  }
0xeb: {  	s3 =	rddreg [dreg:$0x2];
	[bflag:$0x3] =	sbarrier.arrive $0xFFFF;
	s2 =	simm.s32 @!p0 $0x1C07  }
0xec: {  	[timem:s3], [sflag:s2] =	dma.local @!p0 [hbm:s0], s1  }
0xed: {  	s0 =	simm.s32 @!p0 $0x7  }
0xee: {  	_ =	swait.ge @!p0 [sflag:s0], s1  }
0xef: {  	s1 =	ssub.s32 @!p0 $0x0, s1;
	[sflag:s0] =	ssyncset.done @!p0 $0x0  }
0xf0: {  	[sflag:s0] =	ssyncadd.s32 @!p0 s1  }
0xf1: {  	[bflag:$0x3] =	sbarrier.arrive $0xFFFF  }
0xf2: {  	_ =	shalt  }

</sc_bundles>
